<compile_context>
chip_gen: v7x
topology: tpu7x:2x2x1
jax: 0.10.2.dev20260603
libtpu: 0.0.44.dev20260713+nightly
codegen_flags: <defaults>
</compile_context>

<pallas_src>
import functools

import jax
import jax.numpy as jnp
import numpy as np
from jax import lax
from jax.experimental import pallas as pl
from jax.experimental.pallas import tpu as pltpu
from jax.experimental.pallas import tpu_sc as plsc

VOCAB = 1000000
EMB = 64
HID = 128
BATCH = 16384
SEQ = 200

_NC, _NS = 2, 16
_NW = _NC * _NS
_BPW = BATCH // _NW
_G = 64
_NG = _BPW // _G
_S0 = 128
_S1 = SEQ - _S0

_PERM = np.zeros(EMB, dtype=np.int32)
for _c in range(EMB):
    _half, _cc = divmod(_c, 32)
    _w = 16 * _half + _cc // 2
    _PERM[_c] = _w + 32 * (_cc % 2)

_Q = 250880
_VP = 4 * _Q
_PB = 2560
_PGRID = _Q // _PB


def _prep_body(e0_ref, e1_ref, e2_ref, e3_ref, o_ref):
    ws = []
    for ref in (e0_ref, e1_ref, e2_ref, e3_ref):
        u = lax.bitcast_convert_type(ref[...], jnp.uint32)
        ws.append((u[32:, :] & jnp.uint32(0xFFFF0000)) | (u[:32, :] >> 16))
    w = jnp.concatenate(ws, axis=0)
    o_ref[...] = jnp.transpose(
        lax.bitcast_convert_type(w, jnp.float32))


def _prep(et):
    last = VOCAB // _PB
    specs = [
        pl.BlockSpec((EMB, _PB), functools.partial(
            lambda q, i: (0, jnp.minimum(i + _PGRID * q, last)), q))
        for q in range(4)
    ]
    return pl.pallas_call(
        _prep_body,
        grid=(_PGRID,),
        in_specs=specs,
        out_specs=pl.BlockSpec((_PB, 128), lambda i: (i, 0)),
        out_shape=jax.ShapeDtypeStruct((_Q, 128), jnp.float32),
    )(et, et, et, et)


_NBUF = 8


def _pool_body(x_hbm, emb_hbm, out_hbm, idx_v, rows, pooled_v, sems):
    wid = lax.axis_index("s") * _NC + lax.axis_index("c")
    base = wid * _BPW

    def copies(e, rows_ref, sem):
        return (
            pltpu.make_async_copy(
                emb_hbm.at[idx_v.at[e, pl.ds(0, _S0)]],
                rows_ref.at[pl.ds(0, _S0), :], sem),
            pltpu.make_async_copy(
                emb_hbm.at[idx_v.at[e, pl.ds(_S0, _S1)]],
                rows_ref.at[pl.ds(_S0, _S1), :], sem),
        )

    def start(e, rows_ref, sem):
        for cp in copies(e, rows_ref, sem):
            cp.start()

    def wait(e, rows_ref, sem):
        for cp in copies(e, rows_ref, sem):
            cp.wait()

    def accum_into(rows_ref, e):
        def body(j, acc):
            return tuple(
                acc[k] + plsc.bitcast(rows_ref[j, pl.ds(16 * k, 16)],
                                      jnp.bfloat16)
                for k in range(2))

        acc = lax.fori_loop(
            0, SEQ, body,
            tuple(jnp.zeros((32,), jnp.bfloat16) for _ in range(2)),
            unroll=8)
        inv = jnp.bfloat16(1.0 / SEQ)
        for k in range(2):
            pooled_v[e, pl.ds(32 * k, 32)] = acc[k] * inv

    def group(gi, carry):
        g0 = base + gi * _G
        pltpu.sync_copy(x_hbm.at[pl.ds(g0, _G), :], idx_v)
        for n in range(_NBUF - 1):
            start(n, rows[n], sems[n])

        def ring(p, c):
            e = _NBUF * p
            start(e + _NBUF - 1, rows[_NBUF - 1], sems[_NBUF - 1])
            for n in range(_NBUF):
                wait(e + n, rows[n], sems[n])
                accum_into(rows[n], e + n)
                if n < _NBUF - 1:
                    @pl.when(p + 1 < _G // _NBUF)
                    def _():
                        start(e + _NBUF + n, rows[n], sems[n])
            return c

        lax.fori_loop(0, _G // _NBUF, ring, 0)
        pltpu.sync_copy(pooled_v, out_hbm.at[pl.ds(g0, _G), :])
        return carry

    lax.fori_loop(0, _NG, group, 0)


_pool = functools.partial(
    pl.kernel,
    mesh=plsc.VectorSubcoreMesh(core_axis_name="c", subcore_axis_name="s"),
    out_type=jax.ShapeDtypeStruct((BATCH, EMB), jnp.bfloat16),
    scratch_types=[
        pltpu.VMEM((_G, SEQ), jnp.int32),
        [pltpu.VMEM((SEQ, 32), jnp.float32)] * _NBUF,
        pltpu.VMEM((_G, EMB), jnp.bfloat16),
        [pltpu.SemaphoreType.DMA] * _NBUF,
    ],
    compiler_params=pltpu.CompilerParams(use_tc_tiling_on_sc=False,
                                         needs_layout_passes=False),
)(_pool_body)


_BBLK = 2048


def _mlp_body(p_ref, w1_ref, b1_ref, w2_ref, b2_ref, o_ref):
    p = p_ref[...].astype(jnp.float32)
    h = jnp.dot(p, w1_ref[...], preferred_element_type=jnp.float32)
    h = jnp.maximum(h + b1_ref[...], 0.0)
    z = jnp.dot(h, w2_ref[...], preferred_element_type=jnp.float32) + b2_ref[...]
    o_ref[...] = 1.0 / (1.0 + jnp.exp(-z))


def _mlp(pooled, W1p, b1, W2, b2):
    return pl.pallas_call(
        _mlp_body,
        grid=(BATCH // _BBLK,),
        in_specs=[
            pl.BlockSpec((_BBLK, EMB), lambda i: (i, 0)),
            pl.BlockSpec((EMB, HID), lambda i: (0, 0)),
            pl.BlockSpec((1, HID), lambda i: (0, 0)),
            pl.BlockSpec((HID, 1), lambda i: (0, 0)),
            pl.BlockSpec((1, 1), lambda i: (0, 0)),
        ],
        out_specs=pl.BlockSpec((_BBLK, 1), lambda i: (i, 0)),
        out_shape=jax.ShapeDtypeStruct((BATCH, 1), jnp.float32),
    )(pooled, W1p, b1.reshape(1, HID), W2, b2.reshape(1, 1))


def kernel(x, emb, W1, b1, W2, b2):
    x32 = x.astype(jnp.int32)
    q = x32 // _Q
    xt = 4 * (x32 - q * _Q) + q
    et, xt = lax.optimization_barrier((emb.T, xt))
    embp = _prep(et).reshape(_VP, 32)
    pooled = _pool(xt, embp)
    return _mlp(pooled, W1[jnp.asarray(_PERM)], b1, W2, b2)

# --- scband reference (transcript-rebuilt; emitter-appended) ---
"""Pipeline reference for scband-simple-classifier-79774722555972 (READ-ONLY COPY).

The authoritative reference and input builder live on the scoring server;
editing this copy changes nothing except your own understanding.
"""

import jax, jax.numpy as jnp
import numpy as np

VOCAB = 1000000
EMB = 64
HID = 128
BATCH = 16384
SEQ = 200


def setup_inputs(seed: int = 0) -> dict:
    key = jax.random.key(seed)
    k1, k2, k3, k4, k5 = jax.random.split(key, 5)
    x = jax.random.randint(k1, (BATCH, SEQ), 0, VOCAB, dtype=jnp.int64 if jax.config.jax_enable_x64 else jnp.int32)
    emb = jax.random.normal(k2, (VOCAB, EMB), dtype=jnp.float32) * 0.02
    W1 = jax.random.normal(k3, (EMB, HID), dtype=jnp.float32) * (1.0 / np.sqrt(EMB))
    b1 = jnp.zeros((HID,), dtype=jnp.float32)
    W2 = jax.random.normal(k4, (HID, 1), dtype=jnp.float32) * (1.0 / np.sqrt(HID))
    b2 = jnp.zeros((1,), dtype=jnp.float32)
    return {"x": x, "emb": emb, "W1": W1, "b1": b1, "W2": W2, "b2": b2}


def reference(x, emb, W1, b1, W2, b2):
    # embedded = self.embedding(x).mean(dim=1)
    embedded = jnp.take(emb, x, axis=0).mean(axis=1)
    # hidden = torch.relu(self.fc(embedded))
    hidden = jax.nn.relu(embedded @ W1 + b1)
    # out = self.sigmoid(self.output(hidden))
    out = jax.nn.sigmoid(hidden @ W2 + b2)
    return out

if __name__ == "__main__":
    import jax
    _d = setup_inputs()
    print(jax.jit(kernel)(*tuple(_d.values())))

</pallas_src>

<mosaic_0001>
#map = affine_map<(d0, d1) -> (0, 0)>
module attributes {stable_mosaic.version = 14 : i64} {
  func.func @_pool_body(%arg0: i32, %arg1: i32, %arg2: memref<16384x200xi32, #tpu.memory_space<hbm>>, %arg3: memref<1003520x32xf32, #tpu.memory_space<hbm>>, %arg4: memref<16384x64xbf16, #tpu.memory_space<hbm>>, %arg5: memref<64x200xi32, #tpu.memory_space<vmem>>, %arg6: memref<200x32xf32, #tpu.memory_space<vmem>>, %arg7: memref<200x32xf32, #tpu.memory_space<vmem>>, %arg8: memref<200x32xf32, #tpu.memory_space<vmem>>, %arg9: memref<200x32xf32, #tpu.memory_space<vmem>>, %arg10: memref<200x32xf32, #tpu.memory_space<vmem>>, %arg11: memref<200x32xf32, #tpu.memory_space<vmem>>, %arg12: memref<200x32xf32, #tpu.memory_space<vmem>>, %arg13: memref<200x32xf32, #tpu.memory_space<vmem>>, %arg14: memref<64x64xbf16, #tpu.memory_space<vmem>>, %arg15: memref<!tpu.dma_semaphore, #tpu.memory_space<semaphore_mem>>, %arg16: memref<!tpu.dma_semaphore, #tpu.memory_space<semaphore_mem>>, %arg17: memref<!tpu.dma_semaphore, #tpu.memory_space<semaphore_mem>>, %arg18: memref<!tpu.dma_semaphore, #tpu.memory_space<semaphore_mem>>, %arg19: memref<!tpu.dma_semaphore, #tpu.memory_space<semaphore_mem>>, %arg20: memref<!tpu.dma_semaphore, #tpu.memory_space<semaphore_mem>>, %arg21: memref<!tpu.dma_semaphore, #tpu.memory_space<semaphore_mem>>, %arg22: memref<!tpu.dma_semaphore, #tpu.memory_space<semaphore_mem>>) attributes {dimension_semantics = [#tpu.dimension_semantics<core_parallel>, #tpu.dimension_semantics<subcore_parallel>], iteration_bounds = array<i64: 2, 16>, scalar_prefetch = 0 : i64, scratch_operands = 18 : i64, tpu.core_type = #tpu.core_type<sc_vector_subcore>, window_params = [{transform_indices = #map}, {transform_indices = #map}, {transform_indices = #map}]} {
    %mul3A = arith.constant 2 : i32
    %mul3A_0 = arith.muli %arg1, %mul3A : i32
    %add3A = arith.addi %mul3A_0, %arg0 : i32
    %mul3A_1 = arith.constant 512 : i32
    %mul3A_2 = arith.muli %add3A, %mul3A_1 : i32
    %scan3A = arith.constant 0 : i32
    %scan3A_3 = arith.constant 0 : i32
    %scan3A_4 = arith.constant 8 : i32
    %scan3A_5 = arith.addi %scan3A_3, %scan3A_4 : i32
    %scan3A_6 = arith.constant 1 : i32
    scf.for %scan3A_8 = %scan3A_3 to %scan3A_5 step %scan3A_6  : i32 {
      %mul3A_9 = arith.constant 64 : i32
      %mul3A_10 = arith.muli %scan3A_8, %mul3A_9 : i32
      %add3A_11 = arith.addi %mul3A_2, %mul3A_10 : i32
      "tpu.region"() ({
        %run_scoped3A = tpu.sem_alloc : memref<!tpu.dma_semaphore, #tpu.memory_space<semaphore_mem>>
        %dma_start3A_157 = arith.constant 0 : i32
        %dma_start3A_158 = tpu.memref_slice %arg2[%add3A_11, %dma_start3A_157] : memref<16384x200xi32, #tpu.memory_space<hbm>> -> memref<64x200xi32, #tpu.memory_space<hbm>>
        %dma_start3A_159 = arith.constant 0 : i32
        %dma_start3A_160 = tpu.memref_slice %arg2[%add3A_11, %dma_start3A_159] : memref<16384x200xi32, #tpu.memory_space<hbm>> -> memref<64x200xi32, #tpu.memory_space<hbm>>
        tpu.enqueue_dma source(%dma_start3A_160 : memref<64x200xi32, #tpu.memory_space<hbm>>) target(%arg5 : memref<64x200xi32, #tpu.memory_space<vmem>>) target_semaphore(%run_scoped3A : memref<!tpu.dma_semaphore, #tpu.memory_space<semaphore_mem>>)
        %dma_wait3A = arith.constant 0 : i32
        %dma_wait3A_161 = tpu.memref_slice %arg2[%add3A_11, %dma_wait3A] : memref<16384x200xi32, #tpu.memory_space<hbm>> -> memref<64x200xi32, #tpu.memory_space<hbm>>
        %dma_wait3A_162 = arith.constant 0 : i32
        %dma_wait3A_163 = tpu.memref_slice %arg2[%add3A_11, %dma_wait3A_162] : memref<16384x200xi32, #tpu.memory_space<hbm>> -> memref<64x200xi32, #tpu.memory_space<hbm>>
        tpu.wait_dma2 semaphore(%run_scoped3A : memref<!tpu.dma_semaphore, #tpu.memory_space<semaphore_mem>>) src(%dma_wait3A_163 : memref<64x200xi32, #tpu.memory_space<hbm>>) dst(%arg5 : memref<64x200xi32, #tpu.memory_space<vmem>>)
        tpu.yield
      }) : () -> ()
      %dma_start3A = arith.constant 0 : i32
      %dma_start3A_12 = arith.constant 0 : i32
      %dma_start3A_13 = arith.constant 0 : i32
      %dma_start3A_14 = tpu.memref_slice %arg6[%dma_start3A_12, %dma_start3A_13] : memref<200x32xf32, #tpu.memory_space<vmem>> -> memref<128x32xf32, #tpu.memory_space<vmem>>
      %dma_start3A_15 = arith.constant 0 : i32
      %dma_start3A_16 = tpu.memref_slice %arg5[%dma_start3A, %dma_start3A_15] : memref<64x200xi32, #tpu.memory_space<vmem>> -> memref<1x128xi32, #tpu.memory_space<vmem>>
      %dma_start3A_17 = tpu.memref_squeeze %dma_start3A_16 : memref<1x128xi32, #tpu.memory_space<vmem>> -> memref<128xi32, #tpu.memory_space<vmem>>
      %dma_start3A_18 = arith.constant 0 : i32
      %dma_start3A_19 = arith.constant 0 : i32
      %dma_start3A_20 = tpu.memref_slice %arg3[%dma_start3A_18, %dma_start3A_19] : memref<1003520x32xf32, #tpu.memory_space<hbm>> -> memref<1003520x32xf32, #tpu.memory_space<hbm>>
      tpu.enqueue_indirect_dma source(%dma_start3A_20 : memref<1003520x32xf32, #tpu.memory_space<hbm>>) target(%dma_start3A_14 : memref<128x32xf32, #tpu.memory_space<vmem>>) offsets(%dma_start3A_17 : memref<128xi32, #tpu.memory_space<vmem>>) semaphore(%arg15 : memref<!tpu.dma_semaphore, #tpu.memory_space<semaphore_mem>>)
      %dma_start3A_21 = arith.constant 0 : i32
      %dma_start3A_22 = arith.constant 128 : i32
      %dma_start3A_23 = arith.constant 0 : i32
      %dma_start3A_24 = tpu.memref_slice %arg6[%dma_start3A_22, %dma_start3A_23] : memref<200x32xf32, #tpu.memory_space<vmem>> -> memref<72x32xf32, #tpu.memory_space<vmem>>
      %dma_start3A_25 = arith.constant 128 : i32
      %dma_start3A_26 = tpu.memref_slice %arg5[%dma_start3A_21, %dma_start3A_25] : memref<64x200xi32, #tpu.memory_space<vmem>> -> memref<1x72xi32, #tpu.memory_space<vmem>>
      %dma_start3A_27 = tpu.memref_squeeze %dma_start3A_26 : memref<1x72xi32, #tpu.memory_space<vmem>> -> memref<72xi32, #tpu.memory_space<vmem>>
      %dma_start3A_28 = arith.constant 0 : i32
      %dma_start3A_29 = arith.constant 0 : i32
      %dma_start3A_30 = tpu.memref_slice %arg3[%dma_start3A_28, %dma_start3A_29] : memref<1003520x32xf32, #tpu.memory_space<hbm>> -> memref<1003520x32xf32, #tpu.memory_space<hbm>>
      tpu.enqueue_indirect_dma source(%dma_start3A_30 : memref<1003520x32xf32, #tpu.memory_space<hbm>>) target(%dma_start3A_24 : memref<72x32xf32, #tpu.memory_space<vmem>>) offsets(%dma_start3A_27 : memref<72xi32, #tpu.memory_space<vmem>>) semaphore(%arg15 : memref<!tpu.dma_semaphore, #tpu.memory_space<semaphore_mem>>)
      %dma_start3A_31 = arith.constant 1 : i32
      %dma_start3A_32 = arith.constant 0 : i32
      %dma_start3A_33 = arith.constant 0 : i32
      %dma_start3A_34 = tpu.memref_slice %arg7[%dma_start3A_32, %dma_start3A_33] : memref<200x32xf32, #tpu.memory_space<vmem>> -> memref<128x32xf32, #tpu.memory_space<vmem>>
      %dma_start3A_35 = arith.constant 0 : i32
      %dma_start3A_36 = tpu.memref_slice %arg5[%dma_start3A_31, %dma_start3A_35] : memref<64x200xi32, #tpu.memory_space<vmem>> -> memref<1x128xi32, #tpu.memory_space<vmem>>
      %dma_start3A_37 = tpu.memref_squeeze %dma_start3A_36 : memref<1x128xi32, #tpu.memory_space<vmem>> -> memref<128xi32, #tpu.memory_space<vmem>>
      %dma_start3A_38 = arith.constant 0 : i32
      %dma_start3A_39 = arith.constant 0 : i32
      %dma_start3A_40 = tpu.memref_slice %arg3[%dma_start3A_38, %dma_start3A_39] : memref<1003520x32xf32, #tpu.memory_space<hbm>> -> memref<1003520x32xf32, #tpu.memory_space<hbm>>
      tpu.enqueue_indirect_dma source(%dma_start3A_40 : memref<1003520x32xf32, #tpu.memory_space<hbm>>) target(%dma_start3A_34 : memref<128x32xf32, #tpu.memory_space<vmem>>) offsets(%dma_start3A_37 : memref<128xi32, #tpu.memory_space<vmem>>) semaphore(%arg16 : memref<!tpu.dma_semaphore, #tpu.memory_space<semaphore_mem>>)
      %dma_start3A_41 = arith.constant 1 : i32
      %dma_start3A_42 = arith.constant 128 : i32
      %dma_start3A_43 = arith.constant 0 : i32
      %dma_start3A_44 = tpu.memref_slice %arg7[%dma_start3A_42, %dma_start3A_43] : memref<200x32xf32, #tpu.memory_space<vmem>> -> memref<72x32xf32, #tpu.memory_space<vmem>>
      %dma_start3A_45 = arith.constant 128 : i32
      %dma_start3A_46 = tpu.memref_slice %arg5[%dma_start3A_41, %dma_start3A_45] : memref<64x200xi32, #tpu.memory_space<vmem>> -> memref<1x72xi32, #tpu.memory_space<vmem>>
      %dma_start3A_47 = tpu.memref_squeeze %dma_start3A_46 : memref<1x72xi32, #tpu.memory_space<vmem>> -> memref<72xi32, #tpu.memory_space<vmem>>
      %dma_start3A_48 = arith.constant 0 : i32
      %dma_start3A_49 = arith.constant 0 : i32
      %dma_start3A_50 = tpu.memref_slice %arg3[%dma_start3A_48, %dma_start3A_49] : memref<1003520x32xf32, #tpu.memory_space<hbm>> -> memref<1003520x32xf32, #tpu.memory_space<hbm>>
      tpu.enqueue_indirect_dma source(%dma_start3A_50 : memref<1003520x32xf32, #tpu.memory_space<hbm>>) target(%dma_start3A_44 : memref<72x32xf32, #tpu.memory_space<vmem>>) offsets(%dma_start3A_47 : memref<72xi32, #tpu.memory_space<vmem>>) semaphore(%arg16 : memref<!tpu.dma_semaphore, #tpu.memory_space<semaphore_mem>>)
      %dma_start3A_51 = arith.constant 2 : i32
      %dma_start3A_52 = arith.constant 0 : i32
      %dma_start3A_53 = arith.constant 0 : i32
      %dma_start3A_54 = tpu.memref_slice %arg8[%dma_start3A_52, %dma_start3A_53] : memref<200x32xf32, #tpu.memory_space<vmem>> -> memref<128x32xf32, #tpu.memory_space<vmem>>
      %dma_start3A_55 = arith.constant 0 : i32
      %dma_start3A_56 = tpu.memref_slice %arg5[%dma_start3A_51, %dma_start3A_55] : memref<64x200xi32, #tpu.memory_space<vmem>> -> memref<1x128xi32, #tpu.memory_space<vmem>>
      %dma_start3A_57 = tpu.memref_squeeze %dma_start3A_56 : memref<1x128xi32, #tpu.memory_space<vmem>> -> memref<128xi32, #tpu.memory_space<vmem>>
      %dma_start3A_58 = arith.constant 0 : i32
      %dma_start3A_59 = arith.constant 0 : i32
      %dma_start3A_60 = tpu.memref_slice %arg3[%dma_start3A_58, %dma_start3A_59] : memref<1003520x32xf32, #tpu.memory_space<hbm>> -> memref<1003520x32xf32, #tpu.memory_space<hbm>>
      tpu.enqueue_indirect_dma source(%dma_start3A_60 : memref<1003520x32xf32, #tpu.memory_space<hbm>>) target(%dma_start3A_54 : memref<128x32xf32, #tpu.memory_space<vmem>>) offsets(%dma_start3A_57 : memref<128xi32, #tpu.memory_space<vmem>>) semaphore(%arg17 : memref<!tpu.dma_semaphore, #tpu.memory_space<semaphore_mem>>)
      %dma_start3A_61 = arith.constant 2 : i32
      %dma_start3A_62 = arith.constant 128 : i32
      %dma_start3A_63 = arith.constant 0 : i32
      %dma_start3A_64 = tpu.memref_slice %arg8[%dma_start3A_62, %dma_start3A_63] : memref<200x32xf32, #tpu.memory_space<vmem>> -> memref<72x32xf32, #tpu.memory_space<vmem>>
      %dma_start3A_65 = arith.constant 128 : i32
      %dma_start3A_66 = tpu.memref_slice %arg5[%dma_start3A_61, %dma_start3A_65] : memref<64x200xi32, #tpu.memory_space<vmem>> -> memref<1x72xi32, #tpu.memory_space<vmem>>
      %dma_start3A_67 = tpu.memref_squeeze %dma_start3A_66 : memref<1x72xi32, #tpu.memory_space<vmem>> -> memref<72xi32, #tpu.memory_space<vmem>>
      %dma_start3A_68 = arith.constant 0 : i32
      %dma_start3A_69 = arith.constant 0 : i32
      %dma_start3A_70 = tpu.memref_slice %arg3[%dma_start3A_68, %dma_start3A_69] : memref<1003520x32xf32, #tpu.memory_space<hbm>> -> memref<1003520x32xf32, #tpu.memory_space<hbm>>
      tpu.enqueue_indirect_dma source(%dma_start3A_70 : memref<1003520x32xf32, #tpu.memory_space<hbm>>) target(%dma_start3A_64 : memref<72x32xf32, #tpu.memory_space<vmem>>) offsets(%dma_start3A_67 : memref<72xi32, #tpu.memory_space<vmem>>) semaphore(%arg17 : memref<!tpu.dma_semaphore, #tpu.memory_space<semaphore_mem>>)
      %dma_start3A_71 = arith.constant 3 : i32
      %dma_start3A_72 = arith.constant 0 : i32
      %dma_start3A_73 = arith.constant 0 : i32
      %dma_start3A_74 = tpu.memref_slice %arg9[%dma_start3A_72, %dma_start3A_73] : memref<200x32xf32, #tpu.memory_space<vmem>> -> memref<128x32xf32, #tpu.memory_space<vmem>>
      %dma_start3A_75 = arith.constant 0 : i32
      %dma_start3A_76 = tpu.memref_slice %arg5[%dma_start3A_71, %dma_start3A_75] : memref<64x200xi32, #tpu.memory_space<vmem>> -> memref<1x128xi32, #tpu.memory_space<vmem>>
      %dma_start3A_77 = tpu.memref_squeeze %dma_start3A_76 : memref<1x128xi32, #tpu.memory_space<vmem>> -> memref<128xi32, #tpu.memory_space<vmem>>
      %dma_start3A_78 = arith.constant 0 : i32
      %dma_start3A_79 = arith.constant 0 : i32
      %dma_start3A_80 = tpu.memref_slice %arg3[%dma_start3A_78, %dma_start3A_79] : memref<1003520x32xf32, #tpu.memory_space<hbm>> -> memref<1003520x32xf32, #tpu.memory_space<hbm>>
      tpu.enqueue_indirect_dma source(%dma_start3A_80 : memref<1003520x32xf32, #tpu.memory_space<hbm>>) target(%dma_start3A_74 : memref<128x32xf32, #tpu.memory_space<vmem>>) offsets(%dma_start3A_77 : memref<128xi32, #tpu.memory_space<vmem>>) semaphore(%arg18 : memref<!tpu.dma_semaphore, #tpu.memory_space<semaphore_mem>>)
      %dma_start3A_81 = arith.constant 3 : i32
      %dma_start3A_82 = arith.constant 128 : i32
      %dma_start3A_83 = arith.constant 0 : i32
      %dma_start3A_84 = tpu.memref_slice %arg9[%dma_start3A_82, %dma_start3A_83] : memref<200x32xf32, #tpu.memory_space<vmem>> -> memref<72x32xf32, #tpu.memory_space<vmem>>
      %dma_start3A_85 = arith.constant 128 : i32
      %dma_start3A_86 = tpu.memref_slice %arg5[%dma_start3A_81, %dma_start3A_85] : memref<64x200xi32, #tpu.memory_space<vmem>> -> memref<1x72xi32, #tpu.memory_space<vmem>>
      %dma_start3A_87 = tpu.memref_squeeze %dma_start3A_86 : memref<1x72xi32, #tpu.memory_space<vmem>> -> memref<72xi32, #tpu.memory_space<vmem>>
      %dma_start3A_88 = arith.constant 0 : i32
      %dma_start3A_89 = arith.constant 0 : i32
      %dma_start3A_90 = tpu.memref_slice %arg3[%dma_start3A_88, %dma_start3A_89] : memref<1003520x32xf32, #tpu.memory_space<hbm>> -> memref<1003520x32xf32, #tpu.memory_space<hbm>>
      tpu.enqueue_indirect_dma source(%dma_start3A_90 : memref<1003520x32xf32, #tpu.memory_space<hbm>>) target(%dma_start3A_84 : memref<72x32xf32, #tpu.memory_space<vmem>>) offsets(%dma_start3A_87 : memref<72xi32, #tpu.memory_space<vmem>>) semaphore(%arg18 : memref<!tpu.dma_semaphore, #tpu.memory_space<semaphore_mem>>)
      %dma_start3A_91 = arith.constant 4 : i32
      %dma_start3A_92 = arith.constant 0 : i32
      %dma_start3A_93 = arith.constant 0 : i32
      %dma_start3A_94 = tpu.memref_slice %arg10[%dma_start3A_92, %dma_start3A_93] : memref<200x32xf32, #tpu.memory_space<vmem>> -> memref<128x32xf32, #tpu.memory_space<vmem>>
      %dma_start3A_95 = arith.constant 0 : i32
      %dma_start3A_96 = tpu.memref_slice %arg5[%dma_start3A_91, %dma_start3A_95] : memref<64x200xi32, #tpu.memory_space<vmem>> -> memref<1x128xi32, #tpu.memory_space<vmem>>
      %dma_start3A_97 = tpu.memref_squeeze %dma_start3A_96 : memref<1x128xi32, #tpu.memory_space<vmem>> -> memref<128xi32, #tpu.memory_space<vmem>>
      %dma_start3A_98 = arith.constant 0 : i32
      %dma_start3A_99 = arith.constant 0 : i32
      %dma_start3A_100 = tpu.memref_slice %arg3[%dma_start3A_98, %dma_start3A_99] : memref<1003520x32xf32, #tpu.memory_space<hbm>> -> memref<1003520x32xf32, #tpu.memory_space<hbm>>
      tpu.enqueue_indirect_dma source(%dma_start3A_100 : memref<1003520x32xf32, #tpu.memory_space<hbm>>) target(%dma_start3A_94 : memref<128x32xf32, #tpu.memory_space<vmem>>) offsets(%dma_start3A_97 : memref<128xi32, #tpu.memory_space<vmem>>) semaphore(%arg19 : memref<!tpu.dma_semaphore, #tpu.memory_space<semaphore_mem>>)
      %dma_start3A_101 = arith.constant 4 : i32
      %dma_start3A_102 = arith.constant 128 : i32
      %dma_start3A_103 = arith.constant 0 : i32
      %dma_start3A_104 = tpu.memref_slice %arg10[%dma_start3A_102, %dma_start3A_103] : memref<200x32xf32, #tpu.memory_space<vmem>> -> memref<72x32xf32, #tpu.memory_space<vmem>>
      %dma_start3A_105 = arith.constant 128 : i32
      %dma_start3A_106 = tpu.memref_slice %arg5[%dma_start3A_101, %dma_start3A_105] : memref<64x200xi32, #tpu.memory_space<vmem>> -> memref<1x72xi32, #tpu.memory_space<vmem>>
      %dma_start3A_107 = tpu.memref_squeeze %dma_start3A_106 : memref<1x72xi32, #tpu.memory_space<vmem>> -> memref<72xi32, #tpu.memory_space<vmem>>
      %dma_start3A_108 = arith.constant 0 : i32
      %dma_start3A_109 = arith.constant 0 : i32
      %dma_start3A_110 = tpu.memref_slice %arg3[%dma_start3A_108, %dma_start3A_109] : memref<1003520x32xf32, #tpu.memory_space<hbm>> -> memref<1003520x32xf32, #tpu.memory_space<hbm>>
      tpu.enqueue_indirect_dma source(%dma_start3A_110 : memref<1003520x32xf32, #tpu.memory_space<hbm>>) target(%dma_start3A_104 : memref<72x32xf32, #tpu.memory_space<vmem>>) offsets(%dma_start3A_107 : memref<72xi32, #tpu.memory_space<vmem>>) semaphore(%arg19 : memref<!tpu.dma_semaphore, #tpu.memory_space<semaphore_mem>>)
      %dma_start3A_111 = arith.constant 5 : i32
      %dma_start3A_112 = arith.constant 0 : i32
      %dma_start3A_113 = arith.constant 0 : i32
      %dma_start3A_114 = tpu.memref_slice %arg11[%dma_start3A_112, %dma_start3A_113] : memref<200x32xf32, #tpu.memory_space<vmem>> -> memref<128x32xf32, #tpu.memory_space<vmem>>
      %dma_start3A_115 = arith.constant 0 : i32
      %dma_start3A_116 = tpu.memref_slice %arg5[%dma_start3A_111, %dma_start3A_115] : memref<64x200xi32, #tpu.memory_space<vmem>> -> memref<1x128xi32, #tpu.memory_space<vmem>>
      %dma_start3A_117 = tpu.memref_squeeze %dma_start3A_116 : memref<1x128xi32, #tpu.memory_space<vmem>> -> memref<128xi32, #tpu.memory_space<vmem>>
      %dma_start3A_118 = arith.constant 0 : i32
      %dma_start3A_119 = arith.constant 0 : i32
      %dma_start3A_120 = tpu.memref_slice %arg3[%dma_start3A_118, %dma_start3A_119] : memref<1003520x32xf32, #tpu.memory_space<hbm>> -> memref<1003520x32xf32, #tpu.memory_space<hbm>>
      tpu.enqueue_indirect_dma source(%dma_start3A_120 : memref<1003520x32xf32, #tpu.memory_space<hbm>>) target(%dma_start3A_114 : memref<128x32xf32, #tpu.memory_space<vmem>>) offsets(%dma_start3A_117 : memref<128xi32, #tpu.memory_space<vmem>>) semaphore(%arg20 : memref<!tpu.dma_semaphore, #tpu.memory_space<semaphore_mem>>)
      %dma_start3A_121 = arith.constant 5 : i32
      %dma_start3A_122 = arith.constant 128 : i32
      %dma_start3A_123 = arith.constant 0 : i32
      %dma_start3A_124 = tpu.memref_slice %arg11[%dma_start3A_122, %dma_start3A_123] : memref<200x32xf32, #tpu.memory_space<vmem>> -> memref<72x32xf32, #tpu.memory_space<vmem>>
      %dma_start3A_125 = arith.constant 128 : i32
      %dma_start3A_126 = tpu.memref_slice %arg5[%dma_start3A_121, %dma_start3A_125] : memref<64x200xi32, #tpu.memory_space<vmem>> -> memref<1x72xi32, #tpu.memory_space<vmem>>
      %dma_start3A_127 = tpu.memref_squeeze %dma_start3A_126 : memref<1x72xi32, #tpu.memory_space<vmem>> -> memref<72xi32, #tpu.memory_space<vmem>>
      %dma_start3A_128 = arith.constant 0 : i32
      %dma_start3A_129 = arith.constant 0 : i32
      %dma_start3A_130 = tpu.memref_slice %arg3[%dma_start3A_128, %dma_start3A_129] : memref<1003520x32xf32, #tpu.memory_space<hbm>> -> memref<1003520x32xf32, #tpu.memory_space<hbm>>
      tpu.enqueue_indirect_dma source(%dma_start3A_130 : memref<1003520x32xf32, #tpu.memory_space<hbm>>) target(%dma_start3A_124 : memref<72x32xf32, #tpu.memory_space<vmem>>) offsets(%dma_start3A_127 : memref<72xi32, #tpu.memory_space<vmem>>) semaphore(%arg20 : memref<!tpu.dma_semaphore, #tpu.memory_space<semaphore_mem>>)
      %dma_start3A_131 = arith.constant 6 : i32
      %dma_start3A_132 = arith.constant 0 : i32
      %dma_start3A_133 = arith.constant 0 : i32
      %dma_start3A_134 = tpu.memref_slice %arg12[%dma_start3A_132, %dma_start3A_133] : memref<200x32xf32, #tpu.memory_space<vmem>> -> memref<128x32xf32, #tpu.memory_space<vmem>>
      %dma_start3A_135 = arith.constant 0 : i32
      %dma_start3A_136 = tpu.memref_slice %arg5[%dma_start3A_131, %dma_start3A_135] : memref<64x200xi32, #tpu.memory_space<vmem>> -> memref<1x128xi32, #tpu.memory_space<vmem>>
      %dma_start3A_137 = tpu.memref_squeeze %dma_start3A_136 : memref<1x128xi32, #tpu.memory_space<vmem>> -> memref<128xi32, #tpu.memory_space<vmem>>
      %dma_start3A_138 = arith.constant 0 : i32
      %dma_start3A_139 = arith.constant 0 : i32
      %dma_start3A_140 = tpu.memref_slice %arg3[%dma_start3A_138, %dma_start3A_139] : memref<1003520x32xf32, #tpu.memory_space<hbm>> -> memref<1003520x32xf32, #tpu.memory_space<hbm>>
      tpu.enqueue_indirect_dma source(%dma_start3A_140 : memref<1003520x32xf32, #tpu.memory_space<hbm>>) target(%dma_start3A_134 : memref<128x32xf32, #tpu.memory_space<vmem>>) offsets(%dma_start3A_137 : memref<128xi32, #tpu.memory_space<vmem>>) semaphore(%arg21 : memref<!tpu.dma_semaphore, #tpu.memory_space<semaphore_mem>>)
      %dma_start3A_141 = arith.constant 6 : i32
      %dma_start3A_142 = arith.constant 128 : i32
      %dma_start3A_143 = arith.constant 0 : i32
      %dma_start3A_144 = tpu.memref_slice %arg12[%dma_start3A_142, %dma_start3A_143] : memref<200x32xf32, #tpu.memory_space<vmem>> -> memref<72x32xf32, #tpu.memory_space<vmem>>
      %dma_start3A_145 = arith.constant 128 : i32
      %dma_start3A_146 = tpu.memref_slice %arg5[%dma_start3A_141, %dma_start3A_145] : memref<64x200xi32, #tpu.memory_space<vmem>> -> memref<1x72xi32, #tpu.memory_space<vmem>>
      %dma_start3A_147 = tpu.memref_squeeze %dma_start3A_146 : memref<1x72xi32, #tpu.memory_space<vmem>> -> memref<72xi32, #tpu.memory_space<vmem>>
      %dma_start3A_148 = arith.constant 0 : i32
      %dma_start3A_149 = arith.constant 0 : i32
      %dma_start3A_150 = tpu.memref_slice %arg3[%dma_start3A_148, %dma_start3A_149] : memref<1003520x32xf32, #tpu.memory_space<hbm>> -> memref<1003520x32xf32, #tpu.memory_space<hbm>>
      tpu.enqueue_indirect_dma source(%dma_start3A_150 : memref<1003520x32xf32, #tpu.memory_space<hbm>>) target(%dma_start3A_144 : memref<72x32xf32, #tpu.memory_space<vmem>>) offsets(%dma_start3A_147 : memref<72xi32, #tpu.memory_space<vmem>>) semaphore(%arg21 : memref<!tpu.dma_semaphore, #tpu.memory_space<semaphore_mem>>)
      %scan3A_151 = arith.constant 0 : i32
      %scan3A_152 = arith.constant 0 : i32
      %scan3A_153 = arith.constant 8 : i32
      %scan3A_154 = arith.addi %scan3A_152, %scan3A_153 : i32
      %scan3A_155 = arith.constant 1 : i32
      scf.for %scan3A_157 = %scan3A_152 to %scan3A_154 step %scan3A_155  : i32 {
        %mul3A_158 = arith.constant 8 : i32
        %mul3A_159 = arith.muli %mul3A_158, %scan3A_157 : i32
        %add3A_160 = arith.constant 8 : i32
        %add3A_161 = arith.addi %mul3A_159, %add3A_160 : i32
        %sub3A = arith.constant 1 : i32
        %sub3A_162 = arith.subi %add3A_161, %sub3A : i32
        %dma_start3A_163 = arith.constant 0 : i32
        %dma_start3A_164 = arith.constant 0 : i32
        %dma_start3A_165 = tpu.memref_slice %arg13[%dma_start3A_163, %dma_start3A_164] : memref<200x32xf32, #tpu.memory_space<vmem>> -> memref<128x32xf32, #tpu.memory_space<vmem>>
        %dma_start3A_166 = arith.constant 0 : i32
        %dma_start3A_167 = tpu.memref_slice %arg5[%sub3A_162, %dma_start3A_166] : memref<64x200xi32, #tpu.memory_space<vmem>> -> memref<1x128xi32, #tpu.memory_space<vmem>>
        %dma_start3A_168 = tpu.memref_squeeze %dma_start3A_167 : memref<1x128xi32, #tpu.memory_space<vmem>> -> memref<128xi32, #tpu.memory_space<vmem>>
        %dma_start3A_169 = arith.constant 0 : i32
        %dma_start3A_170 = arith.constant 0 : i32
        %dma_start3A_171 = tpu.memref_slice %arg3[%dma_start3A_169, %dma_start3A_170] : memref<1003520x32xf32, #tpu.memory_space<hbm>> -> memref<1003520x32xf32, #tpu.memory_space<hbm>>
        tpu.enqueue_indirect_dma source(%dma_start3A_171 : memref<1003520x32xf32, #tpu.memory_space<hbm>>) target(%dma_start3A_165 : memref<128x32xf32, #tpu.memory_space<vmem>>) offsets(%dma_start3A_168 : memref<128xi32, #tpu.memory_space<vmem>>) semaphore(%arg22 : memref<!tpu.dma_semaphore, #tpu.memory_space<semaphore_mem>>)
        %dma_start3A_172 = arith.constant 128 : i32
        %dma_start3A_173 = arith.constant 0 : i32
        %dma_start3A_174 = tpu.memref_slice %arg13[%dma_start3A_172, %dma_start3A_173] : memref<200x32xf32, #tpu.memory_space<vmem>> -> memref<72x32xf32, #tpu.memory_space<vmem>>
        %dma_start3A_175 = arith.constant 128 : i32
        %dma_start3A_176 = tpu.memref_slice %arg5[%sub3A_162, %dma_start3A_175] : memref<64x200xi32, #tpu.memory_space<vmem>> -> memref<1x72xi32, #tpu.memory_space<vmem>>
        %dma_start3A_177 = tpu.memref_squeeze %dma_start3A_176 : memref<1x72xi32, #tpu.memory_space<vmem>> -> memref<72xi32, #tpu.memory_space<vmem>>
        %dma_start3A_178 = arith.constant 0 : i32
        %dma_start3A_179 = arith.constant 0 : i32
        %dma_start3A_180 = tpu.memref_slice %arg3[%dma_start3A_178, %dma_start3A_179] : memref<1003520x32xf32, #tpu.memory_space<hbm>> -> memref<1003520x32xf32, #tpu.memory_space<hbm>>
        tpu.enqueue_indirect_dma source(%dma_start3A_180 : memref<1003520x32xf32, #tpu.memory_space<hbm>>) target(%dma_start3A_174 : memref<72x32xf32, #tpu.memory_space<vmem>>) offsets(%dma_start3A_177 : memref<72xi32, #tpu.memory_space<vmem>>) semaphore(%arg22 : memref<!tpu.dma_semaphore, #tpu.memory_space<semaphore_mem>>)
        %add3A_181 = arith.constant 0 : i32
        %add3A_182 = arith.addi %mul3A_159, %add3A_181 : i32
        %dma_wait3A = arith.constant 0 : i32
        %dma_wait3A_183 = arith.constant 0 : i32
        %dma_wait3A_184 = tpu.memref_slice %arg6[%dma_wait3A, %dma_wait3A_183] : memref<200x32xf32, #tpu.memory_space<vmem>> -> memref<128x32xf32, #tpu.memory_space<vmem>>
        %dma_wait3A_185 = arith.constant 0 : i32
        %dma_wait3A_186 = tpu.memref_slice %arg5[%add3A_182, %dma_wait3A_185] : memref<64x200xi32, #tpu.memory_space<vmem>> -> memref<1x128xi32, #tpu.memory_space<vmem>>
        %dma_wait3A_187 = tpu.memref_squeeze %dma_wait3A_186 : memref<1x128xi32, #tpu.memory_space<vmem>> -> memref<128xi32, #tpu.memory_space<vmem>>
        %dma_wait3A_188 = arith.constant 0 : i32
        %dma_wait3A_189 = arith.constant 0 : i32
        %dma_wait3A_190 = tpu.memref_slice %arg3[%dma_wait3A_188, %dma_wait3A_189] : memref<1003520x32xf32, #tpu.memory_space<hbm>> -> memref<1003520x32xf32, #tpu.memory_space<hbm>>
        tpu.wait_indirect_dma semaphore(%arg15 : memref<!tpu.dma_semaphore, #tpu.memory_space<semaphore_mem>>) src(%dma_wait3A_190 : memref<1003520x32xf32, #tpu.memory_space<hbm>>) dst(%dma_wait3A_184 : memref<128x32xf32, #tpu.memory_space<vmem>>)
        %dma_wait3A_191 = arith.constant 128 : i32
        %dma_wait3A_192 = arith.constant 0 : i32
        %dma_wait3A_193 = tpu.memref_slice %arg6[%dma_wait3A_191, %dma_wait3A_192] : memref<200x32xf32, #tpu.memory_space<vmem>> -> memref<72x32xf32, #tpu.memory_space<vmem>>
        %dma_wait3A_194 = arith.constant 128 : i32
        %dma_wait3A_195 = tpu.memref_slice %arg5[%add3A_182, %dma_wait3A_194] : memref<64x200xi32, #tpu.memory_space<vmem>> -> memref<1x72xi32, #tpu.memory_space<vmem>>
        %dma_wait3A_196 = tpu.memref_squeeze %dma_wait3A_195 : memref<1x72xi32, #tpu.memory_space<vmem>> -> memref<72xi32, #tpu.memory_space<vmem>>
        %dma_wait3A_197 = arith.constant 0 : i32
        %dma_wait3A_198 = arith.constant 0 : i32
        %dma_wait3A_199 = tpu.memref_slice %arg3[%dma_wait3A_197, %dma_wait3A_198] : memref<1003520x32xf32, #tpu.memory_space<hbm>> -> memref<1003520x32xf32, #tpu.memory_space<hbm>>
        tpu.wait_indirect_dma semaphore(%arg15 : memref<!tpu.dma_semaphore, #tpu.memory_space<semaphore_mem>>) src(%dma_wait3A_199 : memref<1003520x32xf32, #tpu.memory_space<hbm>>) dst(%dma_wait3A_193 : memref<72x32xf32, #tpu.memory_space<vmem>>)
        %add3A_200 = arith.constant 0 : i32
        %add3A_201 = arith.addi %mul3A_159, %add3A_200 : i32
        %broadcast_in_dim3A = arith.constant 0.000000e+00 : bf16
        %broadcast_in_dim3A_202 = vector.broadcast %broadcast_in_dim3A : bf16 to vector<32xbf16>
        %broadcast_in_dim3A_203 = arith.constant 0.000000e+00 : bf16
        %broadcast_in_dim3A_204 = vector.broadcast %broadcast_in_dim3A_203 : bf16 to vector<32xbf16>
        %scan3A_205 = arith.constant 0 : i32
        %scan3A_206 = arith.constant 200 : i32
        %scan3A_207 = arith.addi %scan3A_205, %scan3A_206 : i32
        %scan3A_208 = arith.constant 8 : i32
        %scan3A_209:2 = scf.for %scan3A_576 = %scan3A_205 to %scan3A_207 step %scan3A_208 iter_args(%scan3A_577 = %broadcast_in_dim3A_202, %scan3A_578 = %broadcast_in_dim3A_204) -> (vector<32xbf16>, vector<32xbf16>)  : i32 {
          %get3A = arith.index_cast %scan3A_576 : i32 to index
          %get3A_579 = arith.constant 0 : index
          %get3A_580 = tpu.vector_load %arg6[%get3A, %get3A_579] {strides = array<i32>} : memref<200x32xf32, #tpu.memory_space<vmem>>, vector<16xf32>,
          %bitcast3A = vector.bitcast %get3A_580 : vector<16xf32> to vector<32xbf16>
          %add3A_581 = arith.addf %scan3A_577, %bitcast3A : vector<32xbf16>
          %get3A_582 = arith.index_cast %scan3A_576 : i32 to index
          %get3A_583 = arith.constant 16 : index
          %get3A_584 = tpu.vector_load %arg6[%get3A_582, %get3A_583] {strides = array<i32>} : memref<200x32xf32, #tpu.memory_space<vmem>>, vector<16xf32>,
          %bitcast3A_585 = vector.bitcast %get3A_584 : vector<16xf32> to vector<32xbf16>
          %add3A_586 = arith.addf %scan3A_578, %bitcast3A_585 : vector<32xbf16>
          %scan3A_587 = arith.constant 1 : i32
          %scan3A_588 = arith.addi %scan3A_576, %scan3A_587 : i32
          %get3A_589 = arith.index_cast %scan3A_588 : i32 to index
          %get3A_590 = arith.constant 0 : index
          %get3A_591 = tpu.vector_load %arg6[%get3A_589, %get3A_590] {strides = array<i32>} : memref<200x32xf32, #tpu.memory_space<vmem>>, vector<16xf32>,
          %bitcast3A_592 = vector.bitcast %get3A_591 : vector<16xf32> to vector<32xbf16>
          %add3A_593 = arith.addf %add3A_581, %bitcast3A_592 : vector<32xbf16>
          %get3A_594 = arith.index_cast %scan3A_588 : i32 to index
          %get3A_595 = arith.constant 16 : index
          %get3A_596 = tpu.vector_load %arg6[%get3A_594, %get3A_595] {strides = array<i32>} : memref<200x32xf32, #tpu.memory_space<vmem>>, vector<16xf32>,
          %bitcast3A_597 = vector.bitcast %get3A_596 : vector<16xf32> to vector<32xbf16>
          %add3A_598 = arith.addf %add3A_586, %bitcast3A_597 : vector<32xbf16>
          %scan3A_599 = arith.constant 2 : i32
          %scan3A_600 = arith.addi %scan3A_576, %scan3A_599 : i32
          %get3A_601 = arith.index_cast %scan3A_600 : i32 to index
          %get3A_602 = arith.constant 0 : index
          %get3A_603 = tpu.vector_load %arg6[%get3A_601, %get3A_602] {strides = array<i32>} : memref<200x32xf32, #tpu.memory_space<vmem>>, vector<16xf32>,
          %bitcast3A_604 = vector.bitcast %get3A_603 : vector<16xf32> to vector<32xbf16>
          %add3A_605 = arith.addf %add3A_593, %bitcast3A_604 : vector<32xbf16>
          %get3A_606 = arith.index_cast %scan3A_600 : i32 to index
          %get3A_607 = arith.constant 16 : index
          %get3A_608 = tpu.vector_load %arg6[%get3A_606, %get3A_607] {strides = array<i32>} : memref<200x32xf32, #tpu.memory_space<vmem>>, vector<16xf32>,
          %bitcast3A_609 = vector.bitcast %get3A_608 : vector<16xf32> to vector<32xbf16>
          %add3A_610 = arith.addf %add3A_598, %bitcast3A_609 : vector<32xbf16>
          %scan3A_611 = arith.constant 3 : i32
          %scan3A_612 = arith.addi %scan3A_576, %scan3A_611 : i32
          %get3A_613 = arith.index_cast %scan3A_612 : i32 to index
          %get3A_614 = arith.constant 0 : index
          %get3A_615 = tpu.vector_load %arg6[%get3A_613, %get3A_614] {strides = array<i32>} : memref<200x32xf32, #tpu.memory_space<vmem>>, vector<16xf32>,
          %bitcast3A_616 = vector.bitcast %get3A_615 : vector<16xf32> to vector<32xbf16>
          %add3A_617 = arith.addf %add3A_605, %bitcast3A_616 : vector<32xbf16>
          %get3A_618 = arith.index_cast %scan3A_612 : i32 to index
          %get3A_619 = arith.constant 16 : index
          %get3A_620 = tpu.vector_load %arg6[%get3A_618, %get3A_619] {strides = array<i32>} : memref<200x32xf32, #tpu.memory_space<vmem>>, vector<16xf32>,
          %bitcast3A_621 = vector.bitcast %get3A_620 : vector<16xf32> to vector<32xbf16>
          %add3A_622 = arith.addf %add3A_610, %bitcast3A_621 : vector<32xbf16>
          %scan3A_623 = arith.constant 4 : i32
          %scan3A_624 = arith.addi %scan3A_576, %scan3A_623 : i32
          %get3A_625 = arith.index_cast %scan3A_624 : i32 to index
          %get3A_626 = arith.constant 0 : index
          %get3A_627 = tpu.vector_load %arg6[%get3A_625, %get3A_626] {strides = array<i32>} : memref<200x32xf32, #tpu.memory_space<vmem>>, vector<16xf32>,
          %bitcast3A_628 = vector.bitcast %get3A_627 : vector<16xf32> to vector<32xbf16>
          %add3A_629 = arith.addf %add3A_617, %bitcast3A_628 : vector<32xbf16>
          %get3A_630 = arith.index_cast %scan3A_624 : i32 to index
          %get3A_631 = arith.constant 16 : index
          %get3A_632 = tpu.vector_load %arg6[%get3A_630, %get3A_631] {strides = array<i32>} : memref<200x32xf32, #tpu.memory_space<vmem>>, vector<16xf32>,
          %bitcast3A_633 = vector.bitcast %get3A_632 : vector<16xf32> to vector<32xbf16>
          %add3A_634 = arith.addf %add3A_622, %bitcast3A_633 : vector<32xbf16>
          %scan3A_635 = arith.constant 5 : i32
          %scan3A_636 = arith.addi %scan3A_576, %scan3A_635 : i32
          %get3A_637 = arith.index_cast %scan3A_636 : i32 to index
          %get3A_638 = arith.constant 0 : index
          %get3A_639 = tpu.vector_load %arg6[%get3A_637, %get3A_638] {strides = array<i32>} : memref<200x32xf32, #tpu.memory_space<vmem>>, vector<16xf32>,
          %bitcast3A_640 = vector.bitcast %get3A_639 : vector<16xf32> to vector<32xbf16>
          %add3A_641 = arith.addf %add3A_629, %bitcast3A_640 : vector<32xbf16>
          %get3A_642 = arith.index_cast %scan3A_636 : i32 to index
          %get3A_643 = arith.constant 16 : index
          %get3A_644 = tpu.vector_load %arg6[%get3A_642, %get3A_643] {strides = array<i32>} : memref<200x32xf32, #tpu.memory_space<vmem>>, vector<16xf32>,
          %bitcast3A_645 = vector.bitcast %get3A_644 : vector<16xf32> to vector<32xbf16>
          %add3A_646 = arith.addf %add3A_634, %bitcast3A_645 : vector<32xbf16>
          %scan3A_647 = arith.constant 6 : i32
          %scan3A_648 = arith.addi %scan3A_576, %scan3A_647 : i32
          %get3A_649 = arith.index_cast %scan3A_648 : i32 to index
          %get3A_650 = arith.constant 0 : index
          %get3A_651 = tpu.vector_load %arg6[%get3A_649, %get3A_650] {strides = array<i32>} : memref<200x32xf32, #tpu.memory_space<vmem>>, vector<16xf32>,
          %bitcast3A_652 = vector.bitcast %get3A_651 : vector<16xf32> to vector<32xbf16>
          %add3A_653 = arith.addf %add3A_641, %bitcast3A_652 : vector<32xbf16>
          %get3A_654 = arith.index_cast %scan3A_648 : i32 to index
          %get3A_655 = arith.constant 16 : index
          %get3A_656 = tpu.vector_load %arg6[%get3A_654, %get3A_655] {strides = array<i32>} : memref<200x32xf32, #tpu.memory_space<vmem>>, vector<16xf32>,
          %bitcast3A_657 = vector.bitcast %get3A_656 : vector<16xf32> to vector<32xbf16>
          %add3A_658 = arith.addf %add3A_646, %bitcast3A_657 : vector<32xbf16>
          %scan3A_659 = arith.constant 7 : i32
          %scan3A_660 = arith.addi %scan3A_576, %scan3A_659 : i32
          %get3A_661 = arith.index_cast %scan3A_660 : i32 to index
          %get3A_662 = arith.constant 0 : index
          %get3A_663 = tpu.vector_load %arg6[%get3A_661, %get3A_662] {strides = array<i32>} : memref<200x32xf32, #tpu.memory_space<vmem>>, vector<16xf32>,
          %bitcast3A_664 = vector.bitcast %get3A_663 : vector<16xf32> to vector<32xbf16>
          %add3A_665 = arith.addf %add3A_653, %bitcast3A_664 : vector<32xbf16>
          %get3A_666 = arith.index_cast %scan3A_660 : i32 to index
          %get3A_667 = arith.constant 16 : index
          %get3A_668 = tpu.vector_load %arg6[%get3A_666, %get3A_667] {strides = array<i32>} : memref<200x32xf32, #tpu.memory_space<vmem>>, vector<16xf32>,
          %bitcast3A_669 = vector.bitcast %get3A_668 : vector<16xf32> to vector<32xbf16>
          %add3A_670 = arith.addf %add3A_658, %bitcast3A_669 : vector<32xbf16>
          scf.yield %add3A_665, %add3A_670 : vector<32xbf16>, vector<32xbf16>
        }
        %scan3A_210 = arith.constant 200 : i32
        %mul3A_211 = arith.constant 5.004880e-03 : bf16
        %mul3A_212 = vector.broadcast %mul3A_211 : bf16 to vector<32xbf16>
        %mul3A_213 = arith.mulf %scan3A_209#0, %mul3A_212 : vector<32xbf16>
        %swap3A = arith.index_cast %add3A_201 : i32 to index
        %swap3A_214 = arith.constant 0 : index
        %swap3A_215 = tpu.vector_load %arg14[%swap3A, %swap3A_214] {strides = array<i32>} : memref<64x64xbf16, #tpu.memory_space<vmem>>, vector<32xbf16>,
        tpu.vector_store %arg14[%swap3A, %swap3A_214], %mul3A_213 {strides = array<i32>} : memref<64x64xbf16, #tpu.memory_space<vmem>>, vector<32xbf16>,
        %mul3A_216 = arith.constant 5.004880e-03 : bf16
        %mul3A_217 = vector.broadcast %mul3A_216 : bf16 to vector<32xbf16>
        %mul3A_218 = arith.mulf %scan3A_209#1, %mul3A_217 : vector<32xbf16>
        %swap3A_219 = arith.index_cast %add3A_201 : i32 to index
        %swap3A_220 = arith.constant 32 : index
        %swap3A_221 = tpu.vector_load %arg14[%swap3A_219, %swap3A_220] {strides = array<i32>} : memref<64x64xbf16, #tpu.memory_space<vmem>>, vector<32xbf16>,
        tpu.vector_store %arg14[%swap3A_219, %swap3A_220], %mul3A_218 {strides = array<i32>} : memref<64x64xbf16, #tpu.memory_space<vmem>>, vector<32xbf16>,
        %add3A_222 = arith.constant 1 : i32
        %add3A_223 = arith.addi %scan3A_157, %add3A_222 : i32
        %lt3A = arith.constant 8 : i32
        %lt3A_224 = arith.cmpi slt, %add3A_223, %lt3A : i32
        %convert_element_type3A = arith.extui %lt3A_224 : i1 to i32
        %cond3A = arith.constant 0 : i32
        %cond3A_225 = arith.cmpi ne, %convert_element_type3A, %cond3A : i32
        scf.if %cond3A_225 {
          %add3A_576 = arith.constant 8 : i32
          %add3A_577 = arith.addi %mul3A_159, %add3A_576 : i32
          %add3A_578 = arith.constant 0 : i32
          %add3A_579 = arith.addi %add3A_577, %add3A_578 : i32
          %dma_start3A_580 = arith.constant 0 : i32
          %dma_start3A_581 = arith.constant 0 : i32
          %dma_start3A_582 = tpu.memref_slice %arg6[%dma_start3A_580, %dma_start3A_581] : memref<200x32xf32, #tpu.memory_space<vmem>> -> memref<128x32xf32, #tpu.memory_space<vmem>>
          %dma_start3A_583 = arith.constant 0 : i32
          %dma_start3A_584 = tpu.memref_slice %arg5[%add3A_579, %dma_start3A_583] : memref<64x200xi32, #tpu.memory_space<vmem>> -> memref<1x128xi32, #tpu.memory_space<vmem>>
          %dma_start3A_585 = tpu.memref_squeeze %dma_start3A_584 : memref<1x128xi32, #tpu.memory_space<vmem>> -> memref<128xi32, #tpu.memory_space<vmem>>
          %dma_start3A_586 = arith.constant 0 : i32
          %dma_start3A_587 = arith.constant 0 : i32
          %dma_start3A_588 = tpu.memref_slice %arg3[%dma_start3A_586, %dma_start3A_587] : memref<1003520x32xf32, #tpu.memory_space<hbm>> -> memref<1003520x32xf32, #tpu.memory_space<hbm>>
          tpu.enqueue_indirect_dma source(%dma_start3A_588 : memref<1003520x32xf32, #tpu.memory_space<hbm>>) target(%dma_start3A_582 : memref<128x32xf32, #tpu.memory_space<vmem>>) offsets(%dma_start3A_585 : memref<128xi32, #tpu.memory_space<vmem>>) semaphore(%arg15 : memref<!tpu.dma_semaphore, #tpu.memory_space<semaphore_mem>>)
          %dma_start3A_589 = arith.constant 128 : i32
          %dma_start3A_590 = arith.constant 0 : i32
          %dma_start3A_591 = tpu.memref_slice %arg6[%dma_start3A_589, %dma_start3A_590] : memref<200x32xf32, #tpu.memory_space<vmem>> -> memref<72x32xf32, #tpu.memory_space<vmem>>
          %dma_start3A_592 = arith.constant 128 : i32
          %dma_start3A_593 = tpu.memref_slice %arg5[%add3A_579, %dma_start3A_592] : memref<64x200xi32, #tpu.memory_space<vmem>> -> memref<1x72xi32, #tpu.memory_space<vmem>>
          %dma_start3A_594 = tpu.memref_squeeze %dma_start3A_593 : memref<1x72xi32, #tpu.memory_space<vmem>> -> memref<72xi32, #tpu.memory_space<vmem>>
          %dma_start3A_595 = arith.constant 0 : i32
          %dma_start3A_596 = arith.constant 0 : i32
          %dma_start3A_597 = tpu.memref_slice %arg3[%dma_start3A_595, %dma_start3A_596] : memref<1003520x32xf32, #tpu.memory_space<hbm>> -> memref<1003520x32xf32, #tpu.memory_space<hbm>>
          tpu.enqueue_indirect_dma source(%dma_start3A_597 : memref<1003520x32xf32, #tpu.memory_space<hbm>>) target(%dma_start3A_591 : memref<72x32xf32, #tpu.memory_space<vmem>>) offsets(%dma_start3A_594 : memref<72xi32, #tpu.memory_space<vmem>>) semaphore(%arg15 : memref<!tpu.dma_semaphore, #tpu.memory_space<semaphore_mem>>)
        } else {
        }
        %add3A_226 = arith.constant 1 : i32
        %add3A_227 = arith.addi %mul3A_159, %add3A_226 : i32
        %dma_wait3A_228 = arith.constant 0 : i32
        %dma_wait3A_229 = arith.constant 0 : i32
        %dma_wait3A_230 = tpu.memref_slice %arg7[%dma_wait3A_228, %dma_wait3A_229] : memref<200x32xf32, #tpu.memory_space<vmem>> -> memref<128x32xf32, #tpu.memory_space<vmem>>
        %dma_wait3A_231 = arith.constant 0 : i32
        %dma_wait3A_232 = tpu.memref_slice %arg5[%add3A_227, %dma_wait3A_231] : memref<64x200xi32, #tpu.memory_space<vmem>> -> memref<1x128xi32, #tpu.memory_space<vmem>>
        %dma_wait3A_233 = tpu.memref_squeeze %dma_wait3A_232 : memref<1x128xi32, #tpu.memory_space<vmem>> -> memref<128xi32, #tpu.memory_space<vmem>>
        %dma_wait3A_234 = arith.constant 0 : i32
        %dma_wait3A_235 = arith.constant 0 : i32
        %dma_wait3A_236 = tpu.memref_slice %arg3[%dma_wait3A_234, %dma_wait3A_235] : memref<1003520x32xf32, #tpu.memory_space<hbm>> -> memref<1003520x32xf32, #tpu.memory_space<hbm>>
        tpu.wait_indirect_dma semaphore(%arg16 : memref<!tpu.dma_semaphore, #tpu.memory_space<semaphore_mem>>) src(%dma_wait3A_236 : memref<1003520x32xf32, #tpu.memory_space<hbm>>) dst(%dma_wait3A_230 : memref<128x32xf32, #tpu.memory_space<vmem>>)
        %dma_wait3A_237 = arith.constant 128 : i32
        %dma_wait3A_238 = arith.constant 0 : i32
        %dma_wait3A_239 = tpu.memref_slice %arg7[%dma_wait3A_237, %dma_wait3A_238] : memref<200x32xf32, #tpu.memory_space<vmem>> -> memref<72x32xf32, #tpu.memory_space<vmem>>
        %dma_wait3A_240 = arith.constant 128 : i32
        %dma_wait3A_241 = tpu.memref_slice %arg5[%add3A_227, %dma_wait3A_240] : memref<64x200xi32, #tpu.memory_space<vmem>> -> memref<1x72xi32, #tpu.memory_space<vmem>>
        %dma_wait3A_242 = tpu.memref_squeeze %dma_wait3A_241 : memref<1x72xi32, #tpu.memory_space<vmem>> -> memref<72xi32, #tpu.memory_space<vmem>>
        %dma_wait3A_243 = arith.constant 0 : i32
        %dma_wait3A_244 = arith.constant 0 : i32
        %dma_wait3A_245 = tpu.memref_slice %arg3[%dma_wait3A_243, %dma_wait3A_244] : memref<1003520x32xf32, #tpu.memory_space<hbm>> -> memref<1003520x32xf32, #tpu.memory_space<hbm>>
        tpu.wait_indirect_dma semaphore(%arg16 : memref<!tpu.dma_semaphore, #tpu.memory_space<semaphore_mem>>) src(%dma_wait3A_245 : memref<1003520x32xf32, #tpu.memory_space<hbm>>) dst(%dma_wait3A_239 : memref<72x32xf32, #tpu.memory_space<vmem>>)
        %add3A_246 = arith.constant 1 : i32
        %add3A_247 = arith.addi %mul3A_159, %add3A_246 : i32
        %broadcast_in_dim3A_248 = arith.constant 0.000000e+00 : bf16
        %broadcast_in_dim3A_249 = vector.broadcast %broadcast_in_dim3A_248 : bf16 to vector<32xbf16>
        %broadcast_in_dim3A_250 = arith.constant 0.000000e+00 : bf16
        %broadcast_in_dim3A_251 = vector.broadcast %broadcast_in_dim3A_250 : bf16 to vector<32xbf16>
        %scan3A_252 = arith.constant 0 : i32
        %scan3A_253 = arith.constant 200 : i32
        %scan3A_254 = arith.addi %scan3A_252, %scan3A_253 : i32
        %scan3A_255 = arith.constant 8 : i32
        %scan3A_256:2 = scf.for %scan3A_576 = %scan3A_252 to %scan3A_254 step %scan3A_255 iter_args(%scan3A_577 = %broadcast_in_dim3A_249, %scan3A_578 = %broadcast_in_dim3A_251) -> (vector<32xbf16>, vector<32xbf16>)  : i32 {
          %get3A = arith.index_cast %scan3A_576 : i32 to index
          %get3A_579 = arith.constant 0 : index
          %get3A_580 = tpu.vector_load %arg7[%get3A, %get3A_579] {strides = array<i32>} : memref<200x32xf32, #tpu.memory_space<vmem>>, vector<16xf32>,
          %bitcast3A = vector.bitcast %get3A_580 : vector<16xf32> to vector<32xbf16>
          %add3A_581 = arith.addf %scan3A_577, %bitcast3A : vector<32xbf16>
          %get3A_582 = arith.index_cast %scan3A_576 : i32 to index
          %get3A_583 = arith.constant 16 : index
          %get3A_584 = tpu.vector_load %arg7[%get3A_582, %get3A_583] {strides = array<i32>} : memref<200x32xf32, #tpu.memory_space<vmem>>, vector<16xf32>,
          %bitcast3A_585 = vector.bitcast %get3A_584 : vector<16xf32> to vector<32xbf16>
          %add3A_586 = arith.addf %scan3A_578, %bitcast3A_585 : vector<32xbf16>
          %scan3A_587 = arith.constant 1 : i32
          %scan3A_588 = arith.addi %scan3A_576, %scan3A_587 : i32
          %get3A_589 = arith.index_cast %scan3A_588 : i32 to index
          %get3A_590 = arith.constant 0 : index
          %get3A_591 = tpu.vector_load %arg7[%get3A_589, %get3A_590] {strides = array<i32>} : memref<200x32xf32, #tpu.memory_space<vmem>>, vector<16xf32>,
          %bitcast3A_592 = vector.bitcast %get3A_591 : vector<16xf32> to vector<32xbf16>
          %add3A_593 = arith.addf %add3A_581, %bitcast3A_592 : vector<32xbf16>
          %get3A_594 = arith.index_cast %scan3A_588 : i32 to index
          %get3A_595 = arith.constant 16 : index
          %get3A_596 = tpu.vector_load %arg7[%get3A_594, %get3A_595] {strides = array<i32>} : memref<200x32xf32, #tpu.memory_space<vmem>>, vector<16xf32>,
          %bitcast3A_597 = vector.bitcast %get3A_596 : vector<16xf32> to vector<32xbf16>
          %add3A_598 = arith.addf %add3A_586, %bitcast3A_597 : vector<32xbf16>
          %scan3A_599 = arith.constant 2 : i32
          %scan3A_600 = arith.addi %scan3A_576, %scan3A_599 : i32
          %get3A_601 = arith.index_cast %scan3A_600 : i32 to index
          %get3A_602 = arith.constant 0 : index
          %get3A_603 = tpu.vector_load %arg7[%get3A_601, %get3A_602] {strides = array<i32>} : memref<200x32xf32, #tpu.memory_space<vmem>>, vector<16xf32>,
          %bitcast3A_604 = vector.bitcast %get3A_603 : vector<16xf32> to vector<32xbf16>
          %add3A_605 = arith.addf %add3A_593, %bitcast3A_604 : vector<32xbf16>
          %get3A_606 = arith.index_cast %scan3A_600 : i32 to index
          %get3A_607 = arith.constant 16 : index
          %get3A_608 = tpu.vector_load %arg7[%get3A_606, %get3A_607] {strides = array<i32>} : memref<200x32xf32, #tpu.memory_space<vmem>>, vector<16xf32>,
          %bitcast3A_609 = vector.bitcast %get3A_608 : vector<16xf32> to vector<32xbf16>
          %add3A_610 = arith.addf %add3A_598, %bitcast3A_609 : vector<32xbf16>
          %scan3A_611 = arith.constant 3 : i32
          %scan3A_612 = arith.addi %scan3A_576, %scan3A_611 : i32
          %get3A_613 = arith.index_cast %scan3A_612 : i32 to index
          %get3A_614 = arith.constant 0 : index
          %get3A_615 = tpu.vector_load %arg7[%get3A_613, %get3A_614] {strides = array<i32>} : memref<200x32xf32, #tpu.memory_space<vmem>>, vector<16xf32>,
          %bitcast3A_616 = vector.bitcast %get3A_615 : vector<16xf32> to vector<32xbf16>
          %add3A_617 = arith.addf %add3A_605, %bitcast3A_616 : vector<32xbf16>
          %get3A_618 = arith.index_cast %scan3A_612 : i32 to index
          %get3A_619 = arith.constant 16 : index
          %get3A_620 = tpu.vector_load %arg7[%get3A_618, %get3A_619] {strides = array<i32>} : memref<200x32xf32, #tpu.memory_space<vmem>>, vector<16xf32>,
          %bitcast3A_621 = vector.bitcast %get3A_620 : vector<16xf32> to vector<32xbf16>
          %add3A_622 = arith.addf %add3A_610, %bitcast3A_621 : vector<32xbf16>
          %scan3A_623 = arith.constant 4 : i32
          %scan3A_624 = arith.addi %scan3A_576, %scan3A_623 : i32
          %get3A_625 = arith.index_cast %scan3A_624 : i32 to index
          %get3A_626 = arith.constant 0 : index
          %get3A_627 = tpu.vector_load %arg7[%get3A_625, %get3A_626] {strides = array<i32>} : memref<200x32xf32, #tpu.memory_space<vmem>>, vector<16xf32>,
          %bitcast3A_628 = vector.bitcast %get3A_627 : vector<16xf32> to vector<32xbf16>
          %add3A_629 = arith.addf %add3A_617, %bitcast3A_628 : vector<32xbf16>
          %get3A_630 = arith.index_cast %scan3A_624 : i32 to index
          %get3A_631 = arith.constant 16 : index
          %get3A_632 = tpu.vector_load %arg7[%get3A_630, %get3A_631] {strides = array<i32>} : memref<200x32xf32, #tpu.memory_space<vmem>>, vector<16xf32>,
          %bitcast3A_633 = vector.bitcast %get3A_632 : vector<16xf32> to vector<32xbf16>
          %add3A_634 = arith.addf %add3A_622, %bitcast3A_633 : vector<32xbf16>
          %scan3A_635 = arith.constant 5 : i32
          %scan3A_636 = arith.addi %scan3A_576, %scan3A_635 : i32
          %get3A_637 = arith.index_cast %scan3A_636 : i32 to index
          %get3A_638 = arith.constant 0 : index
          %get3A_639 = tpu.vector_load %arg7[%get3A_637, %get3A_638] {strides = array<i32>} : memref<200x32xf32, #tpu.memory_space<vmem>>, vector<16xf32>,
          %bitcast3A_640 = vector.bitcast %get3A_639 : vector<16xf32> to vector<32xbf16>
          %add3A_641 = arith.addf %add3A_629, %bitcast3A_640 : vector<32xbf16>
          %get3A_642 = arith.index_cast %scan3A_636 : i32 to index
          %get3A_643 = arith.constant 16 : index
          %get3A_644 = tpu.vector_load %arg7[%get3A_642, %get3A_643] {strides = array<i32>} : memref<200x32xf32, #tpu.memory_space<vmem>>, vector<16xf32>,
          %bitcast3A_645 = vector.bitcast %get3A_644 : vector<16xf32> to vector<32xbf16>
          %add3A_646 = arith.addf %add3A_634, %bitcast3A_645 : vector<32xbf16>
          %scan3A_647 = arith.constant 6 : i32
          %scan3A_648 = arith.addi %scan3A_576, %scan3A_647 : i32
          %get3A_649 = arith.index_cast %scan3A_648 : i32 to index
          %get3A_650 = arith.constant 0 : index
          %get3A_651 = tpu.vector_load %arg7[%get3A_649, %get3A_650] {strides = array<i32>} : memref<200x32xf32, #tpu.memory_space<vmem>>, vector<16xf32>,
          %bitcast3A_652 = vector.bitcast %get3A_651 : vector<16xf32> to vector<32xbf16>
          %add3A_653 = arith.addf %add3A_641, %bitcast3A_652 : vector<32xbf16>
          %get3A_654 = arith.index_cast %scan3A_648 : i32 to index
          %get3A_655 = arith.constant 16 : index
          %get3A_656 = tpu.vector_load %arg7[%get3A_654, %get3A_655] {strides = array<i32>} : memref<200x32xf32, #tpu.memory_space<vmem>>, vector<16xf32>,
          %bitcast3A_657 = vector.bitcast %get3A_656 : vector<16xf32> to vector<32xbf16>
          %add3A_658 = arith.addf %add3A_646, %bitcast3A_657 : vector<32xbf16>
          %scan3A_659 = arith.constant 7 : i32
          %scan3A_660 = arith.addi %scan3A_576, %scan3A_659 : i32
          %get3A_661 = arith.index_cast %scan3A_660 : i32 to index
          %get3A_662 = arith.constant 0 : index
          %get3A_663 = tpu.vector_load %arg7[%get3A_661, %get3A_662] {strides = array<i32>} : memref<200x32xf32, #tpu.memory_space<vmem>>, vector<16xf32>,
          %bitcast3A_664 = vector.bitcast %get3A_663 : vector<16xf32> to vector<32xbf16>
          %add3A_665 = arith.addf %add3A_653, %bitcast3A_664 : vector<32xbf16>
          %get3A_666 = arith.index_cast %scan3A_660 : i32 to index
          %get3A_667 = arith.constant 16 : index
          %get3A_668 = tpu.vector_load %arg7[%get3A_666, %get3A_667] {strides = array<i32>} : memref<200x32xf32, #tpu.memory_space<vmem>>, vector<16xf32>,
          %bitcast3A_669 = vector.bitcast %get3A_668 : vector<16xf32> to vector<32xbf16>
          %add3A_670 = arith.addf %add3A_658, %bitcast3A_669 : vector<32xbf16>
          scf.yield %add3A_665, %add3A_670 : vector<32xbf16>, vector<32xbf16>
        }
        %scan3A_257 = arith.constant 200 : i32
        %mul3A_258 = arith.constant 5.004880e-03 : bf16
        %mul3A_259 = vector.broadcast %mul3A_258 : bf16 to vector<32xbf16>
        %mul3A_260 = arith.mulf %scan3A_256#0, %mul3A_259 : vector<32xbf16>
        %swap3A_261 = arith.index_cast %add3A_247 : i32 to index
        %swap3A_262 = arith.constant 0 : index
        %swap3A_263 = tpu.vector_load %arg14[%swap3A_261, %swap3A_262] {strides = array<i32>} : memref<64x64xbf16, #tpu.memory_space<vmem>>, vector<32xbf16>,
        tpu.vector_store %arg14[%swap3A_261, %swap3A_262], %mul3A_260 {strides = array<i32>} : memref<64x64xbf16, #tpu.memory_space<vmem>>, vector<32xbf16>,
        %mul3A_264 = arith.constant 5.004880e-03 : bf16
        %mul3A_265 = vector.broadcast %mul3A_264 : bf16 to vector<32xbf16>
        %mul3A_266 = arith.mulf %scan3A_256#1, %mul3A_265 : vector<32xbf16>
        %swap3A_267 = arith.index_cast %add3A_247 : i32 to index
        %swap3A_268 = arith.constant 32 : index
        %swap3A_269 = tpu.vector_load %arg14[%swap3A_267, %swap3A_268] {strides = array<i32>} : memref<64x64xbf16, #tpu.memory_space<vmem>>, vector<32xbf16>,
        tpu.vector_store %arg14[%swap3A_267, %swap3A_268], %mul3A_266 {strides = array<i32>} : memref<64x64xbf16, #tpu.memory_space<vmem>>, vector<32xbf16>,
        %add3A_270 = arith.constant 1 : i32
        %add3A_271 = arith.addi %scan3A_157, %add3A_270 : i32
        %lt3A_272 = arith.constant 8 : i32
        %lt3A_273 = arith.cmpi slt, %add3A_271, %lt3A_272 : i32
        %convert_element_type3A_274 = arith.extui %lt3A_273 : i1 to i32
        %cond3A_275 = arith.constant 0 : i32
        %cond3A_276 = arith.cmpi ne, %convert_element_type3A_274, %cond3A_275 : i32
        scf.if %cond3A_276 {
          %add3A_576 = arith.constant 8 : i32
          %add3A_577 = arith.addi %mul3A_159, %add3A_576 : i32
          %add3A_578 = arith.constant 1 : i32
          %add3A_579 = arith.addi %add3A_577, %add3A_578 : i32
          %dma_start3A_580 = arith.constant 0 : i32
          %dma_start3A_581 = arith.constant 0 : i32
          %dma_start3A_582 = tpu.memref_slice %arg7[%dma_start3A_580, %dma_start3A_581] : memref<200x32xf32, #tpu.memory_space<vmem>> -> memref<128x32xf32, #tpu.memory_space<vmem>>
          %dma_start3A_583 = arith.constant 0 : i32
          %dma_start3A_584 = tpu.memref_slice %arg5[%add3A_579, %dma_start3A_583] : memref<64x200xi32, #tpu.memory_space<vmem>> -> memref<1x128xi32, #tpu.memory_space<vmem>>
          %dma_start3A_585 = tpu.memref_squeeze %dma_start3A_584 : memref<1x128xi32, #tpu.memory_space<vmem>> -> memref<128xi32, #tpu.memory_space<vmem>>
          %dma_start3A_586 = arith.constant 0 : i32
          %dma_start3A_587 = arith.constant 0 : i32
          %dma_start3A_588 = tpu.memref_slice %arg3[%dma_start3A_586, %dma_start3A_587] : memref<1003520x32xf32, #tpu.memory_space<hbm>> -> memref<1003520x32xf32, #tpu.memory_space<hbm>>
          tpu.enqueue_indirect_dma source(%dma_start3A_588 : memref<1003520x32xf32, #tpu.memory_space<hbm>>) target(%dma_start3A_582 : memref<128x32xf32, #tpu.memory_space<vmem>>) offsets(%dma_start3A_585 : memref<128xi32, #tpu.memory_space<vmem>>) semaphore(%arg16 : memref<!tpu.dma_semaphore, #tpu.memory_space<semaphore_mem>>)
          %dma_start3A_589 = arith.constant 128 : i32
          %dma_start3A_590 = arith.constant 0 : i32
          %dma_start3A_591 = tpu.memref_slice %arg7[%dma_start3A_589, %dma_start3A_590] : memref<200x32xf32, #tpu.memory_space<vmem>> -> memref<72x32xf32, #tpu.memory_space<vmem>>
          %dma_start3A_592 = arith.constant 128 : i32
          %dma_start3A_593 = tpu.memref_slice %arg5[%add3A_579, %dma_start3A_592] : memref<64x200xi32, #tpu.memory_space<vmem>> -> memref<1x72xi32, #tpu.memory_space<vmem>>
          %dma_start3A_594 = tpu.memref_squeeze %dma_start3A_593 : memref<1x72xi32, #tpu.memory_space<vmem>> -> memref<72xi32, #tpu.memory_space<vmem>>
          %dma_start3A_595 = arith.constant 0 : i32
          %dma_start3A_596 = arith.constant 0 : i32
          %dma_start3A_597 = tpu.memref_slice %arg3[%dma_start3A_595, %dma_start3A_596] : memref<1003520x32xf32, #tpu.memory_space<hbm>> -> memref<1003520x32xf32, #tpu.memory_space<hbm>>
          tpu.enqueue_indirect_dma source(%dma_start3A_597 : memref<1003520x32xf32, #tpu.memory_space<hbm>>) target(%dma_start3A_591 : memref<72x32xf32, #tpu.memory_space<vmem>>) offsets(%dma_start3A_594 : memref<72xi32, #tpu.memory_space<vmem>>) semaphore(%arg16 : memref<!tpu.dma_semaphore, #tpu.memory_space<semaphore_mem>>)
        } else {
        }
        %add3A_277 = arith.constant 2 : i32
        %add3A_278 = arith.addi %mul3A_159, %add3A_277 : i32
        %dma_wait3A_279 = arith.constant 0 : i32
        %dma_wait3A_280 = arith.constant 0 : i32
        %dma_wait3A_281 = tpu.memref_slice %arg8[%dma_wait3A_279, %dma_wait3A_280] : memref<200x32xf32, #tpu.memory_space<vmem>> -> memref<128x32xf32, #tpu.memory_space<vmem>>
        %dma_wait3A_282 = arith.constant 0 : i32
        %dma_wait3A_283 = tpu.memref_slice %arg5[%add3A_278, %dma_wait3A_282] : memref<64x200xi32, #tpu.memory_space<vmem>> -> memref<1x128xi32, #tpu.memory_space<vmem>>
        %dma_wait3A_284 = tpu.memref_squeeze %dma_wait3A_283 : memref<1x128xi32, #tpu.memory_space<vmem>> -> memref<128xi32, #tpu.memory_space<vmem>>
        %dma_wait3A_285 = arith.constant 0 : i32
        %dma_wait3A_286 = arith.constant 0 : i32
        %dma_wait3A_287 = tpu.memref_slice %arg3[%dma_wait3A_285, %dma_wait3A_286] : memref<1003520x32xf32, #tpu.memory_space<hbm>> -> memref<1003520x32xf32, #tpu.memory_space<hbm>>
        tpu.wait_indirect_dma semaphore(%arg17 : memref<!tpu.dma_semaphore, #tpu.memory_space<semaphore_mem>>) src(%dma_wait3A_287 : memref<1003520x32xf32, #tpu.memory_space<hbm>>) dst(%dma_wait3A_281 : memref<128x32xf32, #tpu.memory_space<vmem>>)
        %dma_wait3A_288 = arith.constant 128 : i32
        %dma_wait3A_289 = arith.constant 0 : i32
        %dma_wait3A_290 = tpu.memref_slice %arg8[%dma_wait3A_288, %dma_wait3A_289] : memref<200x32xf32, #tpu.memory_space<vmem>> -> memref<72x32xf32, #tpu.memory_space<vmem>>
        %dma_wait3A_291 = arith.constant 128 : i32
        %dma_wait3A_292 = tpu.memref_slice %arg5[%add3A_278, %dma_wait3A_291] : memref<64x200xi32, #tpu.memory_space<vmem>> -> memref<1x72xi32, #tpu.memory_space<vmem>>
        %dma_wait3A_293 = tpu.memref_squeeze %dma_wait3A_292 : memref<1x72xi32, #tpu.memory_space<vmem>> -> memref<72xi32, #tpu.memory_space<vmem>>
        %dma_wait3A_294 = arith.constant 0 : i32
        %dma_wait3A_295 = arith.constant 0 : i32
        %dma_wait3A_296 = tpu.memref_slice %arg3[%dma_wait3A_294, %dma_wait3A_295] : memref<1003520x32xf32, #tpu.memory_space<hbm>> -> memref<1003520x32xf32, #tpu.memory_space<hbm>>
        tpu.wait_indirect_dma semaphore(%arg17 : memref<!tpu.dma_semaphore, #tpu.memory_space<semaphore_mem>>) src(%dma_wait3A_296 : memref<1003520x32xf32, #tpu.memory_space<hbm>>) dst(%dma_wait3A_290 : memref<72x32xf32, #tpu.memory_space<vmem>>)
        %add3A_297 = arith.constant 2 : i32
        %add3A_298 = arith.addi %mul3A_159, %add3A_297 : i32
        %broadcast_in_dim3A_299 = arith.constant 0.000000e+00 : bf16
        %broadcast_in_dim3A_300 = vector.broadcast %broadcast_in_dim3A_299 : bf16 to vector<32xbf16>
        %broadcast_in_dim3A_301 = arith.constant 0.000000e+00 : bf16
        %broadcast_in_dim3A_302 = vector.broadcast %broadcast_in_dim3A_301 : bf16 to vector<32xbf16>
        %scan3A_303 = arith.constant 0 : i32
        %scan3A_304 = arith.constant 200 : i32
        %scan3A_305 = arith.addi %scan3A_303, %scan3A_304 : i32
        %scan3A_306 = arith.constant 8 : i32
        %scan3A_307:2 = scf.for %scan3A_576 = %scan3A_303 to %scan3A_305 step %scan3A_306 iter_args(%scan3A_577 = %broadcast_in_dim3A_300, %scan3A_578 = %broadcast_in_dim3A_302) -> (vector<32xbf16>, vector<32xbf16>)  : i32 {
          %get3A = arith.index_cast %scan3A_576 : i32 to index
          %get3A_579 = arith.constant 0 : index
          %get3A_580 = tpu.vector_load %arg8[%get3A, %get3A_579] {strides = array<i32>} : memref<200x32xf32, #tpu.memory_space<vmem>>, vector<16xf32>,
          %bitcast3A = vector.bitcast %get3A_580 : vector<16xf32> to vector<32xbf16>
          %add3A_581 = arith.addf %scan3A_577, %bitcast3A : vector<32xbf16>
          %get3A_582 = arith.index_cast %scan3A_576 : i32 to index
          %get3A_583 = arith.constant 16 : index
          %get3A_584 = tpu.vector_load %arg8[%get3A_582, %get3A_583] {strides = array<i32>} : memref<200x32xf32, #tpu.memory_space<vmem>>, vector<16xf32>,
          %bitcast3A_585 = vector.bitcast %get3A_584 : vector<16xf32> to vector<32xbf16>
          %add3A_586 = arith.addf %scan3A_578, %bitcast3A_585 : vector<32xbf16>
          %scan3A_587 = arith.constant 1 : i32
          %scan3A_588 = arith.addi %scan3A_576, %scan3A_587 : i32
          %get3A_589 = arith.index_cast %scan3A_588 : i32 to index
          %get3A_590 = arith.constant 0 : index
          %get3A_591 = tpu.vector_load %arg8[%get3A_589, %get3A_590] {strides = array<i32>} : memref<200x32xf32, #tpu.memory_space<vmem>>, vector<16xf32>,
          %bitcast3A_592 = vector.bitcast %get3A_591 : vector<16xf32> to vector<32xbf16>
          %add3A_593 = arith.addf %add3A_581, %bitcast3A_592 : vector<32xbf16>
          %get3A_594 = arith.index_cast %scan3A_588 : i32 to index
          %get3A_595 = arith.constant 16 : index
          %get3A_596 = tpu.vector_load %arg8[%get3A_594, %get3A_595] {strides = array<i32>} : memref<200x32xf32, #tpu.memory_space<vmem>>, vector<16xf32>,
          %bitcast3A_597 = vector.bitcast %get3A_596 : vector<16xf32> to vector<32xbf16>
          %add3A_598 = arith.addf %add3A_586, %bitcast3A_597 : vector<32xbf16>
          %scan3A_599 = arith.constant 2 : i32
          %scan3A_600 = arith.addi %scan3A_576, %scan3A_599 : i32
          %get3A_601 = arith.index_cast %scan3A_600 : i32 to index
          %get3A_602 = arith.constant 0 : index
          %get3A_603 = tpu.vector_load %arg8[%get3A_601, %get3A_602] {strides = array<i32>} : memref<200x32xf32, #tpu.memory_space<vmem>>, vector<16xf32>,
          %bitcast3A_604 = vector.bitcast %get3A_603 : vector<16xf32> to vector<32xbf16>
          %add3A_605 = arith.addf %add3A_593, %bitcast3A_604 : vector<32xbf16>
          %get3A_606 = arith.index_cast %scan3A_600 : i32 to index
          %get3A_607 = arith.constant 16 : index
          %get3A_608 = tpu.vector_load %arg8[%get3A_606, %get3A_607] {strides = array<i32>} : memref<200x32xf32, #tpu.memory_space<vmem>>, vector<16xf32>,
          %bitcast3A_609 = vector.bitcast %get3A_608 : vector<16xf32> to vector<32xbf16>
          %add3A_610 = arith.addf %add3A_598, %bitcast3A_609 : vector<32xbf16>
          %scan3A_611 = arith.constant 3 : i32
          %scan3A_612 = arith.addi %scan3A_576, %scan3A_611 : i32
          %get3A_613 = arith.index_cast %scan3A_612 : i32 to index
          %get3A_614 = arith.constant 0 : index
          %get3A_615 = tpu.vector_load %arg8[%get3A_613, %get3A_614] {strides = array<i32>} : memref<200x32xf32, #tpu.memory_space<vmem>>, vector<16xf32>,
          %bitcast3A_616 = vector.bitcast %get3A_615 : vector<16xf32> to vector<32xbf16>
          %add3A_617 = arith.addf %add3A_605, %bitcast3A_616 : vector<32xbf16>
          %get3A_618 = arith.index_cast %scan3A_612 : i32 to index
          %get3A_619 = arith.constant 16 : index
          %get3A_620 = tpu.vector_load %arg8[%get3A_618, %get3A_619] {strides = array<i32>} : memref<200x32xf32, #tpu.memory_space<vmem>>, vector<16xf32>,
          %bitcast3A_621 = vector.bitcast %get3A_620 : vector<16xf32> to vector<32xbf16>
          %add3A_622 = arith.addf %add3A_610, %bitcast3A_621 : vector<32xbf16>
          %scan3A_623 = arith.constant 4 : i32
          %scan3A_624 = arith.addi %scan3A_576, %scan3A_623 : i32
          %get3A_625 = arith.index_cast %scan3A_624 : i32 to index
          %get3A_626 = arith.constant 0 : index
          %get3A_627 = tpu.vector_load %arg8[%get3A_625, %get3A_626] {strides = array<i32>} : memref<200x32xf32, #tpu.memory_space<vmem>>, vector<16xf32>,
          %bitcast3A_628 = vector.bitcast %get3A_627 : vector<16xf32> to vector<32xbf16>
          %add3A_629 = arith.addf %add3A_617, %bitcast3A_628 : vector<32xbf16>
          %get3A_630 = arith.index_cast %scan3A_624 : i32 to index
          %get3A_631 = arith.constant 16 : index
          %get3A_632 = tpu.vector_load %arg8[%get3A_630, %get3A_631] {strides = array<i32>} : memref<200x32xf32, #tpu.memory_space<vmem>>, vector<16xf32>,
          %bitcast3A_633 = vector.bitcast %get3A_632 : vector<16xf32> to vector<32xbf16>
          %add3A_634 = arith.addf %add3A_622, %bitcast3A_633 : vector<32xbf16>
          %scan3A_635 = arith.constant 5 : i32
          %scan3A_636 = arith.addi %scan3A_576, %scan3A_635 : i32
          %get3A_637 = arith.index_cast %scan3A_636 : i32 to index
          %get3A_638 = arith.constant 0 : index
          %get3A_639 = tpu.vector_load %arg8[%get3A_637, %get3A_638] {strides = array<i32>} : memref<200x32xf32, #tpu.memory_space<vmem>>, vector<16xf32>,
          %bitcast3A_640 = vector.bitcast %get3A_639 : vector<16xf32> to vector<32xbf16>
          %add3A_641 = arith.addf %add3A_629, %bitcast3A_640 : vector<32xbf16>
          %get3A_642 = arith.index_cast %scan3A_636 : i32 to index
          %get3A_643 = arith.constant 16 : index
          %get3A_644 = tpu.vector_load %arg8[%get3A_642, %get3A_643] {strides = array<i32>} : memref<200x32xf32, #tpu.memory_space<vmem>>, vector<16xf32>,
          %bitcast3A_645 = vector.bitcast %get3A_644 : vector<16xf32> to vector<32xbf16>
          %add3A_646 = arith.addf %add3A_634, %bitcast3A_645 : vector<32xbf16>
          %scan3A_647 = arith.constant 6 : i32
          %scan3A_648 = arith.addi %scan3A_576, %scan3A_647 : i32
          %get3A_649 = arith.index_cast %scan3A_648 : i32 to index
          %get3A_650 = arith.constant 0 : index
          %get3A_651 = tpu.vector_load %arg8[%get3A_649, %get3A_650] {strides = array<i32>} : memref<200x32xf32, #tpu.memory_space<vmem>>, vector<16xf32>,
          %bitcast3A_652 = vector.bitcast %get3A_651 : vector<16xf32> to vector<32xbf16>
          %add3A_653 = arith.addf %add3A_641, %bitcast3A_652 : vector<32xbf16>
          %get3A_654 = arith.index_cast %scan3A_648 : i32 to index
          %get3A_655 = arith.constant 16 : index
          %get3A_656 = tpu.vector_load %arg8[%get3A_654, %get3A_655] {strides = array<i32>} : memref<200x32xf32, #tpu.memory_space<vmem>>, vector<16xf32>,
          %bitcast3A_657 = vector.bitcast %get3A_656 : vector<16xf32> to vector<32xbf16>
          %add3A_658 = arith.addf %add3A_646, %bitcast3A_657 : vector<32xbf16>
          %scan3A_659 = arith.constant 7 : i32
          %scan3A_660 = arith.addi %scan3A_576, %scan3A_659 : i32
          %get3A_661 = arith.index_cast %scan3A_660 : i32 to index
          %get3A_662 = arith.constant 0 : index
          %get3A_663 = tpu.vector_load %arg8[%get3A_661, %get3A_662] {strides = array<i32>} : memref<200x32xf32, #tpu.memory_space<vmem>>, vector<16xf32>,
          %bitcast3A_664 = vector.bitcast %get3A_663 : vector<16xf32> to vector<32xbf16>
          %add3A_665 = arith.addf %add3A_653, %bitcast3A_664 : vector<32xbf16>
          %get3A_666 = arith.index_cast %scan3A_660 : i32 to index
          %get3A_667 = arith.constant 16 : index
          %get3A_668 = tpu.vector_load %arg8[%get3A_666, %get3A_667] {strides = array<i32>} : memref<200x32xf32, #tpu.memory_space<vmem>>, vector<16xf32>,
          %bitcast3A_669 = vector.bitcast %get3A_668 : vector<16xf32> to vector<32xbf16>
          %add3A_670 = arith.addf %add3A_658, %bitcast3A_669 : vector<32xbf16>
          scf.yield %add3A_665, %add3A_670 : vector<32xbf16>, vector<32xbf16>
        }
        %scan3A_308 = arith.constant 200 : i32
        %mul3A_309 = arith.constant 5.004880e-03 : bf16
        %mul3A_310 = vector.broadcast %mul3A_309 : bf16 to vector<32xbf16>
        %mul3A_311 = arith.mulf %scan3A_307#0, %mul3A_310 : vector<32xbf16>
        %swap3A_312 = arith.index_cast %add3A_298 : i32 to index
        %swap3A_313 = arith.constant 0 : index
        %swap3A_314 = tpu.vector_load %arg14[%swap3A_312, %swap3A_313] {strides = array<i32>} : memref<64x64xbf16, #tpu.memory_space<vmem>>, vector<32xbf16>,
        tpu.vector_store %arg14[%swap3A_312, %swap3A_313], %mul3A_311 {strides = array<i32>} : memref<64x64xbf16, #tpu.memory_space<vmem>>, vector<32xbf16>,
        %mul3A_315 = arith.constant 5.004880e-03 : bf16
        %mul3A_316 = vector.broadcast %mul3A_315 : bf16 to vector<32xbf16>
        %mul3A_317 = arith.mulf %scan3A_307#1, %mul3A_316 : vector<32xbf16>
        %swap3A_318 = arith.index_cast %add3A_298 : i32 to index
        %swap3A_319 = arith.constant 32 : index
        %swap3A_320 = tpu.vector_load %arg14[%swap3A_318, %swap3A_319] {strides = array<i32>} : memref<64x64xbf16, #tpu.memory_space<vmem>>, vector<32xbf16>,
        tpu.vector_store %arg14[%swap3A_318, %swap3A_319], %mul3A_317 {strides = array<i32>} : memref<64x64xbf16, #tpu.memory_space<vmem>>, vector<32xbf16>,
        %add3A_321 = arith.constant 1 : i32
        %add3A_322 = arith.addi %scan3A_157, %add3A_321 : i32
        %lt3A_323 = arith.constant 8 : i32
        %lt3A_324 = arith.cmpi slt, %add3A_322, %lt3A_323 : i32
        %convert_element_type3A_325 = arith.extui %lt3A_324 : i1 to i32
        %cond3A_326 = arith.constant 0 : i32
        %cond3A_327 = arith.cmpi ne, %convert_element_type3A_325, %cond3A_326 : i32
        scf.if %cond3A_327 {
          %add3A_576 = arith.constant 8 : i32
          %add3A_577 = arith.addi %mul3A_159, %add3A_576 : i32
          %add3A_578 = arith.constant 2 : i32
          %add3A_579 = arith.addi %add3A_577, %add3A_578 : i32
          %dma_start3A_580 = arith.constant 0 : i32
          %dma_start3A_581 = arith.constant 0 : i32
          %dma_start3A_582 = tpu.memref_slice %arg8[%dma_start3A_580, %dma_start3A_581] : memref<200x32xf32, #tpu.memory_space<vmem>> -> memref<128x32xf32, #tpu.memory_space<vmem>>
          %dma_start3A_583 = arith.constant 0 : i32
          %dma_start3A_584 = tpu.memref_slice %arg5[%add3A_579, %dma_start3A_583] : memref<64x200xi32, #tpu.memory_space<vmem>> -> memref<1x128xi32, #tpu.memory_space<vmem>>
          %dma_start3A_585 = tpu.memref_squeeze %dma_start3A_584 : memref<1x128xi32, #tpu.memory_space<vmem>> -> memref<128xi32, #tpu.memory_space<vmem>>
          %dma_start3A_586 = arith.constant 0 : i32
          %dma_start3A_587 = arith.constant 0 : i32
          %dma_start3A_588 = tpu.memref_slice %arg3[%dma_start3A_586, %dma_start3A_587] : memref<1003520x32xf32, #tpu.memory_space<hbm>> -> memref<1003520x32xf32, #tpu.memory_space<hbm>>
          tpu.enqueue_indirect_dma source(%dma_start3A_588 : memref<1003520x32xf32, #tpu.memory_space<hbm>>) target(%dma_start3A_582 : memref<128x32xf32, #tpu.memory_space<vmem>>) offsets(%dma_start3A_585 : memref<128xi32, #tpu.memory_space<vmem>>) semaphore(%arg17 : memref<!tpu.dma_semaphore, #tpu.memory_space<semaphore_mem>>)
          %dma_start3A_589 = arith.constant 128 : i32
          %dma_start3A_590 = arith.constant 0 : i32
          %dma_start3A_591 = tpu.memref_slice %arg8[%dma_start3A_589, %dma_start3A_590] : memref<200x32xf32, #tpu.memory_space<vmem>> -> memref<72x32xf32, #tpu.memory_space<vmem>>
          %dma_start3A_592 = arith.constant 128 : i32
          %dma_start3A_593 = tpu.memref_slice %arg5[%add3A_579, %dma_start3A_592] : memref<64x200xi32, #tpu.memory_space<vmem>> -> memref<1x72xi32, #tpu.memory_space<vmem>>
          %dma_start3A_594 = tpu.memref_squeeze %dma_start3A_593 : memref<1x72xi32, #tpu.memory_space<vmem>> -> memref<72xi32, #tpu.memory_space<vmem>>
          %dma_start3A_595 = arith.constant 0 : i32
          %dma_start3A_596 = arith.constant 0 : i32
          %dma_start3A_597 = tpu.memref_slice %arg3[%dma_start3A_595, %dma_start3A_596] : memref<1003520x32xf32, #tpu.memory_space<hbm>> -> memref<1003520x32xf32, #tpu.memory_space<hbm>>
          tpu.enqueue_indirect_dma source(%dma_start3A_597 : memref<1003520x32xf32, #tpu.memory_space<hbm>>) target(%dma_start3A_591 : memref<72x32xf32, #tpu.memory_space<vmem>>) offsets(%dma_start3A_594 : memref<72xi32, #tpu.memory_space<vmem>>) semaphore(%arg17 : memref<!tpu.dma_semaphore, #tpu.memory_space<semaphore_mem>>)
        } else {
        }
        %add3A_328 = arith.constant 3 : i32
        %add3A_329 = arith.addi %mul3A_159, %add3A_328 : i32
        %dma_wait3A_330 = arith.constant 0 : i32
        %dma_wait3A_331 = arith.constant 0 : i32
        %dma_wait3A_332 = tpu.memref_slice %arg9[%dma_wait3A_330, %dma_wait3A_331] : memref<200x32xf32, #tpu.memory_space<vmem>> -> memref<128x32xf32, #tpu.memory_space<vmem>>
        %dma_wait3A_333 = arith.constant 0 : i32
        %dma_wait3A_334 = tpu.memref_slice %arg5[%add3A_329, %dma_wait3A_333] : memref<64x200xi32, #tpu.memory_space<vmem>> -> memref<1x128xi32, #tpu.memory_space<vmem>>
        %dma_wait3A_335 = tpu.memref_squeeze %dma_wait3A_334 : memref<1x128xi32, #tpu.memory_space<vmem>> -> memref<128xi32, #tpu.memory_space<vmem>>
        %dma_wait3A_336 = arith.constant 0 : i32
        %dma_wait3A_337 = arith.constant 0 : i32
        %dma_wait3A_338 = tpu.memref_slice %arg3[%dma_wait3A_336, %dma_wait3A_337] : memref<1003520x32xf32, #tpu.memory_space<hbm>> -> memref<1003520x32xf32, #tpu.memory_space<hbm>>
        tpu.wait_indirect_dma semaphore(%arg18 : memref<!tpu.dma_semaphore, #tpu.memory_space<semaphore_mem>>) src(%dma_wait3A_338 : memref<1003520x32xf32, #tpu.memory_space<hbm>>) dst(%dma_wait3A_332 : memref<128x32xf32, #tpu.memory_space<vmem>>)
        %dma_wait3A_339 = arith.constant 128 : i32
        %dma_wait3A_340 = arith.constant 0 : i32
        %dma_wait3A_341 = tpu.memref_slice %arg9[%dma_wait3A_339, %dma_wait3A_340] : memref<200x32xf32, #tpu.memory_space<vmem>> -> memref<72x32xf32, #tpu.memory_space<vmem>>
        %dma_wait3A_342 = arith.constant 128 : i32
        %dma_wait3A_343 = tpu.memref_slice %arg5[%add3A_329, %dma_wait3A_342] : memref<64x200xi32, #tpu.memory_space<vmem>> -> memref<1x72xi32, #tpu.memory_space<vmem>>
        %dma_wait3A_344 = tpu.memref_squeeze %dma_wait3A_343 : memref<1x72xi32, #tpu.memory_space<vmem>> -> memref<72xi32, #tpu.memory_space<vmem>>
        %dma_wait3A_345 = arith.constant 0 : i32
        %dma_wait3A_346 = arith.constant 0 : i32
        %dma_wait3A_347 = tpu.memref_slice %arg3[%dma_wait3A_345, %dma_wait3A_346] : memref<1003520x32xf32, #tpu.memory_space<hbm>> -> memref<1003520x32xf32, #tpu.memory_space<hbm>>
        tpu.wait_indirect_dma semaphore(%arg18 : memref<!tpu.dma_semaphore, #tpu.memory_space<semaphore_mem>>) src(%dma_wait3A_347 : memref<1003520x32xf32, #tpu.memory_space<hbm>>) dst(%dma_wait3A_341 : memref<72x32xf32, #tpu.memory_space<vmem>>)
        %add3A_348 = arith.constant 3 : i32
        %add3A_349 = arith.addi %mul3A_159, %add3A_348 : i32
        %broadcast_in_dim3A_350 = arith.constant 0.000000e+00 : bf16
        %broadcast_in_dim3A_351 = vector.broadcast %broadcast_in_dim3A_350 : bf16 to vector<32xbf16>
        %broadcast_in_dim3A_352 = arith.constant 0.000000e+00 : bf16
        %broadcast_in_dim3A_353 = vector.broadcast %broadcast_in_dim3A_352 : bf16 to vector<32xbf16>
        %scan3A_354 = arith.constant 0 : i32
        %scan3A_355 = arith.constant 200 : i32
        %scan3A_356 = arith.addi %scan3A_354, %scan3A_355 : i32
        %scan3A_357 = arith.constant 8 : i32
        %scan3A_358:2 = scf.for %scan3A_576 = %scan3A_354 to %scan3A_356 step %scan3A_357 iter_args(%scan3A_577 = %broadcast_in_dim3A_351, %scan3A_578 = %broadcast_in_dim3A_353) -> (vector<32xbf16>, vector<32xbf16>)  : i32 {
          %get3A = arith.index_cast %scan3A_576 : i32 to index
          %get3A_579 = arith.constant 0 : index
          %get3A_580 = tpu.vector_load %arg9[%get3A, %get3A_579] {strides = array<i32>} : memref<200x32xf32, #tpu.memory_space<vmem>>, vector<16xf32>,
          %bitcast3A = vector.bitcast %get3A_580 : vector<16xf32> to vector<32xbf16>
          %add3A_581 = arith.addf %scan3A_577, %bitcast3A : vector<32xbf16>
          %get3A_582 = arith.index_cast %scan3A_576 : i32 to index
          %get3A_583 = arith.constant 16 : index
          %get3A_584 = tpu.vector_load %arg9[%get3A_582, %get3A_583] {strides = array<i32>} : memref<200x32xf32, #tpu.memory_space<vmem>>, vector<16xf32>,
          %bitcast3A_585 = vector.bitcast %get3A_584 : vector<16xf32> to vector<32xbf16>
          %add3A_586 = arith.addf %scan3A_578, %bitcast3A_585 : vector<32xbf16>
          %scan3A_587 = arith.constant 1 : i32
          %scan3A_588 = arith.addi %scan3A_576, %scan3A_587 : i32
          %get3A_589 = arith.index_cast %scan3A_588 : i32 to index
          %get3A_590 = arith.constant 0 : index
          %get3A_591 = tpu.vector_load %arg9[%get3A_589, %get3A_590] {strides = array<i32>} : memref<200x32xf32, #tpu.memory_space<vmem>>, vector<16xf32>,
          %bitcast3A_592 = vector.bitcast %get3A_591 : vector<16xf32> to vector<32xbf16>
          %add3A_593 = arith.addf %add3A_581, %bitcast3A_592 : vector<32xbf16>
          %get3A_594 = arith.index_cast %scan3A_588 : i32 to index
          %get3A_595 = arith.constant 16 : index
          %get3A_596 = tpu.vector_load %arg9[%get3A_594, %get3A_595] {strides = array<i32>} : memref<200x32xf32, #tpu.memory_space<vmem>>, vector<16xf32>,
          %bitcast3A_597 = vector.bitcast %get3A_596 : vector<16xf32> to vector<32xbf16>
          %add3A_598 = arith.addf %add3A_586, %bitcast3A_597 : vector<32xbf16>
          %scan3A_599 = arith.constant 2 : i32
          %scan3A_600 = arith.addi %scan3A_576, %scan3A_599 : i32
          %get3A_601 = arith.index_cast %scan3A_600 : i32 to index
          %get3A_602 = arith.constant 0 : index
          %get3A_603 = tpu.vector_load %arg9[%get3A_601, %get3A_602] {strides = array<i32>} : memref<200x32xf32, #tpu.memory_space<vmem>>, vector<16xf32>,
          %bitcast3A_604 = vector.bitcast %get3A_603 : vector<16xf32> to vector<32xbf16>
          %add3A_605 = arith.addf %add3A_593, %bitcast3A_604 : vector<32xbf16>
          %get3A_606 = arith.index_cast %scan3A_600 : i32 to index
          %get3A_607 = arith.constant 16 : index
          %get3A_608 = tpu.vector_load %arg9[%get3A_606, %get3A_607] {strides = array<i32>} : memref<200x32xf32, #tpu.memory_space<vmem>>, vector<16xf32>,
          %bitcast3A_609 = vector.bitcast %get3A_608 : vector<16xf32> to vector<32xbf16>
          %add3A_610 = arith.addf %add3A_598, %bitcast3A_609 : vector<32xbf16>
          %scan3A_611 = arith.constant 3 : i32
          %scan3A_612 = arith.addi %scan3A_576, %scan3A_611 : i32
          %get3A_613 = arith.index_cast %scan3A_612 : i32 to index
          %get3A_614 = arith.constant 0 : index
          %get3A_615 = tpu.vector_load %arg9[%get3A_613, %get3A_614] {strides = array<i32>} : memref<200x32xf32, #tpu.memory_space<vmem>>, vector<16xf32>,
          %bitcast3A_616 = vector.bitcast %get3A_615 : vector<16xf32> to vector<32xbf16>
          %add3A_617 = arith.addf %add3A_605, %bitcast3A_616 : vector<32xbf16>
          %get3A_618 = arith.index_cast %scan3A_612 : i32 to index
          %get3A_619 = arith.constant 16 : index
          %get3A_620 = tpu.vector_load %arg9[%get3A_618, %get3A_619] {strides = array<i32>} : memref<200x32xf32, #tpu.memory_space<vmem>>, vector<16xf32>,
          %bitcast3A_621 = vector.bitcast %get3A_620 : vector<16xf32> to vector<32xbf16>
          %add3A_622 = arith.addf %add3A_610, %bitcast3A_621 : vector<32xbf16>
          %scan3A_623 = arith.constant 4 : i32
          %scan3A_624 = arith.addi %scan3A_576, %scan3A_623 : i32
          %get3A_625 = arith.index_cast %scan3A_624 : i32 to index
          %get3A_626 = arith.constant 0 : index
          %get3A_627 = tpu.vector_load %arg9[%get3A_625, %get3A_626] {strides = array<i32>} : memref<200x32xf32, #tpu.memory_space<vmem>>, vector<16xf32>,
          %bitcast3A_628 = vector.bitcast %get3A_627 : vector<16xf32> to vector<32xbf16>
          %add3A_629 = arith.addf %add3A_617, %bitcast3A_628 : vector<32xbf16>
          %get3A_630 = arith.index_cast %scan3A_624 : i32 to index
          %get3A_631 = arith.constant 16 : index
          %get3A_632 = tpu.vector_load %arg9[%get3A_630, %get3A_631] {strides = array<i32>} : memref<200x32xf32, #tpu.memory_space<vmem>>, vector<16xf32>,
          %bitcast3A_633 = vector.bitcast %get3A_632 : vector<16xf32> to vector<32xbf16>
          %add3A_634 = arith.addf %add3A_622, %bitcast3A_633 : vector<32xbf16>
          %scan3A_635 = arith.constant 5 : i32
          %scan3A_636 = arith.addi %scan3A_576, %scan3A_635 : i32
          %get3A_637 = arith.index_cast %scan3A_636 : i32 to index
          %get3A_638 = arith.constant 0 : index
          %get3A_639 = tpu.vector_load %arg9[%get3A_637, %get3A_638] {strides = array<i32>} : memref<200x32xf32, #tpu.memory_space<vmem>>, vector<16xf32>,
          %bitcast3A_640 = vector.bitcast %get3A_639 : vector<16xf32> to vector<32xbf16>
          %add3A_641 = arith.addf %add3A_629, %bitcast3A_640 : vector<32xbf16>
          %get3A_642 = arith.index_cast %scan3A_636 : i32 to index
          %get3A_643 = arith.constant 16 : index
          %get3A_644 = tpu.vector_load %arg9[%get3A_642, %get3A_643] {strides = array<i32>} : memref<200x32xf32, #tpu.memory_space<vmem>>, vector<16xf32>,
          %bitcast3A_645 = vector.bitcast %get3A_644 : vector<16xf32> to vector<32xbf16>
          %add3A_646 = arith.addf %add3A_634, %bitcast3A_645 : vector<32xbf16>
          %scan3A_647 = arith.constant 6 : i32
          %scan3A_648 = arith.addi %scan3A_576, %scan3A_647 : i32
          %get3A_649 = arith.index_cast %scan3A_648 : i32 to index
          %get3A_650 = arith.constant 0 : index
          %get3A_651 = tpu.vector_load %arg9[%get3A_649, %get3A_650] {strides = array<i32>} : memref<200x32xf32, #tpu.memory_space<vmem>>, vector<16xf32>,
          %bitcast3A_652 = vector.bitcast %get3A_651 : vector<16xf32> to vector<32xbf16>
          %add3A_653 = arith.addf %add3A_641, %bitcast3A_652 : vector<32xbf16>
          %get3A_654 = arith.index_cast %scan3A_648 : i32 to index
          %get3A_655 = arith.constant 16 : index
          %get3A_656 = tpu.vector_load %arg9[%get3A_654, %get3A_655] {strides = array<i32>} : memref<200x32xf32, #tpu.memory_space<vmem>>, vector<16xf32>,
          %bitcast3A_657 = vector.bitcast %get3A_656 : vector<16xf32> to vector<32xbf16>
          %add3A_658 = arith.addf %add3A_646, %bitcast3A_657 : vector<32xbf16>
          %scan3A_659 = arith.constant 7 : i32
          %scan3A_660 = arith.addi %scan3A_576, %scan3A_659 : i32
          %get3A_661 = arith.index_cast %scan3A_660 : i32 to index
          %get3A_662 = arith.constant 0 : index
          %get3A_663 = tpu.vector_load %arg9[%get3A_661, %get3A_662] {strides = array<i32>} : memref<200x32xf32, #tpu.memory_space<vmem>>, vector<16xf32>,
          %bitcast3A_664 = vector.bitcast %get3A_663 : vector<16xf32> to vector<32xbf16>
          %add3A_665 = arith.addf %add3A_653, %bitcast3A_664 : vector<32xbf16>
          %get3A_666 = arith.index_cast %scan3A_660 : i32 to index
          %get3A_667 = arith.constant 16 : index
          %get3A_668 = tpu.vector_load %arg9[%get3A_666, %get3A_667] {strides = array<i32>} : memref<200x32xf32, #tpu.memory_space<vmem>>, vector<16xf32>,
          %bitcast3A_669 = vector.bitcast %get3A_668 : vector<16xf32> to vector<32xbf16>
          %add3A_670 = arith.addf %add3A_658, %bitcast3A_669 : vector<32xbf16>
          scf.yield %add3A_665, %add3A_670 : vector<32xbf16>, vector<32xbf16>
        }
        %scan3A_359 = arith.constant 200 : i32
        %mul3A_360 = arith.constant 5.004880e-03 : bf16
        %mul3A_361 = vector.broadcast %mul3A_360 : bf16 to vector<32xbf16>
        %mul3A_362 = arith.mulf %scan3A_358#0, %mul3A_361 : vector<32xbf16>
        %swap3A_363 = arith.index_cast %add3A_349 : i32 to index
        %swap3A_364 = arith.constant 0 : index
        %swap3A_365 = tpu.vector_load %arg14[%swap3A_363, %swap3A_364] {strides = array<i32>} : memref<64x64xbf16, #tpu.memory_space<vmem>>, vector<32xbf16>,
        tpu.vector_store %arg14[%swap3A_363, %swap3A_364], %mul3A_362 {strides = array<i32>} : memref<64x64xbf16, #tpu.memory_space<vmem>>, vector<32xbf16>,
        %mul3A_366 = arith.constant 5.004880e-03 : bf16
        %mul3A_367 = vector.broadcast %mul3A_366 : bf16 to vector<32xbf16>
        %mul3A_368 = arith.mulf %scan3A_358#1, %mul3A_367 : vector<32xbf16>
        %swap3A_369 = arith.index_cast %add3A_349 : i32 to index
        %swap3A_370 = arith.constant 32 : index
        %swap3A_371 = tpu.vector_load %arg14[%swap3A_369, %swap3A_370] {strides = array<i32>} : memref<64x64xbf16, #tpu.memory_space<vmem>>, vector<32xbf16>,
        tpu.vector_store %arg14[%swap3A_369, %swap3A_370], %mul3A_368 {strides = array<i32>} : memref<64x64xbf16, #tpu.memory_space<vmem>>, vector<32xbf16>,
        %add3A_372 = arith.constant 1 : i32
        %add3A_373 = arith.addi %scan3A_157, %add3A_372 : i32
        %lt3A_374 = arith.constant 8 : i32
        %lt3A_375 = arith.cmpi slt, %add3A_373, %lt3A_374 : i32
        %convert_element_type3A_376 = arith.extui %lt3A_375 : i1 to i32
        %cond3A_377 = arith.constant 0 : i32
        %cond3A_378 = arith.cmpi ne, %convert_element_type3A_376, %cond3A_377 : i32
        scf.if %cond3A_378 {
          %add3A_576 = arith.constant 8 : i32
          %add3A_577 = arith.addi %mul3A_159, %add3A_576 : i32
          %add3A_578 = arith.constant 3 : i32
          %add3A_579 = arith.addi %add3A_577, %add3A_578 : i32
          %dma_start3A_580 = arith.constant 0 : i32
          %dma_start3A_581 = arith.constant 0 : i32
          %dma_start3A_582 = tpu.memref_slice %arg9[%dma_start3A_580, %dma_start3A_581] : memref<200x32xf32, #tpu.memory_space<vmem>> -> memref<128x32xf32, #tpu.memory_space<vmem>>
          %dma_start3A_583 = arith.constant 0 : i32
          %dma_start3A_584 = tpu.memref_slice %arg5[%add3A_579, %dma_start3A_583] : memref<64x200xi32, #tpu.memory_space<vmem>> -> memref<1x128xi32, #tpu.memory_space<vmem>>
          %dma_start3A_585 = tpu.memref_squeeze %dma_start3A_584 : memref<1x128xi32, #tpu.memory_space<vmem>> -> memref<128xi32, #tpu.memory_space<vmem>>
          %dma_start3A_586 = arith.constant 0 : i32
          %dma_start3A_587 = arith.constant 0 : i32
          %dma_start3A_588 = tpu.memref_slice %arg3[%dma_start3A_586, %dma_start3A_587] : memref<1003520x32xf32, #tpu.memory_space<hbm>> -> memref<1003520x32xf32, #tpu.memory_space<hbm>>
          tpu.enqueue_indirect_dma source(%dma_start3A_588 : memref<1003520x32xf32, #tpu.memory_space<hbm>>) target(%dma_start3A_582 : memref<128x32xf32, #tpu.memory_space<vmem>>) offsets(%dma_start3A_585 : memref<128xi32, #tpu.memory_space<vmem>>) semaphore(%arg18 : memref<!tpu.dma_semaphore, #tpu.memory_space<semaphore_mem>>)
          %dma_start3A_589 = arith.constant 128 : i32
          %dma_start3A_590 = arith.constant 0 : i32
          %dma_start3A_591 = tpu.memref_slice %arg9[%dma_start3A_589, %dma_start3A_590] : memref<200x32xf32, #tpu.memory_space<vmem>> -> memref<72x32xf32, #tpu.memory_space<vmem>>
          %dma_start3A_592 = arith.constant 128 : i32
          %dma_start3A_593 = tpu.memref_slice %arg5[%add3A_579, %dma_start3A_592] : memref<64x200xi32, #tpu.memory_space<vmem>> -> memref<1x72xi32, #tpu.memory_space<vmem>>
          %dma_start3A_594 = tpu.memref_squeeze %dma_start3A_593 : memref<1x72xi32, #tpu.memory_space<vmem>> -> memref<72xi32, #tpu.memory_space<vmem>>
          %dma_start3A_595 = arith.constant 0 : i32
          %dma_start3A_596 = arith.constant 0 : i32
          %dma_start3A_597 = tpu.memref_slice %arg3[%dma_start3A_595, %dma_start3A_596] : memref<1003520x32xf32, #tpu.memory_space<hbm>> -> memref<1003520x32xf32, #tpu.memory_space<hbm>>
          tpu.enqueue_indirect_dma source(%dma_start3A_597 : memref<1003520x32xf32, #tpu.memory_space<hbm>>) target(%dma_start3A_591 : memref<72x32xf32, #tpu.memory_space<vmem>>) offsets(%dma_start3A_594 : memref<72xi32, #tpu.memory_space<vmem>>) semaphore(%arg18 : memref<!tpu.dma_semaphore, #tpu.memory_space<semaphore_mem>>)
        } else {
        }
        %add3A_379 = arith.constant 4 : i32
        %add3A_380 = arith.addi %mul3A_159, %add3A_379 : i32
        %dma_wait3A_381 = arith.constant 0 : i32
        %dma_wait3A_382 = arith.constant 0 : i32
        %dma_wait3A_383 = tpu.memref_slice %arg10[%dma_wait3A_381, %dma_wait3A_382] : memref<200x32xf32, #tpu.memory_space<vmem>> -> memref<128x32xf32, #tpu.memory_space<vmem>>
        %dma_wait3A_384 = arith.constant 0 : i32
        %dma_wait3A_385 = tpu.memref_slice %arg5[%add3A_380, %dma_wait3A_384] : memref<64x200xi32, #tpu.memory_space<vmem>> -> memref<1x128xi32, #tpu.memory_space<vmem>>
        %dma_wait3A_386 = tpu.memref_squeeze %dma_wait3A_385 : memref<1x128xi32, #tpu.memory_space<vmem>> -> memref<128xi32, #tpu.memory_space<vmem>>
        %dma_wait3A_387 = arith.constant 0 : i32
        %dma_wait3A_388 = arith.constant 0 : i32
        %dma_wait3A_389 = tpu.memref_slice %arg3[%dma_wait3A_387, %dma_wait3A_388] : memref<1003520x32xf32, #tpu.memory_space<hbm>> -> memref<1003520x32xf32, #tpu.memory_space<hbm>>
        tpu.wait_indirect_dma semaphore(%arg19 : memref<!tpu.dma_semaphore, #tpu.memory_space<semaphore_mem>>) src(%dma_wait3A_389 : memref<1003520x32xf32, #tpu.memory_space<hbm>>) dst(%dma_wait3A_383 : memref<128x32xf32, #tpu.memory_space<vmem>>)
        %dma_wait3A_390 = arith.constant 128 : i32
        %dma_wait3A_391 = arith.constant 0 : i32
        %dma_wait3A_392 = tpu.memref_slice %arg10[%dma_wait3A_390, %dma_wait3A_391] : memref<200x32xf32, #tpu.memory_space<vmem>> -> memref<72x32xf32, #tpu.memory_space<vmem>>
        %dma_wait3A_393 = arith.constant 128 : i32
        %dma_wait3A_394 = tpu.memref_slice %arg5[%add3A_380, %dma_wait3A_393] : memref<64x200xi32, #tpu.memory_space<vmem>> -> memref<1x72xi32, #tpu.memory_space<vmem>>
        %dma_wait3A_395 = tpu.memref_squeeze %dma_wait3A_394 : memref<1x72xi32, #tpu.memory_space<vmem>> -> memref<72xi32, #tpu.memory_space<vmem>>
        %dma_wait3A_396 = arith.constant 0 : i32
        %dma_wait3A_397 = arith.constant 0 : i32
        %dma_wait3A_398 = tpu.memref_slice %arg3[%dma_wait3A_396, %dma_wait3A_397] : memref<1003520x32xf32, #tpu.memory_space<hbm>> -> memref<1003520x32xf32, #tpu.memory_space<hbm>>
        tpu.wait_indirect_dma semaphore(%arg19 : memref<!tpu.dma_semaphore, #tpu.memory_space<semaphore_mem>>) src(%dma_wait3A_398 : memref<1003520x32xf32, #tpu.memory_space<hbm>>) dst(%dma_wait3A_392 : memref<72x32xf32, #tpu.memory_space<vmem>>)
        %add3A_399 = arith.constant 4 : i32
        %add3A_400 = arith.addi %mul3A_159, %add3A_399 : i32
        %broadcast_in_dim3A_401 = arith.constant 0.000000e+00 : bf16
        %broadcast_in_dim3A_402 = vector.broadcast %broadcast_in_dim3A_401 : bf16 to vector<32xbf16>
        %broadcast_in_dim3A_403 = arith.constant 0.000000e+00 : bf16
        %broadcast_in_dim3A_404 = vector.broadcast %broadcast_in_dim3A_403 : bf16 to vector<32xbf16>
        %scan3A_405 = arith.constant 0 : i32
        %scan3A_406 = arith.constant 200 : i32
        %scan3A_407 = arith.addi %scan3A_405, %scan3A_406 : i32
        %scan3A_408 = arith.constant 8 : i32
        %scan3A_409:2 = scf.for %scan3A_576 = %scan3A_405 to %scan3A_407 step %scan3A_408 iter_args(%scan3A_577 = %broadcast_in_dim3A_402, %scan3A_578 = %broadcast_in_dim3A_404) -> (vector<32xbf16>, vector<32xbf16>)  : i32 {
          %get3A = arith.index_cast %scan3A_576 : i32 to index
          %get3A_579 = arith.constant 0 : index
          %get3A_580 = tpu.vector_load %arg10[%get3A, %get3A_579] {strides = array<i32>} : memref<200x32xf32, #tpu.memory_space<vmem>>, vector<16xf32>,
          %bitcast3A = vector.bitcast %get3A_580 : vector<16xf32> to vector<32xbf16>
          %add3A_581 = arith.addf %scan3A_577, %bitcast3A : vector<32xbf16>
          %get3A_582 = arith.index_cast %scan3A_576 : i32 to index
          %get3A_583 = arith.constant 16 : index
          %get3A_584 = tpu.vector_load %arg10[%get3A_582, %get3A_583] {strides = array<i32>} : memref<200x32xf32, #tpu.memory_space<vmem>>, vector<16xf32>,
          %bitcast3A_585 = vector.bitcast %get3A_584 : vector<16xf32> to vector<32xbf16>
          %add3A_586 = arith.addf %scan3A_578, %bitcast3A_585 : vector<32xbf16>
          %scan3A_587 = arith.constant 1 : i32
          %scan3A_588 = arith.addi %scan3A_576, %scan3A_587 : i32
          %get3A_589 = arith.index_cast %scan3A_588 : i32 to index
          %get3A_590 = arith.constant 0 : index
          %get3A_591 = tpu.vector_load %arg10[%get3A_589, %get3A_590] {strides = array<i32>} : memref<200x32xf32, #tpu.memory_space<vmem>>, vector<16xf32>,
          %bitcast3A_592 = vector.bitcast %get3A_591 : vector<16xf32> to vector<32xbf16>
          %add3A_593 = arith.addf %add3A_581, %bitcast3A_592 : vector<32xbf16>
          %get3A_594 = arith.index_cast %scan3A_588 : i32 to index
          %get3A_595 = arith.constant 16 : index
          %get3A_596 = tpu.vector_load %arg10[%get3A_594, %get3A_595] {strides = array<i32>} : memref<200x32xf32, #tpu.memory_space<vmem>>, vector<16xf32>,
          %bitcast3A_597 = vector.bitcast %get3A_596 : vector<16xf32> to vector<32xbf16>
          %add3A_598 = arith.addf %add3A_586, %bitcast3A_597 : vector<32xbf16>
          %scan3A_599 = arith.constant 2 : i32
          %scan3A_600 = arith.addi %scan3A_576, %scan3A_599 : i32
          %get3A_601 = arith.index_cast %scan3A_600 : i32 to index
          %get3A_602 = arith.constant 0 : index
          %get3A_603 = tpu.vector_load %arg10[%get3A_601, %get3A_602] {strides = array<i32>} : memref<200x32xf32, #tpu.memory_space<vmem>>, vector<16xf32>,
          %bitcast3A_604 = vector.bitcast %get3A_603 : vector<16xf32> to vector<32xbf16>
          %add3A_605 = arith.addf %add3A_593, %bitcast3A_604 : vector<32xbf16>
          %get3A_606 = arith.index_cast %scan3A_600 : i32 to index
          %get3A_607 = arith.constant 16 : index
          %get3A_608 = tpu.vector_load %arg10[%get3A_606, %get3A_607] {strides = array<i32>} : memref<200x32xf32, #tpu.memory_space<vmem>>, vector<16xf32>,
          %bitcast3A_609 = vector.bitcast %get3A_608 : vector<16xf32> to vector<32xbf16>
          %add3A_610 = arith.addf %add3A_598, %bitcast3A_609 : vector<32xbf16>
          %scan3A_611 = arith.constant 3 : i32
          %scan3A_612 = arith.addi %scan3A_576, %scan3A_611 : i32
          %get3A_613 = arith.index_cast %scan3A_612 : i32 to index
          %get3A_614 = arith.constant 0 : index
          %get3A_615 = tpu.vector_load %arg10[%get3A_613, %get3A_614] {strides = array<i32>} : memref<200x32xf32, #tpu.memory_space<vmem>>, vector<16xf32>,
          %bitcast3A_616 = vector.bitcast %get3A_615 : vector<16xf32> to vector<32xbf16>
          %add3A_617 = arith.addf %add3A_605, %bitcast3A_616 : vector<32xbf16>
          %get3A_618 = arith.index_cast %scan3A_612 : i32 to index
          %get3A_619 = arith.constant 16 : index
          %get3A_620 = tpu.vector_load %arg10[%get3A_618, %get3A_619] {strides = array<i32>} : memref<200x32xf32, #tpu.memory_space<vmem>>, vector<16xf32>,
          %bitcast3A_621 = vector.bitcast %get3A_620 : vector<16xf32> to vector<32xbf16>
          %add3A_622 = arith.addf %add3A_610, %bitcast3A_621 : vector<32xbf16>
          %scan3A_623 = arith.constant 4 : i32
          %scan3A_624 = arith.addi %scan3A_576, %scan3A_623 : i32
          %get3A_625 = arith.index_cast %scan3A_624 : i32 to index
          %get3A_626 = arith.constant 0 : index
          %get3A_627 = tpu.vector_load %arg10[%get3A_625, %get3A_626] {strides = array<i32>} : memref<200x32xf32, #tpu.memory_space<vmem>>, vector<16xf32>,
          %bitcast3A_628 = vector.bitcast %get3A_627 : vector<16xf32> to vector<32xbf16>
          %add3A_629 = arith.addf %add3A_617, %bitcast3A_628 : vector<32xbf16>
          %get3A_630 = arith.index_cast %scan3A_624 : i32 to index
          %get3A_631 = arith.constant 16 : index
          %get3A_632 = tpu.vector_load %arg10[%get3A_630, %get3A_631] {strides = array<i32>} : memref<200x32xf32, #tpu.memory_space<vmem>>, vector<16xf32>,
          %bitcast3A_633 = vector.bitcast %get3A_632 : vector<16xf32> to vector<32xbf16>
          %add3A_634 = arith.addf %add3A_622, %bitcast3A_633 : vector<32xbf16>
          %scan3A_635 = arith.constant 5 : i32
          %scan3A_636 = arith.addi %scan3A_576, %scan3A_635 : i32
          %get3A_637 = arith.index_cast %scan3A_636 : i32 to index
          %get3A_638 = arith.constant 0 : index
          %get3A_639 = tpu.vector_load %arg10[%get3A_637, %get3A_638] {strides = array<i32>} : memref<200x32xf32, #tpu.memory_space<vmem>>, vector<16xf32>,
          %bitcast3A_640 = vector.bitcast %get3A_639 : vector<16xf32> to vector<32xbf16>
          %add3A_641 = arith.addf %add3A_629, %bitcast3A_640 : vector<32xbf16>
          %get3A_642 = arith.index_cast %scan3A_636 : i32 to index
          %get3A_643 = arith.constant 16 : index
          %get3A_644 = tpu.vector_load %arg10[%get3A_642, %get3A_643] {strides = array<i32>} : memref<200x32xf32, #tpu.memory_space<vmem>>, vector<16xf32>,
          %bitcast3A_645 = vector.bitcast %get3A_644 : vector<16xf32> to vector<32xbf16>
          %add3A_646 = arith.addf %add3A_634, %bitcast3A_645 : vector<32xbf16>
          %scan3A_647 = arith.constant 6 : i32
          %scan3A_648 = arith.addi %scan3A_576, %scan3A_647 : i32
          %get3A_649 = arith.index_cast %scan3A_648 : i32 to index
          %get3A_650 = arith.constant 0 : index
          %get3A_651 = tpu.vector_load %arg10[%get3A_649, %get3A_650] {strides = array<i32>} : memref<200x32xf32, #tpu.memory_space<vmem>>, vector<16xf32>,
          %bitcast3A_652 = vector.bitcast %get3A_651 : vector<16xf32> to vector<32xbf16>
          %add3A_653 = arith.addf %add3A_641, %bitcast3A_652 : vector<32xbf16>
          %get3A_654 = arith.index_cast %scan3A_648 : i32 to index
          %get3A_655 = arith.constant 16 : index
          %get3A_656 = tpu.vector_load %arg10[%get3A_654, %get3A_655] {strides = array<i32>} : memref<200x32xf32, #tpu.memory_space<vmem>>, vector<16xf32>,
          %bitcast3A_657 = vector.bitcast %get3A_656 : vector<16xf32> to vector<32xbf16>
          %add3A_658 = arith.addf %add3A_646, %bitcast3A_657 : vector<32xbf16>
          %scan3A_659 = arith.constant 7 : i32
          %scan3A_660 = arith.addi %scan3A_576, %scan3A_659 : i32
          %get3A_661 = arith.index_cast %scan3A_660 : i32 to index
          %get3A_662 = arith.constant 0 : index
          %get3A_663 = tpu.vector_load %arg10[%get3A_661, %get3A_662] {strides = array<i32>} : memref<200x32xf32, #tpu.memory_space<vmem>>, vector<16xf32>,
          %bitcast3A_664 = vector.bitcast %get3A_663 : vector<16xf32> to vector<32xbf16>
          %add3A_665 = arith.addf %add3A_653, %bitcast3A_664 : vector<32xbf16>
          %get3A_666 = arith.index_cast %scan3A_660 : i32 to index
          %get3A_667 = arith.constant 16 : index
          %get3A_668 = tpu.vector_load %arg10[%get3A_666, %get3A_667] {strides = array<i32>} : memref<200x32xf32, #tpu.memory_space<vmem>>, vector<16xf32>,
          %bitcast3A_669 = vector.bitcast %get3A_668 : vector<16xf32> to vector<32xbf16>
          %add3A_670 = arith.addf %add3A_658, %bitcast3A_669 : vector<32xbf16>
          scf.yield %add3A_665, %add3A_670 : vector<32xbf16>, vector<32xbf16>
        }
        %scan3A_410 = arith.constant 200 : i32
        %mul3A_411 = arith.constant 5.004880e-03 : bf16
        %mul3A_412 = vector.broadcast %mul3A_411 : bf16 to vector<32xbf16>
        %mul3A_413 = arith.mulf %scan3A_409#0, %mul3A_412 : vector<32xbf16>
        %swap3A_414 = arith.index_cast %add3A_400 : i32 to index
        %swap3A_415 = arith.constant 0 : index
        %swap3A_416 = tpu.vector_load %arg14[%swap3A_414, %swap3A_415] {strides = array<i32>} : memref<64x64xbf16, #tpu.memory_space<vmem>>, vector<32xbf16>,
        tpu.vector_store %arg14[%swap3A_414, %swap3A_415], %mul3A_413 {strides = array<i32>} : memref<64x64xbf16, #tpu.memory_space<vmem>>, vector<32xbf16>,
        %mul3A_417 = arith.constant 5.004880e-03 : bf16
        %mul3A_418 = vector.broadcast %mul3A_417 : bf16 to vector<32xbf16>
        %mul3A_419 = arith.mulf %scan3A_409#1, %mul3A_418 : vector<32xbf16>
        %swap3A_420 = arith.index_cast %add3A_400 : i32 to index
        %swap3A_421 = arith.constant 32 : index
        %swap3A_422 = tpu.vector_load %arg14[%swap3A_420, %swap3A_421] {strides = array<i32>} : memref<64x64xbf16, #tpu.memory_space<vmem>>, vector<32xbf16>,
        tpu.vector_store %arg14[%swap3A_420, %swap3A_421], %mul3A_419 {strides = array<i32>} : memref<64x64xbf16, #tpu.memory_space<vmem>>, vector<32xbf16>,
        %add3A_423 = arith.constant 1 : i32
        %add3A_424 = arith.addi %scan3A_157, %add3A_423 : i32
        %lt3A_425 = arith.constant 8 : i32
        %lt3A_426 = arith.cmpi slt, %add3A_424, %lt3A_425 : i32
        %convert_element_type3A_427 = arith.extui %lt3A_426 : i1 to i32
        %cond3A_428 = arith.constant 0 : i32
        %cond3A_429 = arith.cmpi ne, %convert_element_type3A_427, %cond3A_428 : i32
        scf.if %cond3A_429 {
          %add3A_576 = arith.constant 8 : i32
          %add3A_577 = arith.addi %mul3A_159, %add3A_576 : i32
          %add3A_578 = arith.constant 4 : i32
          %add3A_579 = arith.addi %add3A_577, %add3A_578 : i32
          %dma_start3A_580 = arith.constant 0 : i32
          %dma_start3A_581 = arith.constant 0 : i32
          %dma_start3A_582 = tpu.memref_slice %arg10[%dma_start3A_580, %dma_start3A_581] : memref<200x32xf32, #tpu.memory_space<vmem>> -> memref<128x32xf32, #tpu.memory_space<vmem>>
          %dma_start3A_583 = arith.constant 0 : i32
          %dma_start3A_584 = tpu.memref_slice %arg5[%add3A_579, %dma_start3A_583] : memref<64x200xi32, #tpu.memory_space<vmem>> -> memref<1x128xi32, #tpu.memory_space<vmem>>
          %dma_start3A_585 = tpu.memref_squeeze %dma_start3A_584 : memref<1x128xi32, #tpu.memory_space<vmem>> -> memref<128xi32, #tpu.memory_space<vmem>>
          %dma_start3A_586 = arith.constant 0 : i32
          %dma_start3A_587 = arith.constant 0 : i32
          %dma_start3A_588 = tpu.memref_slice %arg3[%dma_start3A_586, %dma_start3A_587] : memref<1003520x32xf32, #tpu.memory_space<hbm>> -> memref<1003520x32xf32, #tpu.memory_space<hbm>>
          tpu.enqueue_indirect_dma source(%dma_start3A_588 : memref<1003520x32xf32, #tpu.memory_space<hbm>>) target(%dma_start3A_582 : memref<128x32xf32, #tpu.memory_space<vmem>>) offsets(%dma_start3A_585 : memref<128xi32, #tpu.memory_space<vmem>>) semaphore(%arg19 : memref<!tpu.dma_semaphore, #tpu.memory_space<semaphore_mem>>)
          %dma_start3A_589 = arith.constant 128 : i32
          %dma_start3A_590 = arith.constant 0 : i32
          %dma_start3A_591 = tpu.memref_slice %arg10[%dma_start3A_589, %dma_start3A_590] : memref<200x32xf32, #tpu.memory_space<vmem>> -> memref<72x32xf32, #tpu.memory_space<vmem>>
          %dma_start3A_592 = arith.constant 128 : i32
          %dma_start3A_593 = tpu.memref_slice %arg5[%add3A_579, %dma_start3A_592] : memref<64x200xi32, #tpu.memory_space<vmem>> -> memref<1x72xi32, #tpu.memory_space<vmem>>
          %dma_start3A_594 = tpu.memref_squeeze %dma_start3A_593 : memref<1x72xi32, #tpu.memory_space<vmem>> -> memref<72xi32, #tpu.memory_space<vmem>>
          %dma_start3A_595 = arith.constant 0 : i32
          %dma_start3A_596 = arith.constant 0 : i32
          %dma_start3A_597 = tpu.memref_slice %arg3[%dma_start3A_595, %dma_start3A_596] : memref<1003520x32xf32, #tpu.memory_space<hbm>> -> memref<1003520x32xf32, #tpu.memory_space<hbm>>
          tpu.enqueue_indirect_dma source(%dma_start3A_597 : memref<1003520x32xf32, #tpu.memory_space<hbm>>) target(%dma_start3A_591 : memref<72x32xf32, #tpu.memory_space<vmem>>) offsets(%dma_start3A_594 : memref<72xi32, #tpu.memory_space<vmem>>) semaphore(%arg19 : memref<!tpu.dma_semaphore, #tpu.memory_space<semaphore_mem>>)
        } else {
        }
        %add3A_430 = arith.constant 5 : i32
        %add3A_431 = arith.addi %mul3A_159, %add3A_430 : i32
        %dma_wait3A_432 = arith.constant 0 : i32
        %dma_wait3A_433 = arith.constant 0 : i32
        %dma_wait3A_434 = tpu.memref_slice %arg11[%dma_wait3A_432, %dma_wait3A_433] : memref<200x32xf32, #tpu.memory_space<vmem>> -> memref<128x32xf32, #tpu.memory_space<vmem>>
        %dma_wait3A_435 = arith.constant 0 : i32
        %dma_wait3A_436 = tpu.memref_slice %arg5[%add3A_431, %dma_wait3A_435] : memref<64x200xi32, #tpu.memory_space<vmem>> -> memref<1x128xi32, #tpu.memory_space<vmem>>
        %dma_wait3A_437 = tpu.memref_squeeze %dma_wait3A_436 : memref<1x128xi32, #tpu.memory_space<vmem>> -> memref<128xi32, #tpu.memory_space<vmem>>
        %dma_wait3A_438 = arith.constant 0 : i32
        %dma_wait3A_439 = arith.constant 0 : i32
        %dma_wait3A_440 = tpu.memref_slice %arg3[%dma_wait3A_438, %dma_wait3A_439] : memref<1003520x32xf32, #tpu.memory_space<hbm>> -> memref<1003520x32xf32, #tpu.memory_space<hbm>>
        tpu.wait_indirect_dma semaphore(%arg20 : memref<!tpu.dma_semaphore, #tpu.memory_space<semaphore_mem>>) src(%dma_wait3A_440 : memref<1003520x32xf32, #tpu.memory_space<hbm>>) dst(%dma_wait3A_434 : memref<128x32xf32, #tpu.memory_space<vmem>>)
        %dma_wait3A_441 = arith.constant 128 : i32
        %dma_wait3A_442 = arith.constant 0 : i32
        %dma_wait3A_443 = tpu.memref_slice %arg11[%dma_wait3A_441, %dma_wait3A_442] : memref<200x32xf32, #tpu.memory_space<vmem>> -> memref<72x32xf32, #tpu.memory_space<vmem>>
        %dma_wait3A_444 = arith.constant 128 : i32
        %dma_wait3A_445 = tpu.memref_slice %arg5[%add3A_431, %dma_wait3A_444] : memref<64x200xi32, #tpu.memory_space<vmem>> -> memref<1x72xi32, #tpu.memory_space<vmem>>
        %dma_wait3A_446 = tpu.memref_squeeze %dma_wait3A_445 : memref<1x72xi32, #tpu.memory_space<vmem>> -> memref<72xi32, #tpu.memory_space<vmem>>
        %dma_wait3A_447 = arith.constant 0 : i32
        %dma_wait3A_448 = arith.constant 0 : i32
        %dma_wait3A_449 = tpu.memref_slice %arg3[%dma_wait3A_447, %dma_wait3A_448] : memref<1003520x32xf32, #tpu.memory_space<hbm>> -> memref<1003520x32xf32, #tpu.memory_space<hbm>>
        tpu.wait_indirect_dma semaphore(%arg20 : memref<!tpu.dma_semaphore, #tpu.memory_space<semaphore_mem>>) src(%dma_wait3A_449 : memref<1003520x32xf32, #tpu.memory_space<hbm>>) dst(%dma_wait3A_443 : memref<72x32xf32, #tpu.memory_space<vmem>>)
        %add3A_450 = arith.constant 5 : i32
        %add3A_451 = arith.addi %mul3A_159, %add3A_450 : i32
        %broadcast_in_dim3A_452 = arith.constant 0.000000e+00 : bf16
        %broadcast_in_dim3A_453 = vector.broadcast %broadcast_in_dim3A_452 : bf16 to vector<32xbf16>
        %broadcast_in_dim3A_454 = arith.constant 0.000000e+00 : bf16
        %broadcast_in_dim3A_455 = vector.broadcast %broadcast_in_dim3A_454 : bf16 to vector<32xbf16>
        %scan3A_456 = arith.constant 0 : i32
        %scan3A_457 = arith.constant 200 : i32
        %scan3A_458 = arith.addi %scan3A_456, %scan3A_457 : i32
        %scan3A_459 = arith.constant 8 : i32
        %scan3A_460:2 = scf.for %scan3A_576 = %scan3A_456 to %scan3A_458 step %scan3A_459 iter_args(%scan3A_577 = %broadcast_in_dim3A_453, %scan3A_578 = %broadcast_in_dim3A_455) -> (vector<32xbf16>, vector<32xbf16>)  : i32 {
          %get3A = arith.index_cast %scan3A_576 : i32 to index
          %get3A_579 = arith.constant 0 : index
          %get3A_580 = tpu.vector_load %arg11[%get3A, %get3A_579] {strides = array<i32>} : memref<200x32xf32, #tpu.memory_space<vmem>>, vector<16xf32>,
          %bitcast3A = vector.bitcast %get3A_580 : vector<16xf32> to vector<32xbf16>
          %add3A_581 = arith.addf %scan3A_577, %bitcast3A : vector<32xbf16>
          %get3A_582 = arith.index_cast %scan3A_576 : i32 to index
          %get3A_583 = arith.constant 16 : index
          %get3A_584 = tpu.vector_load %arg11[%get3A_582, %get3A_583] {strides = array<i32>} : memref<200x32xf32, #tpu.memory_space<vmem>>, vector<16xf32>,
          %bitcast3A_585 = vector.bitcast %get3A_584 : vector<16xf32> to vector<32xbf16>
          %add3A_586 = arith.addf %scan3A_578, %bitcast3A_585 : vector<32xbf16>
          %scan3A_587 = arith.constant 1 : i32
          %scan3A_588 = arith.addi %scan3A_576, %scan3A_587 : i32
          %get3A_589 = arith.index_cast %scan3A_588 : i32 to index
          %get3A_590 = arith.constant 0 : index
          %get3A_591 = tpu.vector_load %arg11[%get3A_589, %get3A_590] {strides = array<i32>} : memref<200x32xf32, #tpu.memory_space<vmem>>, vector<16xf32>,
          %bitcast3A_592 = vector.bitcast %get3A_591 : vector<16xf32> to vector<32xbf16>
          %add3A_593 = arith.addf %add3A_581, %bitcast3A_592 : vector<32xbf16>
          %get3A_594 = arith.index_cast %scan3A_588 : i32 to index
          %get3A_595 = arith.constant 16 : index
          %get3A_596 = tpu.vector_load %arg11[%get3A_594, %get3A_595] {strides = array<i32>} : memref<200x32xf32, #tpu.memory_space<vmem>>, vector<16xf32>,
          %bitcast3A_597 = vector.bitcast %get3A_596 : vector<16xf32> to vector<32xbf16>
          %add3A_598 = arith.addf %add3A_586, %bitcast3A_597 : vector<32xbf16>
          %scan3A_599 = arith.constant 2 : i32
          %scan3A_600 = arith.addi %scan3A_576, %scan3A_599 : i32
          %get3A_601 = arith.index_cast %scan3A_600 : i32 to index
          %get3A_602 = arith.constant 0 : index
          %get3A_603 = tpu.vector_load %arg11[%get3A_601, %get3A_602] {strides = array<i32>} : memref<200x32xf32, #tpu.memory_space<vmem>>, vector<16xf32>,
          %bitcast3A_604 = vector.bitcast %get3A_603 : vector<16xf32> to vector<32xbf16>
          %add3A_605 = arith.addf %add3A_593, %bitcast3A_604 : vector<32xbf16>
          %get3A_606 = arith.index_cast %scan3A_600 : i32 to index
          %get3A_607 = arith.constant 16 : index
          %get3A_608 = tpu.vector_load %arg11[%get3A_606, %get3A_607] {strides = array<i32>} : memref<200x32xf32, #tpu.memory_space<vmem>>, vector<16xf32>,
          %bitcast3A_609 = vector.bitcast %get3A_608 : vector<16xf32> to vector<32xbf16>
          %add3A_610 = arith.addf %add3A_598, %bitcast3A_609 : vector<32xbf16>
          %scan3A_611 = arith.constant 3 : i32
          %scan3A_612 = arith.addi %scan3A_576, %scan3A_611 : i32
          %get3A_613 = arith.index_cast %scan3A_612 : i32 to index
          %get3A_614 = arith.constant 0 : index
          %get3A_615 = tpu.vector_load %arg11[%get3A_613, %get3A_614] {strides = array<i32>} : memref<200x32xf32, #tpu.memory_space<vmem>>, vector<16xf32>,
          %bitcast3A_616 = vector.bitcast %get3A_615 : vector<16xf32> to vector<32xbf16>
          %add3A_617 = arith.addf %add3A_605, %bitcast3A_616 : vector<32xbf16>
          %get3A_618 = arith.index_cast %scan3A_612 : i32 to index
          %get3A_619 = arith.constant 16 : index
          %get3A_620 = tpu.vector_load %arg11[%get3A_618, %get3A_619] {strides = array<i32>} : memref<200x32xf32, #tpu.memory_space<vmem>>, vector<16xf32>,
          %bitcast3A_621 = vector.bitcast %get3A_620 : vector<16xf32> to vector<32xbf16>
          %add3A_622 = arith.addf %add3A_610, %bitcast3A_621 : vector<32xbf16>
          %scan3A_623 = arith.constant 4 : i32
          %scan3A_624 = arith.addi %scan3A_576, %scan3A_623 : i32
          %get3A_625 = arith.index_cast %scan3A_624 : i32 to index
          %get3A_626 = arith.constant 0 : index
          %get3A_627 = tpu.vector_load %arg11[%get3A_625, %get3A_626] {strides = array<i32>} : memref<200x32xf32, #tpu.memory_space<vmem>>, vector<16xf32>,
          %bitcast3A_628 = vector.bitcast %get3A_627 : vector<16xf32> to vector<32xbf16>
          %add3A_629 = arith.addf %add3A_617, %bitcast3A_628 : vector<32xbf16>
          %get3A_630 = arith.index_cast %scan3A_624 : i32 to index
          %get3A_631 = arith.constant 16 : index
          %get3A_632 = tpu.vector_load %arg11[%get3A_630, %get3A_631] {strides = array<i32>} : memref<200x32xf32, #tpu.memory_space<vmem>>, vector<16xf32>,
          %bitcast3A_633 = vector.bitcast %get3A_632 : vector<16xf32> to vector<32xbf16>
          %add3A_634 = arith.addf %add3A_622, %bitcast3A_633 : vector<32xbf16>
          %scan3A_635 = arith.constant 5 : i32
          %scan3A_636 = arith.addi %scan3A_576, %scan3A_635 : i32
          %get3A_637 = arith.index_cast %scan3A_636 : i32 to index
          %get3A_638 = arith.constant 0 : index
          %get3A_639 = tpu.vector_load %arg11[%get3A_637, %get3A_638] {strides = array<i32>} : memref<200x32xf32, #tpu.memory_space<vmem>>, vector<16xf32>,
          %bitcast3A_640 = vector.bitcast %get3A_639 : vector<16xf32> to vector<32xbf16>
          %add3A_641 = arith.addf %add3A_629, %bitcast3A_640 : vector<32xbf16>
          %get3A_642 = arith.index_cast %scan3A_636 : i32 to index
          %get3A_643 = arith.constant 16 : index
          %get3A_644 = tpu.vector_load %arg11[%get3A_642, %get3A_643] {strides = array<i32>} : memref<200x32xf32, #tpu.memory_space<vmem>>, vector<16xf32>,
          %bitcast3A_645 = vector.bitcast %get3A_644 : vector<16xf32> to vector<32xbf16>
          %add3A_646 = arith.addf %add3A_634, %bitcast3A_645 : vector<32xbf16>
          %scan3A_647 = arith.constant 6 : i32
          %scan3A_648 = arith.addi %scan3A_576, %scan3A_647 : i32
          %get3A_649 = arith.index_cast %scan3A_648 : i32 to index
          %get3A_650 = arith.constant 0 : index
          %get3A_651 = tpu.vector_load %arg11[%get3A_649, %get3A_650] {strides = array<i32>} : memref<200x32xf32, #tpu.memory_space<vmem>>, vector<16xf32>,
          %bitcast3A_652 = vector.bitcast %get3A_651 : vector<16xf32> to vector<32xbf16>
          %add3A_653 = arith.addf %add3A_641, %bitcast3A_652 : vector<32xbf16>
          %get3A_654 = arith.index_cast %scan3A_648 : i32 to index
          %get3A_655 = arith.constant 16 : index
          %get3A_656 = tpu.vector_load %arg11[%get3A_654, %get3A_655] {strides = array<i32>} : memref<200x32xf32, #tpu.memory_space<vmem>>, vector<16xf32>,
          %bitcast3A_657 = vector.bitcast %get3A_656 : vector<16xf32> to vector<32xbf16>
          %add3A_658 = arith.addf %add3A_646, %bitcast3A_657 : vector<32xbf16>
          %scan3A_659 = arith.constant 7 : i32
          %scan3A_660 = arith.addi %scan3A_576, %scan3A_659 : i32
          %get3A_661 = arith.index_cast %scan3A_660 : i32 to index
          %get3A_662 = arith.constant 0 : index
          %get3A_663 = tpu.vector_load %arg11[%get3A_661, %get3A_662] {strides = array<i32>} : memref<200x32xf32, #tpu.memory_space<vmem>>, vector<16xf32>,
          %bitcast3A_664 = vector.bitcast %get3A_663 : vector<16xf32> to vector<32xbf16>
          %add3A_665 = arith.addf %add3A_653, %bitcast3A_664 : vector<32xbf16>
          %get3A_666 = arith.index_cast %scan3A_660 : i32 to index
          %get3A_667 = arith.constant 16 : index
          %get3A_668 = tpu.vector_load %arg11[%get3A_666, %get3A_667] {strides = array<i32>} : memref<200x32xf32, #tpu.memory_space<vmem>>, vector<16xf32>,
          %bitcast3A_669 = vector.bitcast %get3A_668 : vector<16xf32> to vector<32xbf16>
          %add3A_670 = arith.addf %add3A_658, %bitcast3A_669 : vector<32xbf16>
          scf.yield %add3A_665, %add3A_670 : vector<32xbf16>, vector<32xbf16>
        }
        %scan3A_461 = arith.constant 200 : i32
        %mul3A_462 = arith.constant 5.004880e-03 : bf16
        %mul3A_463 = vector.broadcast %mul3A_462 : bf16 to vector<32xbf16>
        %mul3A_464 = arith.mulf %scan3A_460#0, %mul3A_463 : vector<32xbf16>
        %swap3A_465 = arith.index_cast %add3A_451 : i32 to index
        %swap3A_466 = arith.constant 0 : index
        %swap3A_467 = tpu.vector_load %arg14[%swap3A_465, %swap3A_466] {strides = array<i32>} : memref<64x64xbf16, #tpu.memory_space<vmem>>, vector<32xbf16>,
        tpu.vector_store %arg14[%swap3A_465, %swap3A_466], %mul3A_464 {strides = array<i32>} : memref<64x64xbf16, #tpu.memory_space<vmem>>, vector<32xbf16>,
        %mul3A_468 = arith.constant 5.004880e-03 : bf16
        %mul3A_469 = vector.broadcast %mul3A_468 : bf16 to vector<32xbf16>
        %mul3A_470 = arith.mulf %scan3A_460#1, %mul3A_469 : vector<32xbf16>
        %swap3A_471 = arith.index_cast %add3A_451 : i32 to index
        %swap3A_472 = arith.constant 32 : index
        %swap3A_473 = tpu.vector_load %arg14[%swap3A_471, %swap3A_472] {strides = array<i32>} : memref<64x64xbf16, #tpu.memory_space<vmem>>, vector<32xbf16>,
        tpu.vector_store %arg14[%swap3A_471, %swap3A_472], %mul3A_470 {strides = array<i32>} : memref<64x64xbf16, #tpu.memory_space<vmem>>, vector<32xbf16>,
        %add3A_474 = arith.constant 1 : i32
        %add3A_475 = arith.addi %scan3A_157, %add3A_474 : i32
        %lt3A_476 = arith.constant 8 : i32
        %lt3A_477 = arith.cmpi slt, %add3A_475, %lt3A_476 : i32
        %convert_element_type3A_478 = arith.extui %lt3A_477 : i1 to i32
        %cond3A_479 = arith.constant 0 : i32
        %cond3A_480 = arith.cmpi ne, %convert_element_type3A_478, %cond3A_479 : i32
        scf.if %cond3A_480 {
          %add3A_576 = arith.constant 8 : i32
          %add3A_577 = arith.addi %mul3A_159, %add3A_576 : i32
          %add3A_578 = arith.constant 5 : i32
          %add3A_579 = arith.addi %add3A_577, %add3A_578 : i32
          %dma_start3A_580 = arith.constant 0 : i32
          %dma_start3A_581 = arith.constant 0 : i32
          %dma_start3A_582 = tpu.memref_slice %arg11[%dma_start3A_580, %dma_start3A_581] : memref<200x32xf32, #tpu.memory_space<vmem>> -> memref<128x32xf32, #tpu.memory_space<vmem>>
          %dma_start3A_583 = arith.constant 0 : i32
          %dma_start3A_584 = tpu.memref_slice %arg5[%add3A_579, %dma_start3A_583] : memref<64x200xi32, #tpu.memory_space<vmem>> -> memref<1x128xi32, #tpu.memory_space<vmem>>
          %dma_start3A_585 = tpu.memref_squeeze %dma_start3A_584 : memref<1x128xi32, #tpu.memory_space<vmem>> -> memref<128xi32, #tpu.memory_space<vmem>>
          %dma_start3A_586 = arith.constant 0 : i32
          %dma_start3A_587 = arith.constant 0 : i32
          %dma_start3A_588 = tpu.memref_slice %arg3[%dma_start3A_586, %dma_start3A_587] : memref<1003520x32xf32, #tpu.memory_space<hbm>> -> memref<1003520x32xf32, #tpu.memory_space<hbm>>
          tpu.enqueue_indirect_dma source(%dma_start3A_588 : memref<1003520x32xf32, #tpu.memory_space<hbm>>) target(%dma_start3A_582 : memref<128x32xf32, #tpu.memory_space<vmem>>) offsets(%dma_start3A_585 : memref<128xi32, #tpu.memory_space<vmem>>) semaphore(%arg20 : memref<!tpu.dma_semaphore, #tpu.memory_space<semaphore_mem>>)
          %dma_start3A_589 = arith.constant 128 : i32
          %dma_start3A_590 = arith.constant 0 : i32
          %dma_start3A_591 = tpu.memref_slice %arg11[%dma_start3A_589, %dma_start3A_590] : memref<200x32xf32, #tpu.memory_space<vmem>> -> memref<72x32xf32, #tpu.memory_space<vmem>>
          %dma_start3A_592 = arith.constant 128 : i32
          %dma_start3A_593 = tpu.memref_slice %arg5[%add3A_579, %dma_start3A_592] : memref<64x200xi32, #tpu.memory_space<vmem>> -> memref<1x72xi32, #tpu.memory_space<vmem>>
          %dma_start3A_594 = tpu.memref_squeeze %dma_start3A_593 : memref<1x72xi32, #tpu.memory_space<vmem>> -> memref<72xi32, #tpu.memory_space<vmem>>
          %dma_start3A_595 = arith.constant 0 : i32
          %dma_start3A_596 = arith.constant 0 : i32
          %dma_start3A_597 = tpu.memref_slice %arg3[%dma_start3A_595, %dma_start3A_596] : memref<1003520x32xf32, #tpu.memory_space<hbm>> -> memref<1003520x32xf32, #tpu.memory_space<hbm>>
          tpu.enqueue_indirect_dma source(%dma_start3A_597 : memref<1003520x32xf32, #tpu.memory_space<hbm>>) target(%dma_start3A_591 : memref<72x32xf32, #tpu.memory_space<vmem>>) offsets(%dma_start3A_594 : memref<72xi32, #tpu.memory_space<vmem>>) semaphore(%arg20 : memref<!tpu.dma_semaphore, #tpu.memory_space<semaphore_mem>>)
        } else {
        }
        %add3A_481 = arith.constant 6 : i32
        %add3A_482 = arith.addi %mul3A_159, %add3A_481 : i32
        %dma_wait3A_483 = arith.constant 0 : i32
        %dma_wait3A_484 = arith.constant 0 : i32
        %dma_wait3A_485 = tpu.memref_slice %arg12[%dma_wait3A_483, %dma_wait3A_484] : memref<200x32xf32, #tpu.memory_space<vmem>> -> memref<128x32xf32, #tpu.memory_space<vmem>>
        %dma_wait3A_486 = arith.constant 0 : i32
        %dma_wait3A_487 = tpu.memref_slice %arg5[%add3A_482, %dma_wait3A_486] : memref<64x200xi32, #tpu.memory_space<vmem>> -> memref<1x128xi32, #tpu.memory_space<vmem>>
        %dma_wait3A_488 = tpu.memref_squeeze %dma_wait3A_487 : memref<1x128xi32, #tpu.memory_space<vmem>> -> memref<128xi32, #tpu.memory_space<vmem>>
        %dma_wait3A_489 = arith.constant 0 : i32
        %dma_wait3A_490 = arith.constant 0 : i32
        %dma_wait3A_491 = tpu.memref_slice %arg3[%dma_wait3A_489, %dma_wait3A_490] : memref<1003520x32xf32, #tpu.memory_space<hbm>> -> memref<1003520x32xf32, #tpu.memory_space<hbm>>
        tpu.wait_indirect_dma semaphore(%arg21 : memref<!tpu.dma_semaphore, #tpu.memory_space<semaphore_mem>>) src(%dma_wait3A_491 : memref<1003520x32xf32, #tpu.memory_space<hbm>>) dst(%dma_wait3A_485 : memref<128x32xf32, #tpu.memory_space<vmem>>)
        %dma_wait3A_492 = arith.constant 128 : i32
        %dma_wait3A_493 = arith.constant 0 : i32
        %dma_wait3A_494 = tpu.memref_slice %arg12[%dma_wait3A_492, %dma_wait3A_493] : memref<200x32xf32, #tpu.memory_space<vmem>> -> memref<72x32xf32, #tpu.memory_space<vmem>>
        %dma_wait3A_495 = arith.constant 128 : i32
        %dma_wait3A_496 = tpu.memref_slice %arg5[%add3A_482, %dma_wait3A_495] : memref<64x200xi32, #tpu.memory_space<vmem>> -> memref<1x72xi32, #tpu.memory_space<vmem>>
        %dma_wait3A_497 = tpu.memref_squeeze %dma_wait3A_496 : memref<1x72xi32, #tpu.memory_space<vmem>> -> memref<72xi32, #tpu.memory_space<vmem>>
        %dma_wait3A_498 = arith.constant 0 : i32
        %dma_wait3A_499 = arith.constant 0 : i32
        %dma_wait3A_500 = tpu.memref_slice %arg3[%dma_wait3A_498, %dma_wait3A_499] : memref<1003520x32xf32, #tpu.memory_space<hbm>> -> memref<1003520x32xf32, #tpu.memory_space<hbm>>
        tpu.wait_indirect_dma semaphore(%arg21 : memref<!tpu.dma_semaphore, #tpu.memory_space<semaphore_mem>>) src(%dma_wait3A_500 : memref<1003520x32xf32, #tpu.memory_space<hbm>>) dst(%dma_wait3A_494 : memref<72x32xf32, #tpu.memory_space<vmem>>)
        %add3A_501 = arith.constant 6 : i32
        %add3A_502 = arith.addi %mul3A_159, %add3A_501 : i32
        %broadcast_in_dim3A_503 = arith.constant 0.000000e+00 : bf16
        %broadcast_in_dim3A_504 = vector.broadcast %broadcast_in_dim3A_503 : bf16 to vector<32xbf16>
        %broadcast_in_dim3A_505 = arith.constant 0.000000e+00 : bf16
        %broadcast_in_dim3A_506 = vector.broadcast %broadcast_in_dim3A_505 : bf16 to vector<32xbf16>
        %scan3A_507 = arith.constant 0 : i32
        %scan3A_508 = arith.constant 200 : i32
        %scan3A_509 = arith.addi %scan3A_507, %scan3A_508 : i32
        %scan3A_510 = arith.constant 8 : i32
        %scan3A_511:2 = scf.for %scan3A_576 = %scan3A_507 to %scan3A_509 step %scan3A_510 iter_args(%scan3A_577 = %broadcast_in_dim3A_504, %scan3A_578 = %broadcast_in_dim3A_506) -> (vector<32xbf16>, vector<32xbf16>)  : i32 {
          %get3A = arith.index_cast %scan3A_576 : i32 to index
          %get3A_579 = arith.constant 0 : index
          %get3A_580 = tpu.vector_load %arg12[%get3A, %get3A_579] {strides = array<i32>} : memref<200x32xf32, #tpu.memory_space<vmem>>, vector<16xf32>,
          %bitcast3A = vector.bitcast %get3A_580 : vector<16xf32> to vector<32xbf16>
          %add3A_581 = arith.addf %scan3A_577, %bitcast3A : vector<32xbf16>
          %get3A_582 = arith.index_cast %scan3A_576 : i32 to index
          %get3A_583 = arith.constant 16 : index
          %get3A_584 = tpu.vector_load %arg12[%get3A_582, %get3A_583] {strides = array<i32>} : memref<200x32xf32, #tpu.memory_space<vmem>>, vector<16xf32>,
          %bitcast3A_585 = vector.bitcast %get3A_584 : vector<16xf32> to vector<32xbf16>
          %add3A_586 = arith.addf %scan3A_578, %bitcast3A_585 : vector<32xbf16>
          %scan3A_587 = arith.constant 1 : i32
          %scan3A_588 = arith.addi %scan3A_576, %scan3A_587 : i32
          %get3A_589 = arith.index_cast %scan3A_588 : i32 to index
          %get3A_590 = arith.constant 0 : index
          %get3A_591 = tpu.vector_load %arg12[%get3A_589, %get3A_590] {strides = array<i32>} : memref<200x32xf32, #tpu.memory_space<vmem>>, vector<16xf32>,
          %bitcast3A_592 = vector.bitcast %get3A_591 : vector<16xf32> to vector<32xbf16>
          %add3A_593 = arith.addf %add3A_581, %bitcast3A_592 : vector<32xbf16>
          %get3A_594 = arith.index_cast %scan3A_588 : i32 to index
          %get3A_595 = arith.constant 16 : index
          %get3A_596 = tpu.vector_load %arg12[%get3A_594, %get3A_595] {strides = array<i32>} : memref<200x32xf32, #tpu.memory_space<vmem>>, vector<16xf32>,
          %bitcast3A_597 = vector.bitcast %get3A_596 : vector<16xf32> to vector<32xbf16>
          %add3A_598 = arith.addf %add3A_586, %bitcast3A_597 : vector<32xbf16>
          %scan3A_599 = arith.constant 2 : i32
          %scan3A_600 = arith.addi %scan3A_576, %scan3A_599 : i32
          %get3A_601 = arith.index_cast %scan3A_600 : i32 to index
          %get3A_602 = arith.constant 0 : index
          %get3A_603 = tpu.vector_load %arg12[%get3A_601, %get3A_602] {strides = array<i32>} : memref<200x32xf32, #tpu.memory_space<vmem>>, vector<16xf32>,
          %bitcast3A_604 = vector.bitcast %get3A_603 : vector<16xf32> to vector<32xbf16>
          %add3A_605 = arith.addf %add3A_593, %bitcast3A_604 : vector<32xbf16>
          %get3A_606 = arith.index_cast %scan3A_600 : i32 to index
          %get3A_607 = arith.constant 16 : index
          %get3A_608 = tpu.vector_load %arg12[%get3A_606, %get3A_607] {strides = array<i32>} : memref<200x32xf32, #tpu.memory_space<vmem>>, vector<16xf32>,
          %bitcast3A_609 = vector.bitcast %get3A_608 : vector<16xf32> to vector<32xbf16>
          %add3A_610 = arith.addf %add3A_598, %bitcast3A_609 : vector<32xbf16>
          %scan3A_611 = arith.constant 3 : i32
          %scan3A_612 = arith.addi %scan3A_576, %scan3A_611 : i32
          %get3A_613 = arith.index_cast %scan3A_612 : i32 to index
          %get3A_614 = arith.constant 0 : index
          %get3A_615 = tpu.vector_load %arg12[%get3A_613, %get3A_614] {strides = array<i32>} : memref<200x32xf32, #tpu.memory_space<vmem>>, vector<16xf32>,
          %bitcast3A_616 = vector.bitcast %get3A_615 : vector<16xf32> to vector<32xbf16>
          %add3A_617 = arith.addf %add3A_605, %bitcast3A_616 : vector<32xbf16>
          %get3A_618 = arith.index_cast %scan3A_612 : i32 to index
          %get3A_619 = arith.constant 16 : index
          %get3A_620 = tpu.vector_load %arg12[%get3A_618, %get3A_619] {strides = array<i32>} : memref<200x32xf32, #tpu.memory_space<vmem>>, vector<16xf32>,
          %bitcast3A_621 = vector.bitcast %get3A_620 : vector<16xf32> to vector<32xbf16>
          %add3A_622 = arith.addf %add3A_610, %bitcast3A_621 : vector<32xbf16>
          %scan3A_623 = arith.constant 4 : i32
          %scan3A_624 = arith.addi %scan3A_576, %scan3A_623 : i32
          %get3A_625 = arith.index_cast %scan3A_624 : i32 to index
          %get3A_626 = arith.constant 0 : index
          %get3A_627 = tpu.vector_load %arg12[%get3A_625, %get3A_626] {strides = array<i32>} : memref<200x32xf32, #tpu.memory_space<vmem>>, vector<16xf32>,
          %bitcast3A_628 = vector.bitcast %get3A_627 : vector<16xf32> to vector<32xbf16>
          %add3A_629 = arith.addf %add3A_617, %bitcast3A_628 : vector<32xbf16>
          %get3A_630 = arith.index_cast %scan3A_624 : i32 to index
          %get3A_631 = arith.constant 16 : index
          %get3A_632 = tpu.vector_load %arg12[%get3A_630, %get3A_631] {strides = array<i32>} : memref<200x32xf32, #tpu.memory_space<vmem>>, vector<16xf32>,
          %bitcast3A_633 = vector.bitcast %get3A_632 : vector<16xf32> to vector<32xbf16>
          %add3A_634 = arith.addf %add3A_622, %bitcast3A_633 : vector<32xbf16>
          %scan3A_635 = arith.constant 5 : i32
          %scan3A_636 = arith.addi %scan3A_576, %scan3A_635 : i32
          %get3A_637 = arith.index_cast %scan3A_636 : i32 to index
          %get3A_638 = arith.constant 0 : index
          %get3A_639 = tpu.vector_load %arg12[%get3A_637, %get3A_638] {strides = array<i32>} : memref<200x32xf32, #tpu.memory_space<vmem>>, vector<16xf32>,
          %bitcast3A_640 = vector.bitcast %get3A_639 : vector<16xf32> to vector<32xbf16>
          %add3A_641 = arith.addf %add3A_629, %bitcast3A_640 : vector<32xbf16>
          %get3A_642 = arith.index_cast %scan3A_636 : i32 to index
          %get3A_643 = arith.constant 16 : index
          %get3A_644 = tpu.vector_load %arg12[%get3A_642, %get3A_643] {strides = array<i32>} : memref<200x32xf32, #tpu.memory_space<vmem>>, vector<16xf32>,
          %bitcast3A_645 = vector.bitcast %get3A_644 : vector<16xf32> to vector<32xbf16>
          %add3A_646 = arith.addf %add3A_634, %bitcast3A_645 : vector<32xbf16>
          %scan3A_647 = arith.constant 6 : i32
          %scan3A_648 = arith.addi %scan3A_576, %scan3A_647 : i32
          %get3A_649 = arith.index_cast %scan3A_648 : i32 to index
          %get3A_650 = arith.constant 0 : index
          %get3A_651 = tpu.vector_load %arg12[%get3A_649, %get3A_650] {strides = array<i32>} : memref<200x32xf32, #tpu.memory_space<vmem>>, vector<16xf32>,
          %bitcast3A_652 = vector.bitcast %get3A_651 : vector<16xf32> to vector<32xbf16>
          %add3A_653 = arith.addf %add3A_641, %bitcast3A_652 : vector<32xbf16>
          %get3A_654 = arith.index_cast %scan3A_648 : i32 to index
          %get3A_655 = arith.constant 16 : index
          %get3A_656 = tpu.vector_load %arg12[%get3A_654, %get3A_655] {strides = array<i32>} : memref<200x32xf32, #tpu.memory_space<vmem>>, vector<16xf32>,
          %bitcast3A_657 = vector.bitcast %get3A_656 : vector<16xf32> to vector<32xbf16>
          %add3A_658 = arith.addf %add3A_646, %bitcast3A_657 : vector<32xbf16>
          %scan3A_659 = arith.constant 7 : i32
          %scan3A_660 = arith.addi %scan3A_576, %scan3A_659 : i32
          %get3A_661 = arith.index_cast %scan3A_660 : i32 to index
          %get3A_662 = arith.constant 0 : index
          %get3A_663 = tpu.vector_load %arg12[%get3A_661, %get3A_662] {strides = array<i32>} : memref<200x32xf32, #tpu.memory_space<vmem>>, vector<16xf32>,
          %bitcast3A_664 = vector.bitcast %get3A_663 : vector<16xf32> to vector<32xbf16>
          %add3A_665 = arith.addf %add3A_653, %bitcast3A_664 : vector<32xbf16>
          %get3A_666 = arith.index_cast %scan3A_660 : i32 to index
          %get3A_667 = arith.constant 16 : index
          %get3A_668 = tpu.vector_load %arg12[%get3A_666, %get3A_667] {strides = array<i32>} : memref<200x32xf32, #tpu.memory_space<vmem>>, vector<16xf32>,
          %bitcast3A_669 = vector.bitcast %get3A_668 : vector<16xf32> to vector<32xbf16>
          %add3A_670 = arith.addf %add3A_658, %bitcast3A_669 : vector<32xbf16>
          scf.yield %add3A_665, %add3A_670 : vector<32xbf16>, vector<32xbf16>
        }
        %scan3A_512 = arith.constant 200 : i32
        %mul3A_513 = arith.constant 5.004880e-03 : bf16
        %mul3A_514 = vector.broadcast %mul3A_513 : bf16 to vector<32xbf16>
        %mul3A_515 = arith.mulf %scan3A_511#0, %mul3A_514 : vector<32xbf16>
        %swap3A_516 = arith.index_cast %add3A_502 : i32 to index
        %swap3A_517 = arith.constant 0 : index
        %swap3A_518 = tpu.vector_load %arg14[%swap3A_516, %swap3A_517] {strides = array<i32>} : memref<64x64xbf16, #tpu.memory_space<vmem>>, vector<32xbf16>,
        tpu.vector_store %arg14[%swap3A_516, %swap3A_517], %mul3A_515 {strides = array<i32>} : memref<64x64xbf16, #tpu.memory_space<vmem>>, vector<32xbf16>,
        %mul3A_519 = arith.constant 5.004880e-03 : bf16
        %mul3A_520 = vector.broadcast %mul3A_519 : bf16 to vector<32xbf16>
        %mul3A_521 = arith.mulf %scan3A_511#1, %mul3A_520 : vector<32xbf16>
        %swap3A_522 = arith.index_cast %add3A_502 : i32 to index
        %swap3A_523 = arith.constant 32 : index
        %swap3A_524 = tpu.vector_load %arg14[%swap3A_522, %swap3A_523] {strides = array<i32>} : memref<64x64xbf16, #tpu.memory_space<vmem>>, vector<32xbf16>,
        tpu.vector_store %arg14[%swap3A_522, %swap3A_523], %mul3A_521 {strides = array<i32>} : memref<64x64xbf16, #tpu.memory_space<vmem>>, vector<32xbf16>,
        %add3A_525 = arith.constant 1 : i32
        %add3A_526 = arith.addi %scan3A_157, %add3A_525 : i32
        %lt3A_527 = arith.constant 8 : i32
        %lt3A_528 = arith.cmpi slt, %add3A_526, %lt3A_527 : i32
        %convert_element_type3A_529 = arith.extui %lt3A_528 : i1 to i32
        %cond3A_530 = arith.constant 0 : i32
        %cond3A_531 = arith.cmpi ne, %convert_element_type3A_529, %cond3A_530 : i32
        scf.if %cond3A_531 {
          %add3A_576 = arith.constant 8 : i32
          %add3A_577 = arith.addi %mul3A_159, %add3A_576 : i32
          %add3A_578 = arith.constant 6 : i32
          %add3A_579 = arith.addi %add3A_577, %add3A_578 : i32
          %dma_start3A_580 = arith.constant 0 : i32
          %dma_start3A_581 = arith.constant 0 : i32
          %dma_start3A_582 = tpu.memref_slice %arg12[%dma_start3A_580, %dma_start3A_581] : memref<200x32xf32, #tpu.memory_space<vmem>> -> memref<128x32xf32, #tpu.memory_space<vmem>>
          %dma_start3A_583 = arith.constant 0 : i32
          %dma_start3A_584 = tpu.memref_slice %arg5[%add3A_579, %dma_start3A_583] : memref<64x200xi32, #tpu.memory_space<vmem>> -> memref<1x128xi32, #tpu.memory_space<vmem>>
          %dma_start3A_585 = tpu.memref_squeeze %dma_start3A_584 : memref<1x128xi32, #tpu.memory_space<vmem>> -> memref<128xi32, #tpu.memory_space<vmem>>
          %dma_start3A_586 = arith.constant 0 : i32
          %dma_start3A_587 = arith.constant 0 : i32
          %dma_start3A_588 = tpu.memref_slice %arg3[%dma_start3A_586, %dma_start3A_587] : memref<1003520x32xf32, #tpu.memory_space<hbm>> -> memref<1003520x32xf32, #tpu.memory_space<hbm>>
          tpu.enqueue_indirect_dma source(%dma_start3A_588 : memref<1003520x32xf32, #tpu.memory_space<hbm>>) target(%dma_start3A_582 : memref<128x32xf32, #tpu.memory_space<vmem>>) offsets(%dma_start3A_585 : memref<128xi32, #tpu.memory_space<vmem>>) semaphore(%arg21 : memref<!tpu.dma_semaphore, #tpu.memory_space<semaphore_mem>>)
          %dma_start3A_589 = arith.constant 128 : i32
          %dma_start3A_590 = arith.constant 0 : i32
          %dma_start3A_591 = tpu.memref_slice %arg12[%dma_start3A_589, %dma_start3A_590] : memref<200x32xf32, #tpu.memory_space<vmem>> -> memref<72x32xf32, #tpu.memory_space<vmem>>
          %dma_start3A_592 = arith.constant 128 : i32
          %dma_start3A_593 = tpu.memref_slice %arg5[%add3A_579, %dma_start3A_592] : memref<64x200xi32, #tpu.memory_space<vmem>> -> memref<1x72xi32, #tpu.memory_space<vmem>>
          %dma_start3A_594 = tpu.memref_squeeze %dma_start3A_593 : memref<1x72xi32, #tpu.memory_space<vmem>> -> memref<72xi32, #tpu.memory_space<vmem>>
          %dma_start3A_595 = arith.constant 0 : i32
          %dma_start3A_596 = arith.constant 0 : i32
          %dma_start3A_597 = tpu.memref_slice %arg3[%dma_start3A_595, %dma_start3A_596] : memref<1003520x32xf32, #tpu.memory_space<hbm>> -> memref<1003520x32xf32, #tpu.memory_space<hbm>>
          tpu.enqueue_indirect_dma source(%dma_start3A_597 : memref<1003520x32xf32, #tpu.memory_space<hbm>>) target(%dma_start3A_591 : memref<72x32xf32, #tpu.memory_space<vmem>>) offsets(%dma_start3A_594 : memref<72xi32, #tpu.memory_space<vmem>>) semaphore(%arg21 : memref<!tpu.dma_semaphore, #tpu.memory_space<semaphore_mem>>)
        } else {
        }
        %add3A_532 = arith.constant 7 : i32
        %add3A_533 = arith.addi %mul3A_159, %add3A_532 : i32
        %dma_wait3A_534 = arith.constant 0 : i32
        %dma_wait3A_535 = arith.constant 0 : i32
        %dma_wait3A_536 = tpu.memref_slice %arg13[%dma_wait3A_534, %dma_wait3A_535] : memref<200x32xf32, #tpu.memory_space<vmem>> -> memref<128x32xf32, #tpu.memory_space<vmem>>
        %dma_wait3A_537 = arith.constant 0 : i32
        %dma_wait3A_538 = tpu.memref_slice %arg5[%add3A_533, %dma_wait3A_537] : memref<64x200xi32, #tpu.memory_space<vmem>> -> memref<1x128xi32, #tpu.memory_space<vmem>>
        %dma_wait3A_539 = tpu.memref_squeeze %dma_wait3A_538 : memref<1x128xi32, #tpu.memory_space<vmem>> -> memref<128xi32, #tpu.memory_space<vmem>>
        %dma_wait3A_540 = arith.constant 0 : i32
        %dma_wait3A_541 = arith.constant 0 : i32
        %dma_wait3A_542 = tpu.memref_slice %arg3[%dma_wait3A_540, %dma_wait3A_541] : memref<1003520x32xf32, #tpu.memory_space<hbm>> -> memref<1003520x32xf32, #tpu.memory_space<hbm>>
        tpu.wait_indirect_dma semaphore(%arg22 : memref<!tpu.dma_semaphore, #tpu.memory_space<semaphore_mem>>) src(%dma_wait3A_542 : memref<1003520x32xf32, #tpu.memory_space<hbm>>) dst(%dma_wait3A_536 : memref<128x32xf32, #tpu.memory_space<vmem>>)
        %dma_wait3A_543 = arith.constant 128 : i32
        %dma_wait3A_544 = arith.constant 0 : i32
        %dma_wait3A_545 = tpu.memref_slice %arg13[%dma_wait3A_543, %dma_wait3A_544] : memref<200x32xf32, #tpu.memory_space<vmem>> -> memref<72x32xf32, #tpu.memory_space<vmem>>
        %dma_wait3A_546 = arith.constant 128 : i32
        %dma_wait3A_547 = tpu.memref_slice %arg5[%add3A_533, %dma_wait3A_546] : memref<64x200xi32, #tpu.memory_space<vmem>> -> memref<1x72xi32, #tpu.memory_space<vmem>>
        %dma_wait3A_548 = tpu.memref_squeeze %dma_wait3A_547 : memref<1x72xi32, #tpu.memory_space<vmem>> -> memref<72xi32, #tpu.memory_space<vmem>>
        %dma_wait3A_549 = arith.constant 0 : i32
        %dma_wait3A_550 = arith.constant 0 : i32
        %dma_wait3A_551 = tpu.memref_slice %arg3[%dma_wait3A_549, %dma_wait3A_550] : memref<1003520x32xf32, #tpu.memory_space<hbm>> -> memref<1003520x32xf32, #tpu.memory_space<hbm>>
        tpu.wait_indirect_dma semaphore(%arg22 : memref<!tpu.dma_semaphore, #tpu.memory_space<semaphore_mem>>) src(%dma_wait3A_551 : memref<1003520x32xf32, #tpu.memory_space<hbm>>) dst(%dma_wait3A_545 : memref<72x32xf32, #tpu.memory_space<vmem>>)
        %add3A_552 = arith.constant 7 : i32
        %add3A_553 = arith.addi %mul3A_159, %add3A_552 : i32
        %broadcast_in_dim3A_554 = arith.constant 0.000000e+00 : bf16
        %broadcast_in_dim3A_555 = vector.broadcast %broadcast_in_dim3A_554 : bf16 to vector<32xbf16>
        %broadcast_in_dim3A_556 = arith.constant 0.000000e+00 : bf16
        %broadcast_in_dim3A_557 = vector.broadcast %broadcast_in_dim3A_556 : bf16 to vector<32xbf16>
        %scan3A_558 = arith.constant 0 : i32
        %scan3A_559 = arith.constant 200 : i32
        %scan3A_560 = arith.addi %scan3A_558, %scan3A_559 : i32
        %scan3A_561 = arith.constant 8 : i32
        %scan3A_562:2 = scf.for %scan3A_576 = %scan3A_558 to %scan3A_560 step %scan3A_561 iter_args(%scan3A_577 = %broadcast_in_dim3A_555, %scan3A_578 = %broadcast_in_dim3A_557) -> (vector<32xbf16>, vector<32xbf16>)  : i32 {
          %get3A = arith.index_cast %scan3A_576 : i32 to index
          %get3A_579 = arith.constant 0 : index
          %get3A_580 = tpu.vector_load %arg13[%get3A, %get3A_579] {strides = array<i32>} : memref<200x32xf32, #tpu.memory_space<vmem>>, vector<16xf32>,
          %bitcast3A = vector.bitcast %get3A_580 : vector<16xf32> to vector<32xbf16>
          %add3A_581 = arith.addf %scan3A_577, %bitcast3A : vector<32xbf16>
          %get3A_582 = arith.index_cast %scan3A_576 : i32 to index
          %get3A_583 = arith.constant 16 : index
          %get3A_584 = tpu.vector_load %arg13[%get3A_582, %get3A_583] {strides = array<i32>} : memref<200x32xf32, #tpu.memory_space<vmem>>, vector<16xf32>,
          %bitcast3A_585 = vector.bitcast %get3A_584 : vector<16xf32> to vector<32xbf16>
          %add3A_586 = arith.addf %scan3A_578, %bitcast3A_585 : vector<32xbf16>
          %scan3A_587 = arith.constant 1 : i32
          %scan3A_588 = arith.addi %scan3A_576, %scan3A_587 : i32
          %get3A_589 = arith.index_cast %scan3A_588 : i32 to index
          %get3A_590 = arith.constant 0 : index
          %get3A_591 = tpu.vector_load %arg13[%get3A_589, %get3A_590] {strides = array<i32>} : memref<200x32xf32, #tpu.memory_space<vmem>>, vector<16xf32>,
          %bitcast3A_592 = vector.bitcast %get3A_591 : vector<16xf32> to vector<32xbf16>
          %add3A_593 = arith.addf %add3A_581, %bitcast3A_592 : vector<32xbf16>
          %get3A_594 = arith.index_cast %scan3A_588 : i32 to index
          %get3A_595 = arith.constant 16 : index
          %get3A_596 = tpu.vector_load %arg13[%get3A_594, %get3A_595] {strides = array<i32>} : memref<200x32xf32, #tpu.memory_space<vmem>>, vector<16xf32>,
          %bitcast3A_597 = vector.bitcast %get3A_596 : vector<16xf32> to vector<32xbf16>
          %add3A_598 = arith.addf %add3A_586, %bitcast3A_597 : vector<32xbf16>
          %scan3A_599 = arith.constant 2 : i32
          %scan3A_600 = arith.addi %scan3A_576, %scan3A_599 : i32
          %get3A_601 = arith.index_cast %scan3A_600 : i32 to index
          %get3A_602 = arith.constant 0 : index
          %get3A_603 = tpu.vector_load %arg13[%get3A_601, %get3A_602] {strides = array<i32>} : memref<200x32xf32, #tpu.memory_space<vmem>>, vector<16xf32>,
          %bitcast3A_604 = vector.bitcast %get3A_603 : vector<16xf32> to vector<32xbf16>
          %add3A_605 = arith.addf %add3A_593, %bitcast3A_604 : vector<32xbf16>
          %get3A_606 = arith.index_cast %scan3A_600 : i32 to index
          %get3A_607 = arith.constant 16 : index
          %get3A_608 = tpu.vector_load %arg13[%get3A_606, %get3A_607] {strides = array<i32>} : memref<200x32xf32, #tpu.memory_space<vmem>>, vector<16xf32>,
          %bitcast3A_609 = vector.bitcast %get3A_608 : vector<16xf32> to vector<32xbf16>
          %add3A_610 = arith.addf %add3A_598, %bitcast3A_609 : vector<32xbf16>
          %scan3A_611 = arith.constant 3 : i32
          %scan3A_612 = arith.addi %scan3A_576, %scan3A_611 : i32
          %get3A_613 = arith.index_cast %scan3A_612 : i32 to index
          %get3A_614 = arith.constant 0 : index
          %get3A_615 = tpu.vector_load %arg13[%get3A_613, %get3A_614] {strides = array<i32>} : memref<200x32xf32, #tpu.memory_space<vmem>>, vector<16xf32>,
          %bitcast3A_616 = vector.bitcast %get3A_615 : vector<16xf32> to vector<32xbf16>
          %add3A_617 = arith.addf %add3A_605, %bitcast3A_616 : vector<32xbf16>
          %get3A_618 = arith.index_cast %scan3A_612 : i32 to index
          %get3A_619 = arith.constant 16 : index
          %get3A_620 = tpu.vector_load %arg13[%get3A_618, %get3A_619] {strides = array<i32>} : memref<200x32xf32, #tpu.memory_space<vmem>>, vector<16xf32>,
          %bitcast3A_621 = vector.bitcast %get3A_620 : vector<16xf32> to vector<32xbf16>
          %add3A_622 = arith.addf %add3A_610, %bitcast3A_621 : vector<32xbf16>
          %scan3A_623 = arith.constant 4 : i32
          %scan3A_624 = arith.addi %scan3A_576, %scan3A_623 : i32
          %get3A_625 = arith.index_cast %scan3A_624 : i32 to index
          %get3A_626 = arith.constant 0 : index
          %get3A_627 = tpu.vector_load %arg13[%get3A_625, %get3A_626] {strides = array<i32>} : memref<200x32xf32, #tpu.memory_space<vmem>>, vector<16xf32>,
          %bitcast3A_628 = vector.bitcast %get3A_627 : vector<16xf32> to vector<32xbf16>
          %add3A_629 = arith.addf %add3A_617, %bitcast3A_628 : vector<32xbf16>
          %get3A_630 = arith.index_cast %scan3A_624 : i32 to index
          %get3A_631 = arith.constant 16 : index
          %get3A_632 = tpu.vector_load %arg13[%get3A_630, %get3A_631] {strides = array<i32>} : memref<200x32xf32, #tpu.memory_space<vmem>>, vector<16xf32>,
          %bitcast3A_633 = vector.bitcast %get3A_632 : vector<16xf32> to vector<32xbf16>
          %add3A_634 = arith.addf %add3A_622, %bitcast3A_633 : vector<32xbf16>
          %scan3A_635 = arith.constant 5 : i32
          %scan3A_636 = arith.addi %scan3A_576, %scan3A_635 : i32
          %get3A_637 = arith.index_cast %scan3A_636 : i32 to index
          %get3A_638 = arith.constant 0 : index
          %get3A_639 = tpu.vector_load %arg13[%get3A_637, %get3A_638] {strides = array<i32>} : memref<200x32xf32, #tpu.memory_space<vmem>>, vector<16xf32>,
          %bitcast3A_640 = vector.bitcast %get3A_639 : vector<16xf32> to vector<32xbf16>
          %add3A_641 = arith.addf %add3A_629, %bitcast3A_640 : vector<32xbf16>
          %get3A_642 = arith.index_cast %scan3A_636 : i32 to index
          %get3A_643 = arith.constant 16 : index
          %get3A_644 = tpu.vector_load %arg13[%get3A_642, %get3A_643] {strides = array<i32>} : memref<200x32xf32, #tpu.memory_space<vmem>>, vector<16xf32>,
          %bitcast3A_645 = vector.bitcast %get3A_644 : vector<16xf32> to vector<32xbf16>
          %add3A_646 = arith.addf %add3A_634, %bitcast3A_645 : vector<32xbf16>
          %scan3A_647 = arith.constant 6 : i32
          %scan3A_648 = arith.addi %scan3A_576, %scan3A_647 : i32
          %get3A_649 = arith.index_cast %scan3A_648 : i32 to index
          %get3A_650 = arith.constant 0 : index
          %get3A_651 = tpu.vector_load %arg13[%get3A_649, %get3A_650] {strides = array<i32>} : memref<200x32xf32, #tpu.memory_space<vmem>>, vector<16xf32>,
          %bitcast3A_652 = vector.bitcast %get3A_651 : vector<16xf32> to vector<32xbf16>
          %add3A_653 = arith.addf %add3A_641, %bitcast3A_652 : vector<32xbf16>
          %get3A_654 = arith.index_cast %scan3A_648 : i32 to index
          %get3A_655 = arith.constant 16 : index
          %get3A_656 = tpu.vector_load %arg13[%get3A_654, %get3A_655] {strides = array<i32>} : memref<200x32xf32, #tpu.memory_space<vmem>>, vector<16xf32>,
          %bitcast3A_657 = vector.bitcast %get3A_656 : vector<16xf32> to vector<32xbf16>
          %add3A_658 = arith.addf %add3A_646, %bitcast3A_657 : vector<32xbf16>
          %scan3A_659 = arith.constant 7 : i32
          %scan3A_660 = arith.addi %scan3A_576, %scan3A_659 : i32
          %get3A_661 = arith.index_cast %scan3A_660 : i32 to index
          %get3A_662 = arith.constant 0 : index
          %get3A_663 = tpu.vector_load %arg13[%get3A_661, %get3A_662] {strides = array<i32>} : memref<200x32xf32, #tpu.memory_space<vmem>>, vector<16xf32>,
          %bitcast3A_664 = vector.bitcast %get3A_663 : vector<16xf32> to vector<32xbf16>
          %add3A_665 = arith.addf %add3A_653, %bitcast3A_664 : vector<32xbf16>
          %get3A_666 = arith.index_cast %scan3A_660 : i32 to index
          %get3A_667 = arith.constant 16 : index
          %get3A_668 = tpu.vector_load %arg13[%get3A_666, %get3A_667] {strides = array<i32>} : memref<200x32xf32, #tpu.memory_space<vmem>>, vector<16xf32>,
          %bitcast3A_669 = vector.bitcast %get3A_668 : vector<16xf32> to vector<32xbf16>
          %add3A_670 = arith.addf %add3A_658, %bitcast3A_669 : vector<32xbf16>
          scf.yield %add3A_665, %add3A_670 : vector<32xbf16>, vector<32xbf16>
        }
        %scan3A_563 = arith.constant 200 : i32
        %mul3A_564 = arith.constant 5.004880e-03 : bf16
        %mul3A_565 = vector.broadcast %mul3A_564 : bf16 to vector<32xbf16>
        %mul3A_566 = arith.mulf %scan3A_562#0, %mul3A_565 : vector<32xbf16>
        %swap3A_567 = arith.index_cast %add3A_553 : i32 to index
        %swap3A_568 = arith.constant 0 : index
        %swap3A_569 = tpu.vector_load %arg14[%swap3A_567, %swap3A_568] {strides = array<i32>} : memref<64x64xbf16, #tpu.memory_space<vmem>>, vector<32xbf16>,
        tpu.vector_store %arg14[%swap3A_567, %swap3A_568], %mul3A_566 {strides = array<i32>} : memref<64x64xbf16, #tpu.memory_space<vmem>>, vector<32xbf16>,
        %mul3A_570 = arith.constant 5.004880e-03 : bf16
        %mul3A_571 = vector.broadcast %mul3A_570 : bf16 to vector<32xbf16>
        %mul3A_572 = arith.mulf %scan3A_562#1, %mul3A_571 : vector<32xbf16>
        %swap3A_573 = arith.index_cast %add3A_553 : i32 to index
        %swap3A_574 = arith.constant 32 : index
        %swap3A_575 = tpu.vector_load %arg14[%swap3A_573, %swap3A_574] {strides = array<i32>} : memref<64x64xbf16, #tpu.memory_space<vmem>>, vector<32xbf16>,
        tpu.vector_store %arg14[%swap3A_573, %swap3A_574], %mul3A_572 {strides = array<i32>} : memref<64x64xbf16, #tpu.memory_space<vmem>>, vector<32xbf16>,
      }
      %scan3A_156 = arith.constant 8 : i32
      "tpu.region"() ({
        %run_scoped3A = tpu.sem_alloc : memref<!tpu.dma_semaphore, #tpu.memory_space<semaphore_mem>>
        %dma_start3A_157 = arith.constant 0 : i32
        %dma_start3A_158 = tpu.memref_slice %arg4[%add3A_11, %dma_start3A_157] : memref<16384x64xbf16, #tpu.memory_space<hbm>> -> memref<64x64xbf16, #tpu.memory_space<hbm>>
        %dma_start3A_159 = arith.constant 0 : i32
        %dma_start3A_160 = tpu.memref_slice %arg4[%add3A_11, %dma_start3A_159] : memref<16384x64xbf16, #tpu.memory_space<hbm>> -> memref<64x64xbf16, #tpu.memory_space<hbm>>
        tpu.enqueue_dma source(%arg14 : memref<64x64xbf16, #tpu.memory_space<vmem>>) target(%dma_start3A_160 : memref<64x64xbf16, #tpu.memory_space<hbm>>) target_semaphore(%run_scoped3A : memref<!tpu.dma_semaphore, #tpu.memory_space<semaphore_mem>>)
        %dma_wait3A = arith.constant 0 : i32
        %dma_wait3A_161 = tpu.memref_slice %arg4[%add3A_11, %dma_wait3A] : memref<16384x64xbf16, #tpu.memory_space<hbm>> -> memref<64x64xbf16, #tpu.memory_space<hbm>>
        %dma_wait3A_162 = arith.constant 0 : i32
        %dma_wait3A_163 = tpu.memref_slice %arg4[%add3A_11, %dma_wait3A_162] : memref<16384x64xbf16, #tpu.memory_space<hbm>> -> memref<64x64xbf16, #tpu.memory_space<hbm>>
        tpu.wait_dma2 semaphore(%run_scoped3A : memref<!tpu.dma_semaphore, #tpu.memory_space<semaphore_mem>>) src(%arg14 : memref<64x64xbf16, #tpu.memory_space<vmem>>) dst(%dma_wait3A_163 : memref<64x64xbf16, #tpu.memory_space<hbm>>)
        tpu.yield
      }) : () -> ()
    }
    %scan3A_7 = arith.constant 8 : i32
    return
  }
}

module attributes {stable_mosaic.version = 14 : i64} {
  func.func @_prep_body(%arg0: i32, %arg1: memref<64x2560xf32, #tpu.memory_space<vmem>>, %arg2: memref<64x2560xf32, #tpu.memory_space<vmem>>, %arg3: memref<64x2560xf32, #tpu.memory_space<vmem>>, %arg4: memref<64x2560xf32, #tpu.memory_space<vmem>>, %arg5: memref<2560x128xf32, #tpu.memory_space<vmem>>) attributes {dimension_semantics = [#tpu.dimension_semantics<arbitrary>], iteration_bounds = array<i64: 98>, scalar_prefetch = 0 : i64, scratch_operands = 0 : i64, tpu.core_type = #tpu.core_type<tc>, window_params = [{transform_indices = @transform_0, window_bounds = array<i64: 64, 2560>}, {transform_indices = @transform_1, window_bounds = array<i64: 64, 2560>}, {transform_indices = @transform_2, window_bounds = array<i64: 64, 2560>}, {transform_indices = @transform_3, window_bounds = array<i64: 64, 2560>}, {transform_indices = @transform_4, window_bounds = array<i64: 2560, 128>}]} {
    %get3A = arith.constant 0 : index
    %get3A_0 = arith.constant 0 : index
    %get3A_1 = vector.load %arg1[%get3A, %get3A_0] : memref<64x2560xf32, #tpu.memory_space<vmem>>, vector<64x2560xf32>
    %bitcast_convert_type3A = tpu.bitcast %get3A_1 : vector<64x2560xf32> -> vector<64x2560xi32>
    %slice3A = vector.extract_strided_slice %bitcast_convert_type3A {offsets = [32, 0], sizes = [32, 2560], strides = [1, 1]} : vector<64x2560xi32> to vector<32x2560xi32>
    %and3A = arith.constant -65536 : i32
    %and3A_2 = vector.broadcast %and3A : i32 to vector<32x2560xi32>
    %and3A_3 = arith.andi %slice3A, %and3A_2 : vector<32x2560xi32>
    %slice3A_4 = vector.extract_strided_slice %bitcast_convert_type3A {offsets = [0, 0], sizes = [32, 2560], strides = [1, 1]} : vector<64x2560xi32> to vector<32x2560xi32>
    %shift_right_logical3A = arith.constant 16 : i32
    %shift_right_logical3A_5 = vector.broadcast %shift_right_logical3A : i32 to vector<32x2560xi32>
    %shift_right_logical3A_6 = arith.shrui %slice3A_4, %shift_right_logical3A_5 : vector<32x2560xi32>
    %or3A = arith.ori %and3A_3, %shift_right_logical3A_6 : vector<32x2560xi32>
    %get3A_7 = arith.constant 0 : index
    %get3A_8 = arith.constant 0 : index
    %get3A_9 = vector.load %arg2[%get3A_7, %get3A_8] : memref<64x2560xf32, #tpu.memory_space<vmem>>, vector<64x2560xf32>
    %bitcast_convert_type3A_10 = tpu.bitcast %get3A_9 : vector<64x2560xf32> -> vector<64x2560xi32>
    %slice3A_11 = vector.extract_strided_slice %bitcast_convert_type3A_10 {offsets = [32, 0], sizes = [32, 2560], strides = [1, 1]} : vector<64x2560xi32> to vector<32x2560xi32>
    %and3A_12 = arith.constant -65536 : i32
    %and3A_13 = vector.broadcast %and3A_12 : i32 to vector<32x2560xi32>
    %and3A_14 = arith.andi %slice3A_11, %and3A_13 : vector<32x2560xi32>
    %slice3A_15 = vector.extract_strided_slice %bitcast_convert_type3A_10 {offsets = [0, 0], sizes = [32, 2560], strides = [1, 1]} : vector<64x2560xi32> to vector<32x2560xi32>
    %shift_right_logical3A_16 = arith.constant 16 : i32
    %shift_right_logical3A_17 = vector.broadcast %shift_right_logical3A_16 : i32 to vector<32x2560xi32>
    %shift_right_logical3A_18 = arith.shrui %slice3A_15, %shift_right_logical3A_17 : vector<32x2560xi32>
    %or3A_19 = arith.ori %and3A_14, %shift_right_logical3A_18 : vector<32x2560xi32>
    %get3A_20 = arith.constant 0 : index
    %get3A_21 = arith.constant 0 : index
    %get3A_22 = vector.load %arg3[%get3A_20, %get3A_21] : memref<64x2560xf32, #tpu.memory_space<vmem>>, vector<64x2560xf32>
    %bitcast_convert_type3A_23 = tpu.bitcast %get3A_22 : vector<64x2560xf32> -> vector<64x2560xi32>
    %slice3A_24 = vector.extract_strided_slice %bitcast_convert_type3A_23 {offsets = [32, 0], sizes = [32, 2560], strides = [1, 1]} : vector<64x2560xi32> to vector<32x2560xi32>
    %and3A_25 = arith.constant -65536 : i32
    %and3A_26 = vector.broadcast %and3A_25 : i32 to vector<32x2560xi32>
    %and3A_27 = arith.andi %slice3A_24, %and3A_26 : vector<32x2560xi32>
    %slice3A_28 = vector.extract_strided_slice %bitcast_convert_type3A_23 {offsets = [0, 0], sizes = [32, 2560], strides = [1, 1]} : vector<64x2560xi32> to vector<32x2560xi32>
    %shift_right_logical3A_29 = arith.constant 16 : i32
    %shift_right_logical3A_30 = vector.broadcast %shift_right_logical3A_29 : i32 to vector<32x2560xi32>
    %shift_right_logical3A_31 = arith.shrui %slice3A_28, %shift_right_logical3A_30 : vector<32x2560xi32>
    %or3A_32 = arith.ori %and3A_27, %shift_right_logical3A_31 : vector<32x2560xi32>
    %get3A_33 = arith.constant 0 : index
    %get3A_34 = arith.constant 0 : index
    %get3A_35 = vector.load %arg4[%get3A_33, %get3A_34] : memref<64x2560xf32, #tpu.memory_space<vmem>>, vector<64x2560xf32>
    %bitcast_convert_type3A_36 = tpu.bitcast %get3A_35 : vector<64x2560xf32> -> vector<64x2560xi32>
    %slice3A_37 = vector.extract_strided_slice %bitcast_convert_type3A_36 {offsets = [32, 0], sizes = [32, 2560], strides = [1, 1]} : vector<64x2560xi32> to vector<32x2560xi32>
    %and3A_38 = arith.constant -65536 : i32
    %and3A_39 = vector.broadcast %and3A_38 : i32 to vector<32x2560xi32>
    %and3A_40 = arith.andi %slice3A_37, %and3A_39 : vector<32x2560xi32>
    %slice3A_41 = vector.extract_strided_slice %bitcast_convert_type3A_36 {offsets = [0, 0], sizes = [32, 2560], strides = [1, 1]} : vector<64x2560xi32> to vector<32x2560xi32>
    %shift_right_logical3A_42 = arith.constant 16 : i32
    %shift_right_logical3A_43 = vector.broadcast %shift_right_logical3A_42 : i32 to vector<32x2560xi32>
    %shift_right_logical3A_44 = arith.shrui %slice3A_41, %shift_right_logical3A_43 : vector<32x2560xi32>
    %or3A_45 = arith.ori %and3A_40, %shift_right_logical3A_44 : vector<32x2560xi32>
    %concatenate3A = tpu.concatenate %or3A, %or3A_19, %or3A_32, %or3A_45 in 0 : vector<32x2560xi32>, vector<32x2560xi32>, vector<32x2560xi32>, vector<32x2560xi32> -> vector<128x2560xi32>
    %bitcast_convert_type3A_46 = tpu.bitcast %concatenate3A : vector<128x2560xi32> -> vector<128x2560xf32>
    %transpose3A = tpu.transpose %bitcast_convert_type3A_46, [1, 0] : vector<128x2560xf32> -> vector<2560x128xf32>
    %swap3A = arith.constant 0 : index
    %swap3A_47 = arith.constant 0 : index
    %swap3A_48 = vector.load %arg5[%swap3A, %swap3A_47] : memref<2560x128xf32, #tpu.memory_space<vmem>>, vector<2560x128xf32>
    tpu.vector_store %arg5[%swap3A, %swap3A_47], %transpose3A {strides = array<i32>} : memref<2560x128xf32, #tpu.memory_space<vmem>>, vector<2560x128xf32>,
    return
  }
  func.func @transform_0(%arg0: i32) -> (i32, i32) {
    %add3A = arith.constant 0 : i32
    %add3A_0 = arith.addi %arg0, %add3A : i32
    %min3A = arith.constant 390 : i32
    %min3A_1 = arith.minsi %add3A_0, %min3A : i32
    %c0_i32 = arith.constant 0 : i32
    %c0_i32_2 = arith.constant 0 : i32
    return %c0_i32, %min3A_1 : i32, i32
  }
  func.func @transform_1(%arg0: i32) -> (i32, i32) {
    %add3A = arith.constant 98 : i32
    %add3A_0 = arith.addi %arg0, %add3A : i32
    %min3A = arith.constant 390 : i32
    %min3A_1 = arith.minsi %add3A_0, %min3A : i32
    %c0_i32 = arith.constant 0 : i32
    %c0_i32_2 = arith.constant 0 : i32
    return %c0_i32, %min3A_1 : i32, i32
  }
  func.func @transform_2(%arg0: i32) -> (i32, i32) {
    %add3A = arith.constant 196 : i32
    %add3A_0 = arith.addi %arg0, %add3A : i32
    %min3A = arith.constant 390 : i32
    %min3A_1 = arith.minsi %add3A_0, %min3A : i32
    %c0_i32 = arith.constant 0 : i32
    %c0_i32_2 = arith.constant 0 : i32
    return %c0_i32, %min3A_1 : i32, i32
  }
  func.func @transform_3(%arg0: i32) -> (i32, i32) {
    %add3A = arith.constant 294 : i32
    %add3A_0 = arith.addi %arg0, %add3A : i32
    %min3A = arith.constant 390 : i32
    %min3A_1 = arith.minsi %add3A_0, %min3A : i32
    %c0_i32 = arith.constant 0 : i32
    %c0_i32_2 = arith.constant 0 : i32
    return %c0_i32, %min3A_1 : i32, i32
  }
  func.func @transform_4(%arg0: i32) -> (i32, i32) {
    %c0_i32 = arith.constant 0 : i32
    %c0_i32_0 = arith.constant 0 : i32
    return %arg0, %c0_i32 : i32, i32
  }
}

module attributes {stable_mosaic.version = 14 : i64} {
  func.func @_mlp_body(%arg0: i32, %arg1: memref<2048x64xbf16, #tpu.memory_space<vmem>>, %arg2: memref<64x128xf32, #tpu.memory_space<vmem>>, %arg3: memref<1x128xf32, #tpu.memory_space<vmem>>, %arg4: memref<128x1xf32, #tpu.memory_space<vmem>>, %arg5: memref<1x1xf32, #tpu.memory_space<vmem>>, %arg6: memref<2048x1xf32, #tpu.memory_space<vmem>>) attributes {dimension_semantics = [#tpu.dimension_semantics<arbitrary>], iteration_bounds = array<i64: 8>, scalar_prefetch = 0 : i64, scratch_operands = 0 : i64, tpu.core_type = #tpu.core_type<tc>, window_params = [{transform_indices = @transform_0, window_bounds = array<i64: 2048, 64>}, {pipeline_mode = #tpu.pipeline_mode<synchronous>, transform_indices = @transform_1, window_bounds = array<i64: 64, 128>}, {pipeline_mode = #tpu.pipeline_mode<synchronous>, transform_indices = @transform_2, window_bounds = array<i64: 1, 128>}, {pipeline_mode = #tpu.pipeline_mode<synchronous>, transform_indices = @transform_3, window_bounds = array<i64: 128, 1>}, {pipeline_mode = #tpu.pipeline_mode<synchronous>, transform_indices = @transform_4, window_bounds = array<i64: 1, 1>}, {transform_indices = @transform_5, window_bounds = array<i64: 2048, 1>}]} {
    %get3A = arith.constant 0 : index
    %get3A_0 = arith.constant 0 : index
    %get3A_1 = vector.load %arg1[%get3A, %get3A_0] : memref<2048x64xbf16, #tpu.memory_space<vmem>>, vector<2048x64xbf16>
    %convert_element_type3A = arith.extf %get3A_1 : vector<2048x64xbf16> to vector<2048x64xf32>
    %get3A_2 = arith.constant 0 : index
    %get3A_3 = arith.constant 0 : index
    %get3A_4 = vector.load %arg2[%get3A_2, %get3A_3] : memref<64x128xf32, #tpu.memory_space<vmem>>, vector<64x128xf32>
    %dot_general3A = arith.constant dense<0.000000e+00> : vector<2048x128xf32>
    %dot_general3A_5 = tpu.matmul %convert_element_type3A, %get3A_4, %dot_general3A {dimension_numbers = #tpu.dot_dimension_numbers<[1], [0], [0], [1], [0, 0, 1, 1], [], []>, transpose_lhs_hint = false} : vector<2048x64xf32>, vector<64x128xf32>, vector<2048x128xf32> -> vector<2048x128xf32>
    %get3A_6 = arith.constant 0 : index
    %get3A_7 = arith.constant 0 : index
    %get3A_8 = vector.load %arg3[%get3A_6, %get3A_7] : memref<1x128xf32, #tpu.memory_space<vmem>>, vector<1x128xf32>
    %add3A = vector.broadcast %get3A_8 : vector<1x128xf32> to vector<2048x128xf32>
    %add3A_9 = arith.addf %dot_general3A_5, %add3A : vector<2048x128xf32>
    %max3A = arith.constant 0.000000e+00 : f32
    %max3A_10 = vector.broadcast %max3A : f32 to vector<2048x128xf32>
    %max3A_11 = arith.maximumf %add3A_9, %max3A_10 : vector<2048x128xf32>
    %get3A_12 = arith.constant 0 : index
    %get3A_13 = arith.constant 0 : index
    %get3A_14 = vector.load %arg4[%get3A_12, %get3A_13] : memref<128x1xf32, #tpu.memory_space<vmem>>, vector<128x1xf32>
    %dot_general3A_15 = arith.constant dense<0.000000e+00> : vector<2048x1xf32>
    %dot_general3A_16 = tpu.matmul %max3A_11, %get3A_14, %dot_general3A_15 {dimension_numbers = #tpu.dot_dimension_numbers<[1], [0], [0], [1], [0, 0, 1, 1], [], []>, transpose_lhs_hint = false} : vector<2048x128xf32>, vector<128x1xf32>, vector<2048x1xf32> -> vector<2048x1xf32>
    %get3A_17 = arith.constant 0 : index
    %get3A_18 = arith.constant 0 : index
    %get3A_19 = vector.load %arg5[%get3A_17, %get3A_18] : memref<1x1xf32, #tpu.memory_space<vmem>>, vector<1x1xf32>
    %add3A_20 = vector.broadcast %get3A_19 : vector<1x1xf32> to vector<2048x1xf32>
    %add3A_21 = arith.addf %dot_general3A_16, %add3A_20 : vector<2048x1xf32>
    %neg3A = arith.constant 0.000000e+00 : f32
    %neg3A_22 = vector.broadcast %neg3A : f32 to vector<2048x1xf32>
    %neg3A_23 = arith.subf %neg3A_22, %add3A_21 : vector<2048x1xf32>
    %exp3A = math.exp %neg3A_23 : vector<2048x1xf32>
    %add3A_24 = arith.constant 1.000000e+00 : f32
    %add3A_25 = vector.broadcast %add3A_24 : f32 to vector<2048x1xf32>
    %add3A_26 = arith.addf %add3A_25, %exp3A : vector<2048x1xf32>
    %div3A = arith.constant 1.000000e+00 : f32
    %div3A_27 = vector.broadcast %div3A : f32 to vector<2048x1xf32>
    %div3A_28 = arith.divf %div3A_27, %add3A_26 : vector<2048x1xf32>
    %swap3A = arith.constant 0 : index
    %swap3A_29 = arith.constant 0 : index
    %swap3A_30 = vector.load %arg6[%swap3A, %swap3A_29] : memref<2048x1xf32, #tpu.memory_space<vmem>>, vector<2048x1xf32>
    tpu.vector_store %arg6[%swap3A, %swap3A_29], %div3A_28 {strides = array<i32>} : memref<2048x1xf32, #tpu.memory_space<vmem>>, vector<2048x1xf32>,
    return
  }
  func.func @transform_0(%arg0: i32) -> (i32, i32) {
    %c0_i32 = arith.constant 0 : i32
    %c0_i32_0 = arith.constant 0 : i32
    return %arg0, %c0_i32 : i32, i32
  }
  func.func @transform_1(%arg0: i32) -> (i32, i32) {
    %c0_i32 = arith.constant 0 : i32
    %c0_i32_0 = arith.constant 0 : i32
    %c0_i32_1 = arith.constant 0 : i32
    return %c0_i32, %c0_i32_0 : i32, i32
  }
  func.func @transform_2(%arg0: i32) -> (i32, i32) {
    %c0_i32 = arith.constant 0 : i32
    %c0_i32_0 = arith.constant 0 : i32
    %c0_i32_1 = arith.constant 0 : i32
    return %c0_i32, %c0_i32_0 : i32, i32
  }
  func.func @transform_3(%arg0: i32) -> (i32, i32) {
    %c0_i32 = arith.constant 0 : i32
    %c0_i32_0 = arith.constant 0 : i32
    %c0_i32_1 = arith.constant 0 : i32
    return %c0_i32, %c0_i32_0 : i32, i32
  }
  func.func @transform_4(%arg0: i32) -> (i32, i32) {
    %c0_i32 = arith.constant 0 : i32
    %c0_i32_0 = arith.constant 0 : i32
    %c0_i32_1 = arith.constant 0 : i32
    return %c0_i32, %c0_i32_0 : i32, i32
  }
  func.func @transform_5(%arg0: i32) -> (i32, i32) {
    %c0_i32 = arith.constant 0 : i32
    %c0_i32_0 = arith.constant 0 : i32
    return %arg0, %c0_i32 : i32, i32
  }
}

</mosaic_0001>

<sc_bundles>
// kernel: kernel.5.cloned.1.call-start
scs
__scs_entry_jumppad:
0x0: {  	(pc) =	sbr.rel $0x88, $3  }
0x1: {  	(tag) =	ssettag $0x0;
	lr =	simm.s32 $0x1  }
0x2: {  	[smem:$0x3F9B] =	sst lr;
	_ =	strace $0xD0000000  }
0x3: {  	_ = 	snop  }
0x4: {  	_ = 	snop  }
0x5: {  	_ = 	snop  }
0x6: {  	_ = 	snop  }
0x7: {  	_ = 	snop  }
__scs_overlays_trampoline_lowered:
0x8: {  	[smem:$0x3FAA] =	sst s0  }
0x9: {  	[smem:$0x3FAB] =	sst s1  }
0xa: {  	[smem:$0x3FAC] =	sst s2  }
0xb: {  	[smem:$0x3FAD] =	sst s3  }
0xc: {  	[smem:$0x3FAE] =	sst s4  }
0xd: {  	[smem:$0x3FAF] =	sst s5  }
0xe: {  	[smem:$0x3FB0] =	sst s6  }
0xf: {  	[smem:$0x3FB1] =	sst s7  }
0x10: {  	[smem:$0x3FB2] =	sst s8  }
0x11: {  	[smem:$0x3FB3] =	sst s9;
	s0 =	simm.s32 @!p0 $0x0  }
0x12: {  	s1 =	sld [smem:$0x3F99];
	s0 =	simm.s32 @p0 $0x1  }
0x13: {  	[smem:$0x3FB4] =	sst s0;
	s0 =	simm.s32 @!p1 $0x0  }
0x14: {  	s2 =	sld [smem:$0x3F98];
	s0 =	simm.s32 @p1 $0x1  }
0x15: {  	[smem:$0x3FB5] =	sst s0;
	s0 =	simm.s32 @!p2 $0x0  }
0x16: {  	s3 =	sld [smem:$0x3FDB];
	s0 =	simm.s32 @p2 $0x1  }
0x17: {  	s4 =	simm.s32 $0x1BF5;
	[smem:$0x3FB7] =	sst s0  }
0x18: {  	s0 =	sld [smem:$0x3F9A];
	_ =	swait.ge [sflag:s4], $0x0  }
0x19: {  	s7 =	sld [smem:$0x3F9B]  }
0x1a: {  	s8 =	sadd.s32 $0xFFFFE003, lr  }
0x1b: {  	s9 =	sadd.s32 $0xFFFFFEF7, lr;
	s5 =	simm.s32 $0xFFFFFFFF;
	p2 =	slt.u32 s8, $0xFFFFF086  }
0x1c: {  	p1 =	slt.u32 s9, $0xF7A;
	s5 =	simm.s32 @!p2 $0x0  }
0x1d: {  	s5 =	simm.s32 @p1 $0x1;
	p0 =	seq.s32 s7, s2  }
0x1e: {  	s7 =	smul.u32 @!p0 $0xF7A, s2;
	p2 =	seq.s32 @!p0 s5, $0x0  }
0x1f: {  	s9 =	smul.u32 $0xF7A, s1;
	s8 =	simm.s32 @!p0 $0x1BF5;
	p2 =	por !p2, p0  }
0x20: {  	[sflag:s8] =	ssyncset.s32 @!p0 $0xFFFFF086;
	s6 =	sadd.s32 @!p0 s3, s7;
	s7 =	simm.s32 @!p0 $0x108  }
0x21: {  	s3 =	sadd.s32 s3, s9;
	s6 =	sadd.s32 @!p0 $0x88, s6;
	s7 =	simm.s32 @p2 $0x1082  }
0x22: {  	[simem:s7], [sflag:s8] =	dma.local @!p0 [hbm:s6], $0xF7A  }
0x23: {  	s9 =	sor.u32 $0xD0000000, s2;
	s6 =	simm.s32 $0x108;
	_ =	swait.ge @!p0 [sflag:s8], $0x0  }
0x24: {  	s3 =	sadd.s32 $0x88, s3;
	s6 =	simm.s32 @!p1 $0x1082;
	[sflag:s4] =	ssyncset.s32 $0xFFFFF086  }
0x25: {  	[simem:s6], [sflag:s4] =	dma.local [hbm:s3], $0xF7A  }
0x26: {  	[smem:$0x3F9B] =	sst s1;
	(tag) =	ssettag s2;
	_ =	strace s9  }
0x27: {  	s1 =	sld [smem:$0x3FAB]  }
0x28: {  	s2 =	sld [smem:$0x3FAC]  }
0x29: {  	s4 =	sld [smem:$0x3FAE]  }
0x2a: {  	p0 =	seq.s32 s5, $0x0;
	s5 =	sld [smem:$0x3FAF]  }
0x2b: {  	s6 =	sld [smem:$0x3FB0]  }
0x2c: {  	s7 =	sld [smem:$0x3FB1]  }
0x2d: {  	s3 =	simm.s32 $0x108;
	s8 =	sld [smem:$0x3FB2]  }
0x2e: {  	s3 =	simm.s32 @!p0 $0x1082;
	s9 =	sld [smem:$0x3FB3]  }
0x2f: {  	lr =	sadd.s32 s0, s3;
	s0 =	sld [smem:$0x3FAA]  }
0x30: {  	s3 =	sld [smem:$0x3FAD]  }
0x31: {  	[smem:$0x3FB6] =	sst s10  }
0x32: {  	s10 =	sld [smem:$0x3FB4];
	_ =	sdelay $0x3  }
0x33: {  	p0 =	seq.s32 s10, $0x1;
	s10 =	sld [smem:$0x3FB6];
	_ =	sdelay $0x3  }
0x34: {  	[smem:$0x3FB6] =	sst s10  }
0x35: {  	s10 =	sld [smem:$0x3FB5];
	_ =	sdelay $0x3  }
0x36: {  	p1 =	seq.s32 s10, $0x1;
	s10 =	sld [smem:$0x3FB6];
	_ =	sdelay $0x3  }
0x37: {  	[smem:$0x3FB6] =	sst s10  }
0x38: {  	s10 =	sld [smem:$0x3FB7]  }
0x39: {  	_ = 	snop;
	(pc) =	sbr.ind lr, $3  }
0x3a: {  	_ = 	snop  }
0x3b: {  	_ = 	snop  }
0x3c: {  	p2 =	seq.s32 s10, $0x1;
	s10 =	sld [smem:$0x3FB6]  }
0x3d: {  	_ =	shalt  }
0x3e: {  	_ =	shalt  }
0x3f: {  	_ =	shalt  }
0x40: {  	_ =	shalt  }
0x41: {  	_ =	shalt  }
0x42: {  	_ =	shalt  }
0x43: {  	_ =	shalt  }
0x44: {  	_ =	shalt  }
0x45: {  	_ =	shalt  }
0x46: {  	_ =	shalt  }
0x47: {  	_ =	shalt  }
0x48: {  	_ =	shalt  }
0x49: {  	_ =	shalt  }
0x4a: {  	_ =	shalt  }
0x4b: {  	_ =	shalt  }
0x4c: {  	_ =	shalt  }
0x4d: {  	_ =	shalt  }
0x4e: {  	_ =	shalt  }
0x4f: {  	_ =	shalt  }
0x50: {  	_ =	shalt  }
0x51: {  	_ =	shalt  }
0x52: {  	_ =	shalt  }
0x53: {  	_ =	shalt  }
0x54: {  	_ =	shalt  }
0x55: {  	_ =	shalt  }
0x56: {  	_ =	shalt  }
0x57: {  	_ =	shalt  }
0x58: {  	_ =	shalt  }
0x59: {  	_ =	shalt  }
0x5a: {  	_ =	shalt  }
0x5b: {  	_ =	shalt  }
0x5c: {  	_ =	shalt  }
0x5d: {  	_ =	shalt  }
0x5e: {  	_ =	shalt  }
0x5f: {  	_ =	shalt  }
0x60: {  	_ =	shalt  }
0x61: {  	_ =	shalt  }
0x62: {  	_ =	shalt  }
0x63: {  	_ =	shalt  }
0x64: {  	_ =	shalt  }
0x65: {  	_ =	shalt  }
0x66: {  	_ =	shalt  }
0x67: {  	_ =	shalt  }
0x68: {  	_ =	shalt  }
0x69: {  	_ =	shalt  }
0x6a: {  	_ =	shalt  }
0x6b: {  	_ =	shalt  }
0x6c: {  	_ =	shalt  }
0x6d: {  	_ =	shalt  }
0x6e: {  	_ =	shalt  }
0x6f: {  	_ =	shalt  }
0x70: {  	_ =	shalt  }
0x71: {  	_ =	shalt  }
0x72: {  	_ =	shalt  }
0x73: {  	_ =	shalt  }
0x74: {  	_ =	shalt  }
0x75: {  	_ =	shalt  }
0x76: {  	_ =	shalt  }
0x77: {  	_ =	shalt  }
0x78: {  	_ =	shalt  }
0x79: {  	_ =	shalt  }
0x7a: {  	_ =	shalt  }
0x7b: {  	_ =	shalt  }
0x7c: {  	_ =	shalt  }
0x7d: {  	_ =	shalt  }
0x7e: {  	_ =	shalt  }
0x7f: {  	_ =	shalt  }
0x80: {  	_ =	shalt  }
0x81: {  	_ =	shalt  }
0x82: {  	_ =	shalt  }
0x83: {  	_ =	shalt  }
0x84: {  	_ =	shalt  }
0x85: {  	_ =	shalt  }
0x86: {  	_ =	shalt  }
0x87: {  	_ =	shalt  }
.Lfunc_end0:
.L_simem_size_0:
called_computation_lowered:
.L_overlay_start_0:
0x88: {  	s2 =	sld [smem:$0x3FD9]  }
0x89: {  	s3 =	sld [smem:$0x3FFE];
	_ =	sdelay $0x1  }
0x8a: {  	s1 =	srdreg.scid  }
0x8b: {  	s0 =	sand.u32 $0x1, s1  }
0x8c: {  	s16 =	sshll.u32 s0, $0xA;
	s2 =	sadd.s32 s3, s2  }
0x8d: {  	s2 =	sadd.s32 s2, s16  }
0x8e: {  	[smem:$0x3FC2] =	sst s2  }
0x8f: {  	_ = 	snop  }
0x90: {  	(tm) =	ssettm $0x1  }
0x91: {  	s17 =	sld [smem:$0x3FFB];
	_ =	sdelay $0x3  }
0x92: {  	_ =	strace s17  }
0x93: {  	s2 =	sld [smem:$0x3FFC];
	_ =	sdelay $0x3  }
0x94: {  	_ =	strace s2  }
0x95: {  	s2 =	sld [smem:$0x3FFD];
	_ =	sdelay $0x3  }
0x96: {  	_ =	strace s2  }
0x97: {  	_ =	strace $0x8FFFFFFF  }
0x98: {  	s18 =	sld [smem:$0x3FDB];
	_ =	sdelay $0x1  }
0x99: {  	s19 =	simm.s32 $_scs_section_size  }
0x9a: {  	s4 =	simm.s32 $_size__tile_overlayer_lowered;
	s5 =	simm.s32 $_tile_overlayer_lowered  }
0x9b: {  	s22 =	simm.s32 $0x1BFF;
	s21 =	sshll.u32 s5, $0x1;
	s2 =	sadd.s32 s19, s18  }
0x9c: {  	s6 =	simm.s32 $0x0;
	s20 =	sshll.u32 s4, $0x1;
	s4 =	sadd.s32 s21, s2  }
0x9d: {  	[timem:s6], [sflag:s22] =	dma.local [hbm:s4], s20  }
0x9e: {  	_ =	swait.ge [sflag:s22], s20  }
0x9f: {  	s3 =	ssub.s32 $0x0, s20;
	[sflag:s22] =	ssyncset.done $0x0  }
0xa0: {  	[sflag:s22] =	ssyncadd.s32 s3;
	_ =	sdelay $0x1  }
0xa1: {  	s23 =	simm.s32 $0x1B8B  }
0xa2: {  	_ =	swait.ge [sflag:s23], $0x1  }
0xa3: {  	[sflag:s23] =	ssyncset.done $0x0  }
0xa4: {  	s25 =	simm.s32 $0x1B8E;
	s24 =	sld [smem:$0x3FFE];
	[sflag:s23] =	ssyncadd.s32 $0xFFFFFFFF  }
0xa5: {  	s26 =	simm.s32 $execute0_lowered;
	[smem:$0x3FD2] =	sst s25  }
0xa6: {  	s4 =	sshll.u32 s26, $0x1;
	_ =	strace $0x80000046;
	[dreg:$0x1] =	wrdreg $0xFFFFFFFF  }
0xa7: {  	s28 =	simm.s32 $_size_execute0_lowered;
	s2 =	sadd.s32 s2, s4;
	[dreg:$0x0] =	wrdreg $0x0  }
0xa8: {  	s4 =	sshll.u32 s28, $0x1;
	[dreg:$0x2] =	wrdreg s2  }
0xa9: {  	[dreg:$0x3] =	wrdreg s4  }
0xaa: {  	[dreg:$0x4] =	wrdreg $0xC0  }
0xab: {  	_ =	task [dreg:s6], $0x5FFFF  }
0xac: {  	[dreg:$0x1] =	wrdreg $0xFFFFFFFF  }
0xad: {  	[dreg:$0x0] =	wrdreg $0x60  }
0xae: {  	[dreg:$0x2] =	wrdreg s24  }
0xaf: {  	[dreg:$0x3] =	wrdreg $0x9  }
0xb0: {  	_ =	task.clear_ibuf [dreg:s6], $0x4FFFF;
	_ =	strace $0x90000046  }
0xb1: {  	s29 =	simm.s32 $0x9;
	_ =	strace $0x80000048  }
0xb2: {  	_ =	swait.ge [sflag:s29], $0x1  }
0xb3: {  	[sflag:s29] =	ssyncadd.s32 $0xFFFFFFFF  }
0xb4: {  	_ =	strace $0x90000048  }
0xb5: {  	_ =	sfence  }
0xb6: {  	s30 =	sld [smem:$0x0];
	_ =	sdelay $0x2  }
0xb7: {  	s31 =	sshll.u32 s1, $0xD;
	s1 =	sshrl.u32 s1, $0x2  }
0xb8: {  	s3 =	sand.u32 $0x4000, s31;
	s1 =	sadd.s32 s1, s30  }
0xb9: {  	s0 =	sor.u32 s3, s0;
	s1 =	sshll.u32 s1, $0x11  }
0xba: {  	s0 =	sor.u32 s1, s0  }
0xbb: {  	s0 =	sadd.s32 $0x8F2B, s0  }
0xbc: {  	[sflag:s0] =	ssyncadd.remote.s32 $0x1  }
0xbd: {  	_ =	sfence.sel $0xFFFF  }
0xbe: {  	[dreg:$0x0] =	wrdreg $0xFFFFFFFF;
	(pc) =	sbr.abs _section_cstart, $3  }
0xbf: {  	[dreg:$0x1] =	wrdreg $0xFFFFFFFF  }
0xc0: {  	_ =	task.clear_ibuf [dreg:s6], $0x2FFFF;
	_ =	strace $0x9FFFFFFF  }
0xc1: {  	(tm) =	ssettm $0x7FFFFFFF  }
tec
execute0_lowered:
.L_overlay_start_1:
0x0: {  	(tag) =	ssettag $0x1  }
0x1: {  	s0 =	rddreg [dreg:$0x0]  }
0x2: {  	s1 =	simm.s32 $0x0;
	s30 =	srdreg.scid;
	s5 =	stileid.u32  }
0x3: {  	s8 =	simm.s32 $0x9;
	s9 =	simm.s32 $0x80;
	s11 =	simm.s32 $0x48  }
0x4: {  	s10 =	simm.s32 $0x530;
	s12 =	simm.s32 $0xD800;
	s13 =	simm.s32 $0xE100  }
0x5: {  	s14 =	simm.s32 $0xF100;
	s15 =	simm.s32 $0x1;
	s16 =	simm.s32 $0x2  }
0x6: {  	s17 =	simm.s32 $0x3;
	s18 =	simm.s32 $0x4;
	s19 =	simm.s32 $0x5  }
0x7: {  	s20 =	simm.s32 $0x6;
	s21 =	simm.s32 $0x7;
	s22 =	simm.s32 $0x8  }
0x8: {  	s23 =	simm.s32 $0xFA00;
	[smem:$0x7FF] =	sst s1;
	s1 =	sand.u32 $0x1, s30  }
0x9: {  	s3 =	sadd.s32 $0xC00, s0;
	s4 =	sadd.s32 $0x64C00, s0;
	s2 =	ssub.s32 $0x2, s1  }
0xa: {  	s7 =	sshll.u32 s5, $0xA;
	s5 =	sadd.s32 $0x438C00, s0;
	s6 =	sshrl.u32 s2, $0x1  }
0xb: {  	_ =	strace $0x80000047;
	s1 =	sshll.u32 s1, $0x9;
	s31 =	ssub.s32 s2, s6  }
0xc: {  	s6 =	sor.u32 s1, s7;
	s7 =	simm.s32 $0x4B0;
	s0 =	smax.u32 s31, $0x1  }
0xd: {  	v0 =	vimm.bf16 $5.0050e-03;
	s1 =	simm.s32 $0xC800;
	s2 =	simm.s32 $0x0;
	[dreg:$0x2] =	wrdreg s0  }
.LBB2_1:
0xe: {  	[dreg:$0x3] =	wrdreg s2;
	s24 =	simm.s32 $0x0  }
.LBB2_2:
0xf: {  	s0 =	sshll.u32 s24, $0x6  }
0x10: {  	s25 =	sadd.s32 s6, s0  }
0x11: {  	s0 =	smul.u32 $0x19, s25;
	_ =	sdelay $0x1  }
0x12: {  	s28 =	simm.s32 $0x0;
	s0 =	sadd.s32 s3, s0  }
0x13: {  	[tilespmem:s28], [sflag:$0x9] =	stream.linear.gather [hbm4b:s0+s28], $0x3200, $0x38;
	[tilespmem:$0x10200] =	vst v63  }
0x14: {  	_ =	swait.ge [sflag:s8], $0x3200  }
0x15: {  	[sflag:s8] =	ssyncset.done $0x0  }
0x16: {  	s2 =	simm.s32 $0x3200;
	[sflag:s8] =	ssyncadd.s32 $0xFFFFCE00  }
0x17: {  	[tilespmem:s2], [sflag:$0x1] =	stream.indirect.gather [hbm4b:s4+s9], $0x20, s28, s9, $0xb8;
	[tilespmem:$0x10200] =	vst v63  }
0x18: {  	s26 =	simm.s32 $0x4200  }
0x19: {  	[tilespmem:s26], [sflag:$0x1] =	stream.indirect.gather [hbm4b:s4+s11], $0x20, s9, s11, $0xb8;
	[tilespmem:$0x10200] =	vst v63  }
0x1a: {  	s29 =	simm.s32 $0xC8;
	s2 =	simm.s32 $0x4B00  }
0x1b: {  	[tilespmem:s2], [sflag:$0x2] =	stream.indirect.gather [hbm4b:s4+s9], $0x20, s29, s9, $0xb8;
	[tilespmem:$0x10200] =	vst v63  }
0x1c: {  	s30 =	simm.s32 $0x148;
	s31 =	simm.s32 $0x5B00  }
0x1d: {  	[tilespmem:s31], [sflag:$0x2] =	stream.indirect.gather [hbm4b:s4+s11], $0x20, s30, s11, $0xb8;
	[tilespmem:$0x10200] =	vst v63  }
0x1e: {  	s26 =	simm.s32 $0x190;
	s29 =	simm.s32 $0x6400  }
0x1f: {  	[tilespmem:s29], [sflag:$0x3] =	stream.indirect.gather [hbm4b:s4+s9], $0x20, s26, s9, $0xb8;
	[tilespmem:$0x10200] =	vst v63  }
0x20: {  	s30 =	simm.s32 $0x210;
	s31 =	simm.s32 $0x7400  }
0x21: {  	[tilespmem:s31], [sflag:$0x3] =	stream.indirect.gather [hbm4b:s4+s11], $0x20, s30, s11, $0xb8;
	[tilespmem:$0x10200] =	vst v63  }
0x22: {  	s26 =	simm.s32 $0x258;
	s29 =	simm.s32 $0x7D00  }
0x23: {  	[tilespmem:s29], [sflag:$0x4] =	stream.indirect.gather [hbm4b:s4+s9], $0x20, s26, s9, $0xb8;
	[tilespmem:$0x10200] =	vst v63  }
0x24: {  	s30 =	simm.s32 $0x2D8;
	s31 =	simm.s32 $0x8D00  }
0x25: {  	[tilespmem:s31], [sflag:$0x4] =	stream.indirect.gather [hbm4b:s4+s11], $0x20, s30, s11, $0xb8;
	[tilespmem:$0x10200] =	vst v63  }
0x26: {  	s26 =	simm.s32 $0x320;
	s29 =	simm.s32 $0x9600  }
0x27: {  	[tilespmem:s29], [sflag:$0x5] =	stream.indirect.gather [hbm4b:s4+s9], $0x20, s26, s9, $0xb8;
	[tilespmem:$0x10200] =	vst v63  }
0x28: {  	s30 =	simm.s32 $0x3A0;
	s31 =	simm.s32 $0xA600  }
0x29: {  	[tilespmem:s31], [sflag:$0x5] =	stream.indirect.gather [hbm4b:s4+s11], $0x20, s30, s11, $0xb8;
	[tilespmem:$0x10200] =	vst v63  }
0x2a: {  	s26 =	simm.s32 $0x3E8;
	s29 =	simm.s32 $0xAF00  }
0x2b: {  	[tilespmem:s29], [sflag:$0x6] =	stream.indirect.gather [hbm4b:s4+s9], $0x20, s26, s9, $0xb8;
	[tilespmem:$0x10200] =	vst v63  }
0x2c: {  	s30 =	simm.s32 $0x468;
	s31 =	simm.s32 $0xBF00  }
0x2d: {  	[tilespmem:s31], [sflag:$0x6] =	stream.indirect.gather [hbm4b:s4+s11], $0x20, s30, s11, $0xb8;
	[tilespmem:$0x10200] =	vst v63  }
0x2e: {  	_ = 	snop  }
0x2f: {  	[tilespmem:s1], [sflag:$0x7] =	stream.indirect.gather [hbm4b:s4+s9], $0x20, s7, s9, $0xb8;
	[tilespmem:$0x10200] =	vst v63  }
0x30: {  	_ = 	snop  }
0x31: {  	[tilespmem:s12], [sflag:$0x7] =	stream.indirect.gather [hbm4b:s4+s11], $0x20, s10, s11, $0xb8;
	[tilespmem:$0x10200] =	vst v63  }
.LBB2_3:
0x32: {  	s26 =	sshllo.u32 s28, $0x3  }
0x33: {  	s0 =	smul.u32 $0x320, s26;
	_ =	sdelay $0x1  }
0x34: {  	s0 =	sshra.s32 s0, $0x2  }
0x35: {  	[tilespmem:s13], [sflag:$0x8] =	stream.indirect.gather [hbm4b:s4+s9], $0x20, s0, s9, $0xb8;
	[tilespmem:$0x10200] =	vst v63  }
0x36: {  	s0 =	sadd.s32 $0x80, s0  }
0x37: {  	[tilespmem:s14], [sflag:$0x8] =	stream.indirect.gather [hbm4b:s4+s11], $0x20, s0, s11, $0xb8;
	[tilespmem:$0x10200] =	vst v63  }
0x38: {  	_ =	swait.ge [sflag:s15], $0x1000  }
0x39: {  	[sflag:s15] =	ssyncset.done $0x0  }
0x3a: {  	[sflag:s15] =	ssyncadd.s32 $0xFFFFF000  }
0x3b: {  	_ =	swait.ge [sflag:s15], $0x900  }
0x3c: {  	[sflag:s15] =	ssyncset.done $0x0  }
0x3d: {  	s31 =	simm.s32 $0x3280;
	[sflag:s15] =	ssyncadd.s32 $0xFFFFF700  }
0x3e: {  	v1 =	vld [tilespmem:s31+$0xFFFFFF80]  }
0x3f: {  	v2 =	vld [tilespmem:s31+$0xFFFFFF90]  }
0x40: {  	v3 =	vld [tilespmem:s31+$0xFFFFFFA0]  }
0x41: {  	v4 =	vld [tilespmem:s31+$0xFFFFFFB0]  }
0x42: {  	v5 =	vld [tilespmem:s31+$0xFFFFFFC0]  }
0x43: {  	v7 =	vimm.bf16 $0.0e+00;
	v6 =	vld [tilespmem:s31+$0xFFFFFFD0]  }
0x44: {  	v8 =	vld [tilespmem:s31+$0xFFFFFFE0];
	v1 =	vadd.bf16 v1, v7;
	v2 =	vadd.bf16 v2, v7  }
0x45: {  	v7 =	vld [tilespmem:s31+$0xFFFFFFF0]  }
0x46: {  	v9 =	vld [tilespmem:s31+$0x0];
	v3 =	vadd.bf16 v3, v1;
	v2 =	vadd.bf16 v4, v2  }
0x47: {  	v10 =	vld [tilespmem:s31+$0x10]  }
0x48: {  	v1 =	vld [tilespmem:s31+$0x20];
	v3 =	vadd.bf16 v5, v3;
	v5 =	vadd.bf16 v6, v2  }
0x49: {  	v4 =	vld [tilespmem:s31+$0x30]  }
0x4a: {  	v2 =	vld [tilespmem:s31+$0x40];
	v6 =	vadd.bf16 v8, v3;
	v8 =	vadd.bf16 v7, v5  }
0x4b: {  	v5 =	vld [tilespmem:s31+$0x50]  }
0x4c: {  	v3 =	vld [tilespmem:s31+$0x60];
	v7 =	vadd.bf16 v9, v6;
	v8 =	vadd.bf16 v10, v8  }
0x4d: {  	s29 =	simm.s32 $0x0;
	s30 =	simm.s32 $0x3380;
	v6 =	vld [tilespmem:s31+$0x70]  }
.LBB2_4:
0x4e: {  	v9 =	vld [tilespmem:s30+$0xFFFFFF80];
	v1 =	vadd.bf16 v1, v7;
	v4 =	vadd.bf16 v4, v8  }
0x4f: {  	s29 =	sadd.s32 $0x8, s29;
	v7 =	vld [tilespmem:s30+$0xFFFFFF90]  }
0x50: {  	p0 =	slt.u32 s29, $0xC0;
	v8 =	vld [tilespmem:s30+$0xFFFFFFA0];
	v1 =	vadd.bf16 v2, v1;
	v2 =	vadd.bf16 v5, v4  }
0x51: {  	v4 =	vld [tilespmem:s30+$0xFFFFFFB0]  }
0x52: {  	v5 =	vld [tilespmem:s30+$0xFFFFFFC0];
	v1 =	vadd.bf16 v3, v1;
	v2 =	vadd.bf16 v6, v2  }
0x53: {  	v3 =	vld [tilespmem:s30+$0xFFFFFFD0]  }
0x54: {  	v1 =	vadd.bf16 v9, v1;
	v2 =	vadd.bf16 v7, v2;
	v6 =	vld [tilespmem:s30+$0xFFFFFFE0]  }
0x55: {  	v7 =	vld [tilespmem:s30+$0xFFFFFFF0]  }
0x56: {  	v1 =	vadd.bf16 v8, v1;
	v2 =	vadd.bf16 v4, v2;
	v8 =	vld [tilespmem:s30+$0x0]  }
0x57: {  	v9 =	vld [tilespmem:s30+$0x10]  }
0x58: {  	v5 =	vadd.bf16 v5, v1;
	v2 =	vadd.bf16 v3, v2;
	v1 =	vld [tilespmem:s30+$0x20]  }
.Ltmp0:
0x59: {  	v4 =	vld [tilespmem:s30+$0x30];
	(pc) =	sbr.rel @p0 .LBB2_4-.Ltmp0, $4  }
0x5a: {  	v3 =	vadd.bf16 v6, v5;
	v6 =	vadd.bf16 v7, v2;
	v2 =	vld [tilespmem:s30+$0x40]  }
0x5b: {  	v5 =	vld [tilespmem:s30+$0x50]  }
0x5c: {  	v7 =	vadd.bf16 v8, v3;
	v8 =	vadd.bf16 v9, v6;
	v3 =	vld [tilespmem:s30+$0x60]  }
0x5d: {  	v6 =	vld [tilespmem:s30+$0x70];
	s30 =	sadd.s32 $0x100, s30  }
0x5e: {  	v1 =	vadd.bf16 v1, v7  }
0x5f: {  	v4 =	vadd.bf16 v4, v8  }
0x60: {  	v1 =	vadd.bf16 v2, v1  }
0x61: {  	v2 =	vadd.bf16 v5, v4  }
0x62: {  	v1 =	vadd.bf16 v3, v1  }
0x63: {  	p0 =	seq.s32 s28, $0x7;
	v2 =	vadd.bf16 v6, v2  }
0x64: {  	s0 =	sshll.u32 s28, $0x8;
	s29 =	smul.u32 @!p0 $0x1900, s28;
	v1 =	vmul.bf16 v0, v1  }
0x65: {  	s30 =	sand.u32 $0x3FFFFF00, s0;
	v2 =	vmul.bf16 v0, v2  }
0x66: {  	s29 =	sshra.s32 @!p0 s29, $0x2;
	[tilespmem:s30+$0xFA00] =	vst v1  }
0x67: {  	s31 =	simm.s32 @!p0 $0x80;
	s2 =	simm.s32 @!p0 $0x3200;
	s0 =	sadd.s32 @!p0 $0x640, s29;
	[tilespmem:s30+$0xFA10] =	vst v2  }
0x68: {  	[tilespmem:s2], [sflag:$0x1] =	stream.indirect.gather @!p0 [hbm4b:s4+s31], $0x20, s0, s31, $0xb8;
	[tilespmem:$0x10200] =	vst v63  }
0x69: {  	s0 =	sadd.s32 @!p0 $0x6C0, s29;
	s2 =	simm.s32 @!p0 $0x48;
	s31 =	simm.s32 @!p0 $0x4200  }
0x6a: {  	[tilespmem:s31], [sflag:$0x1] =	stream.indirect.gather @!p0 [hbm4b:s4+s2], $0x20, s0, s2, $0xb8;
	[tilespmem:$0x10200] =	vst v63  }
0x6b: {  	_ =	swait.ge [sflag:s16], $0x1000  }
0x6c: {  	[sflag:s16] =	ssyncset.done $0x0  }
0x6d: {  	[sflag:s16] =	ssyncadd.s32 $0xFFFFF000  }
0x6e: {  	_ =	swait.ge [sflag:s16], $0x900  }
0x6f: {  	[sflag:s16] =	ssyncset.done $0x0  }
0x70: {  	s2 =	simm.s32 $0x4B80;
	[sflag:s16] =	ssyncadd.s32 $0xFFFFF700  }
0x71: {  	v1 =	vld [tilespmem:s2+$0xFFFFFF80]  }
0x72: {  	v2 =	vld [tilespmem:s2+$0xFFFFFF90]  }
0x73: {  	v3 =	vld [tilespmem:s2+$0xFFFFFFA0]  }
0x74: {  	v4 =	vld [tilespmem:s2+$0xFFFFFFB0]  }
0x75: {  	v5 =	vld [tilespmem:s2+$0xFFFFFFC0]  }
0x76: {  	v7 =	vimm.bf16 $0.0e+00;
	v6 =	vld [tilespmem:s2+$0xFFFFFFD0]  }
0x77: {  	v8 =	vld [tilespmem:s2+$0xFFFFFFE0];
	v1 =	vadd.bf16 v1, v7;
	v2 =	vadd.bf16 v2, v7  }
0x78: {  	v7 =	vld [tilespmem:s2+$0xFFFFFFF0]  }
0x79: {  	v9 =	vld [tilespmem:s2+$0x0];
	v3 =	vadd.bf16 v3, v1;
	v2 =	vadd.bf16 v4, v2  }
0x7a: {  	v10 =	vld [tilespmem:s2+$0x10]  }
0x7b: {  	v1 =	vld [tilespmem:s2+$0x20];
	v3 =	vadd.bf16 v5, v3;
	v5 =	vadd.bf16 v6, v2  }
0x7c: {  	v4 =	vld [tilespmem:s2+$0x30]  }
0x7d: {  	v2 =	vld [tilespmem:s2+$0x40];
	v6 =	vadd.bf16 v8, v3;
	v8 =	vadd.bf16 v7, v5  }
0x7e: {  	v5 =	vld [tilespmem:s2+$0x50]  }
0x7f: {  	v3 =	vld [tilespmem:s2+$0x60];
	v7 =	vadd.bf16 v9, v6;
	v8 =	vadd.bf16 v10, v8  }
0x80: {  	s28 =	sadd.s32 $0x1, s28;
	s31 =	simm.s32 $0x0;
	s0 =	simm.s32 $0x4C80;
	v6 =	vld [tilespmem:s2+$0x70]  }
.LBB2_6:
0x81: {  	v9 =	vld [tilespmem:s0+$0xFFFFFF80];
	v1 =	vadd.bf16 v1, v7;
	v4 =	vadd.bf16 v4, v8  }
0x82: {  	s31 =	sadd.s32 $0x8, s31;
	v7 =	vld [tilespmem:s0+$0xFFFFFF90]  }
0x83: {  	p1 =	slt.u32 s31, $0xC0;
	v8 =	vld [tilespmem:s0+$0xFFFFFFA0];
	v1 =	vadd.bf16 v2, v1;
	v2 =	vadd.bf16 v5, v4  }
0x84: {  	v4 =	vld [tilespmem:s0+$0xFFFFFFB0]  }
0x85: {  	v5 =	vld [tilespmem:s0+$0xFFFFFFC0];
	v1 =	vadd.bf16 v3, v1;
	v2 =	vadd.bf16 v6, v2  }
0x86: {  	v3 =	vld [tilespmem:s0+$0xFFFFFFD0]  }
0x87: {  	v1 =	vadd.bf16 v9, v1;
	v2 =	vadd.bf16 v7, v2;
	v6 =	vld [tilespmem:s0+$0xFFFFFFE0]  }
0x88: {  	v7 =	vld [tilespmem:s0+$0xFFFFFFF0]  }
0x89: {  	v1 =	vadd.bf16 v8, v1;
	v2 =	vadd.bf16 v4, v2;
	v8 =	vld [tilespmem:s0+$0x0]  }
0x8a: {  	v9 =	vld [tilespmem:s0+$0x10]  }
0x8b: {  	v5 =	vadd.bf16 v5, v1;
	v2 =	vadd.bf16 v3, v2;
	v1 =	vld [tilespmem:s0+$0x20]  }
.Ltmp1:
0x8c: {  	v4 =	vld [tilespmem:s0+$0x30];
	(pc) =	sbr.rel @p1 .LBB2_6-.Ltmp1, $4  }
0x8d: {  	v3 =	vadd.bf16 v6, v5;
	v6 =	vadd.bf16 v7, v2;
	v2 =	vld [tilespmem:s0+$0x40]  }
0x8e: {  	v5 =	vld [tilespmem:s0+$0x50]  }
0x8f: {  	v7 =	vadd.bf16 v8, v3;
	v8 =	vadd.bf16 v9, v6;
	v3 =	vld [tilespmem:s0+$0x60]  }
0x90: {  	v6 =	vld [tilespmem:s0+$0x70];
	s0 =	sadd.s32 $0x100, s0  }
0x91: {  	v1 =	vadd.bf16 v1, v7  }
0x92: {  	v4 =	vadd.bf16 v4, v8  }
0x93: {  	v1 =	vadd.bf16 v2, v1  }
0x94: {  	v2 =	vadd.bf16 v5, v4  }
0x95: {  	v1 =	vadd.bf16 v3, v1  }
0x96: {  	v2 =	vadd.bf16 v6, v2  }
0x97: {  	v1 =	vmul.bf16 v0, v1  }
0x98: {  	v2 =	vmul.bf16 v0, v2  }
0x99: {  	[tilespmem:s30+$0xFA20] =	vst v1  }
0x9a: {  	s0 =	sadd.s32 @!p0 $0x708, s29;
	s2 =	simm.s32 @!p0 $0x80;
	s31 =	simm.s32 @!p0 $0x4B00;
	[tilespmem:s30+$0xFA30] =	vst v2  }
0x9b: {  	[tilespmem:s31], [sflag:$0x2] =	stream.indirect.gather @!p0 [hbm4b:s4+s2], $0x20, s0, s2, $0xb8;
	[tilespmem:$0x10200] =	vst v63  }
0x9c: {  	s0 =	sadd.s32 @!p0 $0x788, s29;
	s2 =	simm.s32 @!p0 $0x48;
	s31 =	simm.s32 @!p0 $0x5B00  }
0x9d: {  	[tilespmem:s31], [sflag:$0x2] =	stream.indirect.gather @!p0 [hbm4b:s4+s2], $0x20, s0, s2, $0xb8;
	[tilespmem:$0x10200] =	vst v63  }
0x9e: {  	_ =	swait.ge [sflag:s17], $0x1000  }
0x9f: {  	[sflag:s17] =	ssyncset.done $0x0  }
0xa0: {  	[sflag:s17] =	ssyncadd.s32 $0xFFFFF000  }
0xa1: {  	_ =	swait.ge [sflag:s17], $0x900  }
0xa2: {  	[sflag:s17] =	ssyncset.done $0x0  }
0xa3: {  	s2 =	simm.s32 $0x6480;
	[sflag:s17] =	ssyncadd.s32 $0xFFFFF700  }
0xa4: {  	v1 =	vld [tilespmem:s2+$0xFFFFFF80]  }
0xa5: {  	v2 =	vld [tilespmem:s2+$0xFFFFFF90]  }
0xa6: {  	v3 =	vld [tilespmem:s2+$0xFFFFFFA0]  }
0xa7: {  	v4 =	vld [tilespmem:s2+$0xFFFFFFB0]  }
0xa8: {  	v5 =	vld [tilespmem:s2+$0xFFFFFFC0]  }
0xa9: {  	v7 =	vimm.bf16 $0.0e+00;
	v6 =	vld [tilespmem:s2+$0xFFFFFFD0]  }
0xaa: {  	v8 =	vld [tilespmem:s2+$0xFFFFFFE0];
	v1 =	vadd.bf16 v1, v7;
	v2 =	vadd.bf16 v2, v7  }
0xab: {  	v7 =	vld [tilespmem:s2+$0xFFFFFFF0]  }
0xac: {  	v9 =	vld [tilespmem:s2+$0x0];
	v3 =	vadd.bf16 v3, v1;
	v2 =	vadd.bf16 v4, v2  }
0xad: {  	v10 =	vld [tilespmem:s2+$0x10]  }
0xae: {  	v1 =	vld [tilespmem:s2+$0x20];
	v3 =	vadd.bf16 v5, v3;
	v5 =	vadd.bf16 v6, v2  }
0xaf: {  	v4 =	vld [tilespmem:s2+$0x30]  }
0xb0: {  	v2 =	vld [tilespmem:s2+$0x40];
	v6 =	vadd.bf16 v8, v3;
	v8 =	vadd.bf16 v7, v5  }
0xb1: {  	v5 =	vld [tilespmem:s2+$0x50]  }
0xb2: {  	v3 =	vld [tilespmem:s2+$0x60];
	v7 =	vadd.bf16 v9, v6;
	v8 =	vadd.bf16 v10, v8  }
0xb3: {  	s31 =	simm.s32 $0x0;
	s0 =	simm.s32 $0x6580;
	v6 =	vld [tilespmem:s2+$0x70]  }
.LBB2_8:
0xb4: {  	v9 =	vld [tilespmem:s0+$0xFFFFFF80];
	v1 =	vadd.bf16 v1, v7;
	v4 =	vadd.bf16 v4, v8  }
0xb5: {  	s31 =	sadd.s32 $0x8, s31;
	v7 =	vld [tilespmem:s0+$0xFFFFFF90]  }
0xb6: {  	p1 =	slt.u32 s31, $0xC0;
	v8 =	vld [tilespmem:s0+$0xFFFFFFA0];
	v1 =	vadd.bf16 v2, v1;
	v2 =	vadd.bf16 v5, v4  }
0xb7: {  	v4 =	vld [tilespmem:s0+$0xFFFFFFB0]  }
0xb8: {  	v5 =	vld [tilespmem:s0+$0xFFFFFFC0];
	v1 =	vadd.bf16 v3, v1;
	v2 =	vadd.bf16 v6, v2  }
0xb9: {  	v3 =	vld [tilespmem:s0+$0xFFFFFFD0]  }
0xba: {  	v1 =	vadd.bf16 v9, v1;
	v2 =	vadd.bf16 v7, v2;
	v6 =	vld [tilespmem:s0+$0xFFFFFFE0]  }
0xbb: {  	v7 =	vld [tilespmem:s0+$0xFFFFFFF0]  }
0xbc: {  	v1 =	vadd.bf16 v8, v1;
	v2 =	vadd.bf16 v4, v2;
	v8 =	vld [tilespmem:s0+$0x0]  }
0xbd: {  	v9 =	vld [tilespmem:s0+$0x10]  }
0xbe: {  	v5 =	vadd.bf16 v5, v1;
	v2 =	vadd.bf16 v3, v2;
	v1 =	vld [tilespmem:s0+$0x20]  }
.Ltmp2:
0xbf: {  	v4 =	vld [tilespmem:s0+$0x30];
	(pc) =	sbr.rel @p1 .LBB2_8-.Ltmp2, $4  }
0xc0: {  	v3 =	vadd.bf16 v6, v5;
	v6 =	vadd.bf16 v7, v2;
	v2 =	vld [tilespmem:s0+$0x40]  }
0xc1: {  	v5 =	vld [tilespmem:s0+$0x50]  }
0xc2: {  	v7 =	vadd.bf16 v8, v3;
	v8 =	vadd.bf16 v9, v6;
	v3 =	vld [tilespmem:s0+$0x60]  }
0xc3: {  	v6 =	vld [tilespmem:s0+$0x70];
	s0 =	sadd.s32 $0x100, s0  }
0xc4: {  	v1 =	vadd.bf16 v1, v7  }
0xc5: {  	v4 =	vadd.bf16 v4, v8  }
0xc6: {  	v1 =	vadd.bf16 v2, v1  }
0xc7: {  	v2 =	vadd.bf16 v5, v4  }
0xc8: {  	v1 =	vadd.bf16 v3, v1  }
0xc9: {  	v2 =	vadd.bf16 v6, v2  }
0xca: {  	v1 =	vmul.bf16 v0, v1  }
0xcb: {  	v2 =	vmul.bf16 v0, v2  }
0xcc: {  	[tilespmem:s30+$0xFA40] =	vst v1  }
0xcd: {  	s0 =	sadd.s32 @!p0 $0x7D0, s29;
	s2 =	simm.s32 @!p0 $0x80;
	s31 =	simm.s32 @!p0 $0x6400;
	[tilespmem:s30+$0xFA50] =	vst v2  }
0xce: {  	[tilespmem:s31], [sflag:$0x3] =	stream.indirect.gather @!p0 [hbm4b:s4+s2], $0x20, s0, s2, $0xb8;
	[tilespmem:$0x10200] =	vst v63  }
0xcf: {  	s0 =	sadd.s32 @!p0 $0x850, s29;
	s2 =	simm.s32 @!p0 $0x48;
	s31 =	simm.s32 @!p0 $0x7400  }
0xd0: {  	[tilespmem:s31], [sflag:$0x3] =	stream.indirect.gather @!p0 [hbm4b:s4+s2], $0x20, s0, s2, $0xb8;
	[tilespmem:$0x10200] =	vst v63  }
0xd1: {  	_ =	swait.ge [sflag:s18], $0x1000  }
0xd2: {  	[sflag:s18] =	ssyncset.done $0x0  }
0xd3: {  	[sflag:s18] =	ssyncadd.s32 $0xFFFFF000  }
0xd4: {  	_ =	swait.ge [sflag:s18], $0x900  }
0xd5: {  	[sflag:s18] =	ssyncset.done $0x0  }
0xd6: {  	s2 =	simm.s32 $0x7D80;
	[sflag:s18] =	ssyncadd.s32 $0xFFFFF700  }
0xd7: {  	v1 =	vld [tilespmem:s2+$0xFFFFFF80]  }
0xd8: {  	v2 =	vld [tilespmem:s2+$0xFFFFFF90]  }
0xd9: {  	v3 =	vld [tilespmem:s2+$0xFFFFFFA0]  }
0xda: {  	v4 =	vld [tilespmem:s2+$0xFFFFFFB0]  }
0xdb: {  	v5 =	vld [tilespmem:s2+$0xFFFFFFC0]  }
0xdc: {  	v7 =	vimm.bf16 $0.0e+00;
	v6 =	vld [tilespmem:s2+$0xFFFFFFD0]  }
0xdd: {  	v8 =	vld [tilespmem:s2+$0xFFFFFFE0];
	v1 =	vadd.bf16 v1, v7;
	v2 =	vadd.bf16 v2, v7  }
0xde: {  	v7 =	vld [tilespmem:s2+$0xFFFFFFF0]  }
0xdf: {  	v9 =	vld [tilespmem:s2+$0x0];
	v3 =	vadd.bf16 v3, v1;
	v2 =	vadd.bf16 v4, v2  }
0xe0: {  	v10 =	vld [tilespmem:s2+$0x10]  }
0xe1: {  	v1 =	vld [tilespmem:s2+$0x20];
	v3 =	vadd.bf16 v5, v3;
	v5 =	vadd.bf16 v6, v2  }
0xe2: {  	v4 =	vld [tilespmem:s2+$0x30]  }
0xe3: {  	v2 =	vld [tilespmem:s2+$0x40];
	v6 =	vadd.bf16 v8, v3;
	v8 =	vadd.bf16 v7, v5  }
0xe4: {  	v5 =	vld [tilespmem:s2+$0x50]  }
0xe5: {  	v3 =	vld [tilespmem:s2+$0x60];
	v7 =	vadd.bf16 v9, v6;
	v8 =	vadd.bf16 v10, v8  }
0xe6: {  	s31 =	simm.s32 $0x0;
	s0 =	simm.s32 $0x7E80;
	v6 =	vld [tilespmem:s2+$0x70]  }
.LBB2_10:
0xe7: {  	v9 =	vld [tilespmem:s0+$0xFFFFFF80];
	v1 =	vadd.bf16 v1, v7;
	v4 =	vadd.bf16 v4, v8  }
0xe8: {  	s31 =	sadd.s32 $0x8, s31;
	v7 =	vld [tilespmem:s0+$0xFFFFFF90]  }
0xe9: {  	p1 =	slt.u32 s31, $0xC0;
	v8 =	vld [tilespmem:s0+$0xFFFFFFA0];
	v1 =	vadd.bf16 v2, v1;
	v2 =	vadd.bf16 v5, v4  }
0xea: {  	v4 =	vld [tilespmem:s0+$0xFFFFFFB0]  }
0xeb: {  	v5 =	vld [tilespmem:s0+$0xFFFFFFC0];
	v1 =	vadd.bf16 v3, v1;
	v2 =	vadd.bf16 v6, v2  }
0xec: {  	v3 =	vld [tilespmem:s0+$0xFFFFFFD0]  }
0xed: {  	v1 =	vadd.bf16 v9, v1;
	v2 =	vadd.bf16 v7, v2;
	v6 =	vld [tilespmem:s0+$0xFFFFFFE0]  }
0xee: {  	v7 =	vld [tilespmem:s0+$0xFFFFFFF0]  }
0xef: {  	v1 =	vadd.bf16 v8, v1;
	v2 =	vadd.bf16 v4, v2;
	v8 =	vld [tilespmem:s0+$0x0]  }
0xf0: {  	v9 =	vld [tilespmem:s0+$0x10]  }
0xf1: {  	v5 =	vadd.bf16 v5, v1;
	v2 =	vadd.bf16 v3, v2;
	v1 =	vld [tilespmem:s0+$0x20]  }
.Ltmp3:
0xf2: {  	v4 =	vld [tilespmem:s0+$0x30];
	(pc) =	sbr.rel @p1 .LBB2_10-.Ltmp3, $4  }
0xf3: {  	v3 =	vadd.bf16 v6, v5;
	v6 =	vadd.bf16 v7, v2;
	v2 =	vld [tilespmem:s0+$0x40]  }
0xf4: {  	v5 =	vld [tilespmem:s0+$0x50]  }
0xf5: {  	v7 =	vadd.bf16 v8, v3;
	v8 =	vadd.bf16 v9, v6;
	v3 =	vld [tilespmem:s0+$0x60]  }
0xf6: {  	v6 =	vld [tilespmem:s0+$0x70];
	s0 =	sadd.s32 $0x100, s0  }
0xf7: {  	v1 =	vadd.bf16 v1, v7  }
0xf8: {  	v4 =	vadd.bf16 v4, v8  }
0xf9: {  	v1 =	vadd.bf16 v2, v1  }
0xfa: {  	v2 =	vadd.bf16 v5, v4  }
0xfb: {  	v1 =	vadd.bf16 v3, v1  }
0xfc: {  	v2 =	vadd.bf16 v6, v2  }
0xfd: {  	v1 =	vmul.bf16 v0, v1  }
0xfe: {  	v2 =	vmul.bf16 v0, v2  }
0xff: {  	[tilespmem:s30+$0xFA60] =	vst v1  }
0x100: {  	s0 =	sadd.s32 @!p0 $0x898, s29;
	s2 =	simm.s32 @!p0 $0x80;
	s31 =	simm.s32 @!p0 $0x7D00;
	[tilespmem:s30+$0xFA70] =	vst v2  }
0x101: {  	[tilespmem:s31], [sflag:$0x4] =	stream.indirect.gather @!p0 [hbm4b:s4+s2], $0x20, s0, s2, $0xb8;
	[tilespmem:$0x10200] =	vst v63  }
0x102: {  	s0 =	sadd.s32 @!p0 $0x918, s29;
	s2 =	simm.s32 @!p0 $0x48;
	s31 =	simm.s32 @!p0 $0x8D00  }
0x103: {  	[tilespmem:s31], [sflag:$0x4] =	stream.indirect.gather @!p0 [hbm4b:s4+s2], $0x20, s0, s2, $0xb8;
	[tilespmem:$0x10200] =	vst v63  }
0x104: {  	_ =	swait.ge [sflag:s19], $0x1000  }
0x105: {  	[sflag:s19] =	ssyncset.done $0x0  }
0x106: {  	[sflag:s19] =	ssyncadd.s32 $0xFFFFF000  }
0x107: {  	_ =	swait.ge [sflag:s19], $0x900  }
0x108: {  	[sflag:s19] =	ssyncset.done $0x0  }
0x109: {  	s2 =	simm.s32 $0x9680;
	[sflag:s19] =	ssyncadd.s32 $0xFFFFF700  }
0x10a: {  	v1 =	vld [tilespmem:s2+$0xFFFFFF80]  }
0x10b: {  	v2 =	vld [tilespmem:s2+$0xFFFFFF90]  }
0x10c: {  	v3 =	vld [tilespmem:s2+$0xFFFFFFA0]  }
0x10d: {  	v4 =	vld [tilespmem:s2+$0xFFFFFFB0]  }
0x10e: {  	v5 =	vld [tilespmem:s2+$0xFFFFFFC0]  }
0x10f: {  	v7 =	vimm.bf16 $0.0e+00;
	v6 =	vld [tilespmem:s2+$0xFFFFFFD0]  }
0x110: {  	v8 =	vld [tilespmem:s2+$0xFFFFFFE0];
	v1 =	vadd.bf16 v1, v7;
	v2 =	vadd.bf16 v2, v7  }
0x111: {  	v7 =	vld [tilespmem:s2+$0xFFFFFFF0]  }
0x112: {  	v9 =	vld [tilespmem:s2+$0x0];
	v3 =	vadd.bf16 v3, v1;
	v2 =	vadd.bf16 v4, v2  }
0x113: {  	v10 =	vld [tilespmem:s2+$0x10]  }
0x114: {  	v1 =	vld [tilespmem:s2+$0x20];
	v3 =	vadd.bf16 v5, v3;
	v5 =	vadd.bf16 v6, v2  }
0x115: {  	v4 =	vld [tilespmem:s2+$0x30]  }
0x116: {  	v2 =	vld [tilespmem:s2+$0x40];
	v6 =	vadd.bf16 v8, v3;
	v8 =	vadd.bf16 v7, v5  }
0x117: {  	v5 =	vld [tilespmem:s2+$0x50]  }
0x118: {  	v3 =	vld [tilespmem:s2+$0x60];
	v7 =	vadd.bf16 v9, v6;
	v8 =	vadd.bf16 v10, v8  }
0x119: {  	s31 =	simm.s32 $0x0;
	s0 =	simm.s32 $0x9780;
	v6 =	vld [tilespmem:s2+$0x70]  }
.LBB2_12:
0x11a: {  	v9 =	vld [tilespmem:s0+$0xFFFFFF80];
	v1 =	vadd.bf16 v1, v7;
	v4 =	vadd.bf16 v4, v8  }
0x11b: {  	s31 =	sadd.s32 $0x8, s31;
	v7 =	vld [tilespmem:s0+$0xFFFFFF90]  }
0x11c: {  	p1 =	slt.u32 s31, $0xC0;
	v8 =	vld [tilespmem:s0+$0xFFFFFFA0];
	v1 =	vadd.bf16 v2, v1;
	v2 =	vadd.bf16 v5, v4  }
0x11d: {  	v4 =	vld [tilespmem:s0+$0xFFFFFFB0]  }
0x11e: {  	v5 =	vld [tilespmem:s0+$0xFFFFFFC0];
	v1 =	vadd.bf16 v3, v1;
	v2 =	vadd.bf16 v6, v2  }
0x11f: {  	v3 =	vld [tilespmem:s0+$0xFFFFFFD0]  }
0x120: {  	v1 =	vadd.bf16 v9, v1;
	v2 =	vadd.bf16 v7, v2;
	v6 =	vld [tilespmem:s0+$0xFFFFFFE0]  }
0x121: {  	v7 =	vld [tilespmem:s0+$0xFFFFFFF0]  }
0x122: {  	v1 =	vadd.bf16 v8, v1;
	v2 =	vadd.bf16 v4, v2;
	v8 =	vld [tilespmem:s0+$0x0]  }
0x123: {  	v9 =	vld [tilespmem:s0+$0x10]  }
0x124: {  	v5 =	vadd.bf16 v5, v1;
	v2 =	vadd.bf16 v3, v2;
	v1 =	vld [tilespmem:s0+$0x20]  }
.Ltmp4:
0x125: {  	v4 =	vld [tilespmem:s0+$0x30];
	(pc) =	sbr.rel @p1 .LBB2_12-.Ltmp4, $4  }
0x126: {  	v3 =	vadd.bf16 v6, v5;
	v6 =	vadd.bf16 v7, v2;
	v2 =	vld [tilespmem:s0+$0x40]  }
0x127: {  	v5 =	vld [tilespmem:s0+$0x50]  }
0x128: {  	v7 =	vadd.bf16 v8, v3;
	v8 =	vadd.bf16 v9, v6;
	v3 =	vld [tilespmem:s0+$0x60]  }
0x129: {  	v6 =	vld [tilespmem:s0+$0x70];
	s0 =	sadd.s32 $0x100, s0  }
0x12a: {  	v1 =	vadd.bf16 v1, v7  }
0x12b: {  	v4 =	vadd.bf16 v4, v8  }
0x12c: {  	v1 =	vadd.bf16 v2, v1  }
0x12d: {  	v2 =	vadd.bf16 v5, v4  }
0x12e: {  	v1 =	vadd.bf16 v3, v1  }
0x12f: {  	v2 =	vadd.bf16 v6, v2  }
0x130: {  	v1 =	vmul.bf16 v0, v1  }
0x131: {  	v2 =	vmul.bf16 v0, v2  }
0x132: {  	[tilespmem:s30+$0xFA80] =	vst v1  }
0x133: {  	s0 =	sadd.s32 @!p0 $0x960, s29;
	s2 =	simm.s32 @!p0 $0x80;
	s31 =	simm.s32 @!p0 $0x9600;
	[tilespmem:s30+$0xFA90] =	vst v2  }
0x134: {  	[tilespmem:s31], [sflag:$0x5] =	stream.indirect.gather @!p0 [hbm4b:s4+s2], $0x20, s0, s2, $0xb8;
	[tilespmem:$0x10200] =	vst v63  }
0x135: {  	s0 =	sadd.s32 @!p0 $0x9E0, s29;
	s2 =	simm.s32 @!p0 $0x48;
	s31 =	simm.s32 @!p0 $0xA600  }
0x136: {  	[tilespmem:s31], [sflag:$0x5] =	stream.indirect.gather @!p0 [hbm4b:s4+s2], $0x20, s0, s2, $0xb8;
	[tilespmem:$0x10200] =	vst v63  }
0x137: {  	_ =	swait.ge [sflag:s20], $0x1000  }
0x138: {  	[sflag:s20] =	ssyncset.done $0x0  }
0x139: {  	[sflag:s20] =	ssyncadd.s32 $0xFFFFF000  }
0x13a: {  	_ =	swait.ge [sflag:s20], $0x900  }
0x13b: {  	[sflag:s20] =	ssyncset.done $0x0  }
0x13c: {  	s2 =	simm.s32 $0xAF80;
	[sflag:s20] =	ssyncadd.s32 $0xFFFFF700  }
0x13d: {  	v1 =	vld [tilespmem:s2+$0xFFFFFF80]  }
0x13e: {  	v2 =	vld [tilespmem:s2+$0xFFFFFF90]  }
0x13f: {  	v3 =	vld [tilespmem:s2+$0xFFFFFFA0]  }
0x140: {  	v4 =	vld [tilespmem:s2+$0xFFFFFFB0]  }
0x141: {  	v5 =	vld [tilespmem:s2+$0xFFFFFFC0]  }
0x142: {  	v7 =	vimm.bf16 $0.0e+00;
	v6 =	vld [tilespmem:s2+$0xFFFFFFD0]  }
0x143: {  	v8 =	vld [tilespmem:s2+$0xFFFFFFE0];
	v1 =	vadd.bf16 v1, v7;
	v2 =	vadd.bf16 v2, v7  }
0x144: {  	v7 =	vld [tilespmem:s2+$0xFFFFFFF0]  }
0x145: {  	v9 =	vld [tilespmem:s2+$0x0];
	v3 =	vadd.bf16 v3, v1;
	v2 =	vadd.bf16 v4, v2  }
0x146: {  	v10 =	vld [tilespmem:s2+$0x10]  }
0x147: {  	v1 =	vld [tilespmem:s2+$0x20];
	v3 =	vadd.bf16 v5, v3;
	v5 =	vadd.bf16 v6, v2  }
0x148: {  	v4 =	vld [tilespmem:s2+$0x30]  }
0x149: {  	v2 =	vld [tilespmem:s2+$0x40];
	v6 =	vadd.bf16 v8, v3;
	v8 =	vadd.bf16 v7, v5  }
0x14a: {  	v5 =	vld [tilespmem:s2+$0x50]  }
0x14b: {  	v3 =	vld [tilespmem:s2+$0x60];
	v7 =	vadd.bf16 v9, v6;
	v8 =	vadd.bf16 v10, v8  }
0x14c: {  	s31 =	simm.s32 $0x0;
	s0 =	simm.s32 $0xB080;
	v6 =	vld [tilespmem:s2+$0x70]  }
.LBB2_14:
0x14d: {  	v9 =	vld [tilespmem:s0+$0xFFFFFF80];
	v1 =	vadd.bf16 v1, v7;
	v4 =	vadd.bf16 v4, v8  }
0x14e: {  	s31 =	sadd.s32 $0x8, s31;
	v7 =	vld [tilespmem:s0+$0xFFFFFF90]  }
0x14f: {  	p1 =	slt.u32 s31, $0xC0;
	v8 =	vld [tilespmem:s0+$0xFFFFFFA0];
	v1 =	vadd.bf16 v2, v1;
	v2 =	vadd.bf16 v5, v4  }
0x150: {  	v4 =	vld [tilespmem:s0+$0xFFFFFFB0]  }
0x151: {  	v5 =	vld [tilespmem:s0+$0xFFFFFFC0];
	v1 =	vadd.bf16 v3, v1;
	v2 =	vadd.bf16 v6, v2  }
0x152: {  	v3 =	vld [tilespmem:s0+$0xFFFFFFD0]  }
0x153: {  	v1 =	vadd.bf16 v9, v1;
	v2 =	vadd.bf16 v7, v2;
	v6 =	vld [tilespmem:s0+$0xFFFFFFE0]  }
0x154: {  	v7 =	vld [tilespmem:s0+$0xFFFFFFF0]  }
0x155: {  	v1 =	vadd.bf16 v8, v1;
	v2 =	vadd.bf16 v4, v2;
	v8 =	vld [tilespmem:s0+$0x0]  }
0x156: {  	v9 =	vld [tilespmem:s0+$0x10]  }
0x157: {  	v5 =	vadd.bf16 v5, v1;
	v2 =	vadd.bf16 v3, v2;
	v1 =	vld [tilespmem:s0+$0x20]  }
.Ltmp5:
0x158: {  	v4 =	vld [tilespmem:s0+$0x30];
	(pc) =	sbr.rel @p1 .LBB2_14-.Ltmp5, $4  }
0x159: {  	v3 =	vadd.bf16 v6, v5;
	v6 =	vadd.bf16 v7, v2;
	v2 =	vld [tilespmem:s0+$0x40]  }
0x15a: {  	v5 =	vld [tilespmem:s0+$0x50]  }
0x15b: {  	v7 =	vadd.bf16 v8, v3;
	v8 =	vadd.bf16 v9, v6;
	v3 =	vld [tilespmem:s0+$0x60]  }
0x15c: {  	v6 =	vld [tilespmem:s0+$0x70];
	s0 =	sadd.s32 $0x100, s0  }
0x15d: {  	v1 =	vadd.bf16 v1, v7  }
0x15e: {  	v4 =	vadd.bf16 v4, v8  }
0x15f: {  	v1 =	vadd.bf16 v2, v1  }
0x160: {  	v2 =	vadd.bf16 v5, v4  }
0x161: {  	v1 =	vadd.bf16 v3, v1  }
0x162: {  	v2 =	vadd.bf16 v6, v2  }
0x163: {  	v1 =	vmul.bf16 v0, v1  }
0x164: {  	v2 =	vmul.bf16 v0, v2  }
0x165: {  	[tilespmem:s30+$0xFAA0] =	vst v1  }
0x166: {  	s0 =	sadd.s32 @!p0 $0xA28, s29;
	s2 =	simm.s32 @!p0 $0x80;
	s31 =	simm.s32 @!p0 $0xAF00;
	[tilespmem:s30+$0xFAB0] =	vst v2  }
0x167: {  	[tilespmem:s31], [sflag:$0x6] =	stream.indirect.gather @!p0 [hbm4b:s4+s2], $0x20, s0, s2, $0xb8;
	[tilespmem:$0x10200] =	vst v63  }
0x168: {  	s0 =	sadd.s32 @!p0 $0xAA8, s29;
	s2 =	simm.s32 @!p0 $0x48;
	s31 =	simm.s32 @!p0 $0xBF00  }
0x169: {  	[tilespmem:s31], [sflag:$0x6] =	stream.indirect.gather @!p0 [hbm4b:s4+s2], $0x20, s0, s2, $0xb8;
	[tilespmem:$0x10200] =	vst v63  }
0x16a: {  	_ =	swait.ge [sflag:s21], $0x1000  }
0x16b: {  	[sflag:s21] =	ssyncset.done $0x0  }
0x16c: {  	[sflag:s21] =	ssyncadd.s32 $0xFFFFF000  }
0x16d: {  	_ =	swait.ge [sflag:s21], $0x900  }
0x16e: {  	[sflag:s21] =	ssyncset.done $0x0  }
0x16f: {  	s2 =	simm.s32 $0xC880;
	[sflag:s21] =	ssyncadd.s32 $0xFFFFF700  }
0x170: {  	v1 =	vld [tilespmem:s2+$0xFFFFFF80]  }
0x171: {  	v2 =	vld [tilespmem:s2+$0xFFFFFF90]  }
0x172: {  	v3 =	vld [tilespmem:s2+$0xFFFFFFA0]  }
0x173: {  	v4 =	vld [tilespmem:s2+$0xFFFFFFB0]  }
0x174: {  	v5 =	vld [tilespmem:s2+$0xFFFFFFC0]  }
0x175: {  	v7 =	vimm.bf16 $0.0e+00;
	v6 =	vld [tilespmem:s2+$0xFFFFFFD0]  }
0x176: {  	v8 =	vld [tilespmem:s2+$0xFFFFFFE0];
	v1 =	vadd.bf16 v1, v7;
	v2 =	vadd.bf16 v2, v7  }
0x177: {  	v7 =	vld [tilespmem:s2+$0xFFFFFFF0]  }
0x178: {  	v9 =	vld [tilespmem:s2+$0x0];
	v3 =	vadd.bf16 v3, v1;
	v2 =	vadd.bf16 v4, v2  }
0x179: {  	v10 =	vld [tilespmem:s2+$0x10]  }
0x17a: {  	v1 =	vld [tilespmem:s2+$0x20];
	v3 =	vadd.bf16 v5, v3;
	v5 =	vadd.bf16 v6, v2  }
0x17b: {  	v4 =	vld [tilespmem:s2+$0x30]  }
0x17c: {  	v2 =	vld [tilespmem:s2+$0x40];
	v6 =	vadd.bf16 v8, v3;
	v8 =	vadd.bf16 v7, v5  }
0x17d: {  	v5 =	vld [tilespmem:s2+$0x50]  }
0x17e: {  	v3 =	vld [tilespmem:s2+$0x60];
	v7 =	vadd.bf16 v9, v6;
	v8 =	vadd.bf16 v10, v8  }
0x17f: {  	s31 =	simm.s32 $0x0;
	s0 =	simm.s32 $0xC980;
	v6 =	vld [tilespmem:s2+$0x70]  }
.LBB2_16:
0x180: {  	v9 =	vld [tilespmem:s0+$0xFFFFFF80];
	v1 =	vadd.bf16 v1, v7;
	v4 =	vadd.bf16 v4, v8  }
0x181: {  	s31 =	sadd.s32 $0x8, s31;
	v7 =	vld [tilespmem:s0+$0xFFFFFF90]  }
0x182: {  	p1 =	slt.u32 s31, $0xC0;
	v8 =	vld [tilespmem:s0+$0xFFFFFFA0];
	v1 =	vadd.bf16 v2, v1;
	v2 =	vadd.bf16 v5, v4  }
0x183: {  	v4 =	vld [tilespmem:s0+$0xFFFFFFB0]  }
0x184: {  	v5 =	vld [tilespmem:s0+$0xFFFFFFC0];
	v1 =	vadd.bf16 v3, v1;
	v2 =	vadd.bf16 v6, v2  }
0x185: {  	v3 =	vld [tilespmem:s0+$0xFFFFFFD0]  }
0x186: {  	v1 =	vadd.bf16 v9, v1;
	v2 =	vadd.bf16 v7, v2;
	v6 =	vld [tilespmem:s0+$0xFFFFFFE0]  }
0x187: {  	v7 =	vld [tilespmem:s0+$0xFFFFFFF0]  }
0x188: {  	v1 =	vadd.bf16 v8, v1;
	v2 =	vadd.bf16 v4, v2;
	v8 =	vld [tilespmem:s0+$0x0]  }
0x189: {  	v9 =	vld [tilespmem:s0+$0x10]  }
0x18a: {  	v5 =	vadd.bf16 v5, v1;
	v2 =	vadd.bf16 v3, v2;
	v1 =	vld [tilespmem:s0+$0x20]  }
.Ltmp6:
0x18b: {  	v4 =	vld [tilespmem:s0+$0x30];
	(pc) =	sbr.rel @p1 .LBB2_16-.Ltmp6, $4  }
0x18c: {  	v3 =	vadd.bf16 v6, v5;
	v6 =	vadd.bf16 v7, v2;
	v2 =	vld [tilespmem:s0+$0x40]  }
0x18d: {  	v5 =	vld [tilespmem:s0+$0x50]  }
0x18e: {  	v7 =	vadd.bf16 v8, v3;
	v8 =	vadd.bf16 v9, v6;
	v3 =	vld [tilespmem:s0+$0x60]  }
0x18f: {  	v6 =	vld [tilespmem:s0+$0x70];
	s0 =	sadd.s32 $0x100, s0  }
0x190: {  	v1 =	vadd.bf16 v1, v7  }
0x191: {  	v4 =	vadd.bf16 v4, v8  }
0x192: {  	v1 =	vadd.bf16 v2, v1  }
0x193: {  	v2 =	vadd.bf16 v5, v4  }
0x194: {  	v1 =	vadd.bf16 v3, v1  }
0x195: {  	v2 =	vadd.bf16 v6, v2  }
0x196: {  	v1 =	vmul.bf16 v0, v1  }
0x197: {  	v2 =	vmul.bf16 v0, v2  }
0x198: {  	[tilespmem:s30+$0xFAC0] =	vst v1  }
0x199: {  	s0 =	sadd.s32 @!p0 $0xAF0, s29;
	s2 =	simm.s32 @!p0 $0x80;
	[tilespmem:s30+$0xFAD0] =	vst v2;
	s30 =	simm.s32 @!p0 $0xC800  }
0x19a: {  	[tilespmem:s30], [sflag:$0x7] =	stream.indirect.gather @!p0 [hbm4b:s4+s2], $0x20, s0, s2, $0xb8;
	[tilespmem:$0x10200] =	vst v63  }
0x19b: {  	s0 =	sadd.s32 @!p0 $0xB70, s29;
	s2 =	simm.s32 @!p0 $0x48;
	s29 =	simm.s32 @!p0 $0xD800  }
0x19c: {  	[tilespmem:s29], [sflag:$0x7] =	stream.indirect.gather @!p0 [hbm4b:s4+s2], $0x20, s0, s2, $0xb8;
	[tilespmem:$0x10200] =	vst v63  }
0x19d: {  	_ =	swait.ge [sflag:s22], $0x1000  }
0x19e: {  	[sflag:s22] =	ssyncset.done $0x0  }
0x19f: {  	[sflag:s22] =	ssyncadd.s32 $0xFFFFF000  }
0x1a0: {  	_ =	swait.ge [sflag:s22], $0x900  }
0x1a1: {  	[sflag:s22] =	ssyncset.done $0x0  }
0x1a2: {  	s31 =	simm.s32 $0xE180;
	[sflag:s22] =	ssyncadd.s32 $0xFFFFF700  }
0x1a3: {  	v1 =	vld [tilespmem:s31+$0xFFFFFF80]  }
0x1a4: {  	v2 =	vld [tilespmem:s31+$0xFFFFFF90]  }
0x1a5: {  	v3 =	vld [tilespmem:s31+$0xFFFFFFA0]  }
0x1a6: {  	v4 =	vld [tilespmem:s31+$0xFFFFFFB0]  }
0x1a7: {  	v5 =	vld [tilespmem:s31+$0xFFFFFFC0]  }
0x1a8: {  	v7 =	vimm.bf16 $0.0e+00;
	v6 =	vld [tilespmem:s31+$0xFFFFFFD0]  }
0x1a9: {  	v8 =	vld [tilespmem:s31+$0xFFFFFFE0];
	v1 =	vadd.bf16 v1, v7;
	v2 =	vadd.bf16 v2, v7  }
0x1aa: {  	v7 =	vld [tilespmem:s31+$0xFFFFFFF0]  }
0x1ab: {  	v9 =	vld [tilespmem:s31+$0x0];
	v3 =	vadd.bf16 v3, v1;
	v2 =	vadd.bf16 v4, v2  }
0x1ac: {  	v10 =	vld [tilespmem:s31+$0x10]  }
0x1ad: {  	v1 =	vld [tilespmem:s31+$0x20];
	v3 =	vadd.bf16 v5, v3;
	v5 =	vadd.bf16 v6, v2  }
0x1ae: {  	v4 =	vld [tilespmem:s31+$0x30]  }
0x1af: {  	v2 =	vld [tilespmem:s31+$0x40];
	v6 =	vadd.bf16 v8, v3;
	v8 =	vadd.bf16 v7, v5  }
0x1b0: {  	v5 =	vld [tilespmem:s31+$0x50]  }
0x1b1: {  	v3 =	vld [tilespmem:s31+$0x60];
	v7 =	vadd.bf16 v9, v6;
	v8 =	vadd.bf16 v10, v8  }
0x1b2: {  	s29 =	simm.s32 $0x0;
	s0 =	simm.s32 $0xE280;
	v6 =	vld [tilespmem:s31+$0x70]  }
.LBB2_18:
0x1b3: {  	v9 =	vld [tilespmem:s0+$0xFFFFFF80];
	v1 =	vadd.bf16 v1, v7;
	v4 =	vadd.bf16 v4, v8  }
0x1b4: {  	s29 =	sadd.s32 $0x8, s29;
	v7 =	vld [tilespmem:s0+$0xFFFFFF90]  }
0x1b5: {  	p0 =	slt.u32 s29, $0xC0;
	v8 =	vld [tilespmem:s0+$0xFFFFFFA0];
	v1 =	vadd.bf16 v2, v1;
	v2 =	vadd.bf16 v5, v4  }
0x1b6: {  	v4 =	vld [tilespmem:s0+$0xFFFFFFB0]  }
0x1b7: {  	v5 =	vld [tilespmem:s0+$0xFFFFFFC0];
	v1 =	vadd.bf16 v3, v1;
	v2 =	vadd.bf16 v6, v2  }
0x1b8: {  	v3 =	vld [tilespmem:s0+$0xFFFFFFD0]  }
0x1b9: {  	v1 =	vadd.bf16 v9, v1;
	v2 =	vadd.bf16 v7, v2;
	v6 =	vld [tilespmem:s0+$0xFFFFFFE0]  }
0x1ba: {  	v7 =	vld [tilespmem:s0+$0xFFFFFFF0]  }
0x1bb: {  	v1 =	vadd.bf16 v8, v1;
	v2 =	vadd.bf16 v4, v2;
	v8 =	vld [tilespmem:s0+$0x0]  }
0x1bc: {  	v9 =	vld [tilespmem:s0+$0x10]  }
0x1bd: {  	v5 =	vadd.bf16 v5, v1;
	v2 =	vadd.bf16 v3, v2;
	v1 =	vld [tilespmem:s0+$0x20]  }
.Ltmp7:
0x1be: {  	v4 =	vld [tilespmem:s0+$0x30];
	(pc) =	sbr.rel @p0 .LBB2_18-.Ltmp7, $4  }
0x1bf: {  	v3 =	vadd.bf16 v6, v5;
	v6 =	vadd.bf16 v7, v2;
	v2 =	vld [tilespmem:s0+$0x40]  }
0x1c0: {  	v5 =	vld [tilespmem:s0+$0x50]  }
0x1c1: {  	v7 =	vadd.bf16 v8, v3;
	v8 =	vadd.bf16 v9, v6;
	v3 =	vld [tilespmem:s0+$0x60]  }
0x1c2: {  	v6 =	vld [tilespmem:s0+$0x70];
	s0 =	sadd.s32 $0x100, s0  }
0x1c3: {  	v1 =	vadd.bf16 v1, v7  }
0x1c4: {  	v4 =	vadd.bf16 v4, v8  }
0x1c5: {  	v1 =	vadd.bf16 v2, v1  }
0x1c6: {  	v2 =	vadd.bf16 v5, v4  }
0x1c7: {  	p0 =	sne.s32 s28, $0x8;
	v1 =	vadd.bf16 v3, v1  }
.Ltmp8:
0x1c8: {  	v2 =	vadd.bf16 v6, v2;
	(pc) =	sbr.rel @p0 .LBB2_3-.Ltmp8, $4  }
0x1c9: {  	s0 =	sshll.u32 s26, $0x5;
	v1 =	vmul.bf16 v0, v1  }
0x1ca: {  	s0 =	sand.u32 $0x3FFFFFE0, s0;
	v2 =	vmul.bf16 v0, v2  }
0x1cb: {  	[tilespmem:s0+$0xFA00] =	vst v1  }
0x1cc: {  	[tilespmem:s0+$0xFA10] =	vst v2  }
0x1cd: {  	s24 =	sadd.s32 $0x1, s24  }
0x1ce: {  	s0 =	sshll.u32 s25, $0x2;
	p0 =	sne.s32 s24, $0x8  }
.Ltmp9:
0x1cf: {  	s2 =	simm.s32 $0x0;
	s0 =	sadd.s32 s5, s0;
	(pc) =	sbr.rel @p0 .LBB2_2-.Ltmp9, $4  }
0x1d0: {  	[hbm4b:s0+s2] =	stream.linear.scatter [tilespmem:s23], [sflag:$0x9], $0x800, $0x38;
	[tilespmem:$0x10200] =	vst v63  }
0x1d1: {  	_ =	swait.ge [sflag:s8], $0x800  }
0x1d2: {  	[sflag:s8] =	ssyncset.done $0x0  }
0x1d3: {  	[sflag:s8] =	ssyncadd.s32 $0xFFFFF800  }
0x1d4: {  	s2 =	rddreg [dreg:$0x3]  }
0x1d5: {  	s0 =	rddreg [dreg:$0x2];
	s2 =	sadd.s32 $0x1, s2  }
0x1d6: {  	p0 =	sne.s32 s2, s0  }
.Ltmp10:
0x1d7: {  	_ = 	snop;
	(pc) =	sbr.rel @p0 .LBB2_1-.Ltmp10, $1  }
0x1d8: {  	_ =	sdelay $0x3  }
0x1d9: {  	_ =	sfence.sel $0x180000  }
0x1da: {  	[bflag:$0x0] =	sbarrier.arrive $0xFFFF  }
0x1db: {  	_ =	strace $0x90000047  }
0x1dc: {  	s0 =	stileid.u32;
	[bflag:$0x2] =	sbarrier.arrive $0xFFFF  }
0x1dd: {  	p0 =	sne.s32 s0, $0x0;
	s0 =	rddreg [dreg:$0x1]  }
0x1de: {  	s0 =	sadd.s32 @!p0 $0x100000, s0  }
0x1df: {  	[sflag:s0] =	ssyncadd.tile.s32 @!p0 $0x1;
	_ =	shalt  }
.Lfunc_end2:
_tile_overlayer_lowered:
.L_overlay_start_2:
0x1e0: {  	(tag) =	ssettag $0x2  }
0x1e1: {  	s0 =	rddreg [dreg:$0x0];
	s2 =	stileid.u32  }
0x1e2: {  	s1 =	rddreg [dreg:$0x1];
	p0 =	sne.s32 s2, $0x0  }
0x1e3: {  	s3 =	rddreg [dreg:$0x2];
	[bflag:$0x3] =	sbarrier.arrive $0xFFFF;
	s2 =	simm.s32 @!p0 $0x1C09  }
0x1e4: {  	[timem:s3], [sflag:s2] =	dma.local @!p0 [hbm:s0], s1  }
0x1e5: {  	s0 =	simm.s32 @!p0 $0x9  }
0x1e6: {  	_ =	swait.ge @!p0 [sflag:s0], s1  }
0x1e7: {  	s1 =	ssub.s32 @!p0 $0x0, s1;
	[sflag:s0] =	ssyncset.done @!p0 $0x0  }
0x1e8: {  	[sflag:s0] =	ssyncadd.s32 @!p0 s1  }
0x1e9: {  	[bflag:$0x3] =	sbarrier.arrive $0xFFFF  }
0x1ea: {  	_ =	shalt  }

</sc_bundles>
